<compile_context>
chip_gen: v7x
topology: tpu7x:2x2x1
jax: 0.10.2.dev20260603
libtpu: 0.0.44.dev20260713+nightly
codegen_flags: <defaults>
</compile_context>

<pallas_src>
import functools

import jax
import jax.numpy as jnp
from jax import lax
from jax.experimental import pallas as pl
from jax.experimental.pallas import tpu as pltpu
from jax.experimental.pallas import tpu_sc as plsc

N = 10000
E = 320000
D = 128
HD = D // 2
S = 8

NC = 2
NS = 16
EPT = E // NS
NP = 10240
RPT = NP // NS

CW = 8
_B = 128
_NB = RPT // _B

_SQRT_HALF = 0.7071067811865476



NBUF = 5


def _sc_agg_body(with_cnt, C, x2_hbm, src3_hbm, dst3_hbm, zeros_bd, zeros_n16,
                 ones_c16, acc_hbm, cnt_hbm, src_v, dst_v, rows_v, ones_v,
                 buf_v, cbuf_v, acc_sh, cnt_sh, gsem, ssem, csem, sem):
    NCHUNK = EPT // C
    _NOUTER = NCHUNK // NBUF
    cid = lax.axis_index("c")
    sid = lax.axis_index("s")

    idx_a = pltpu.async_copy(src3_hbm.at[cid, sid], src_v, sem)
    idx_b = pltpu.async_copy(dst3_hbm.at[sid], dst_v, sem)

    pltpu.sync_copy(zeros_bd, buf_v)
    for j in range(_NB):
        pltpu.sync_copy(buf_v, acc_sh.at[pl.ds(sid * RPT + j * _B, _B)])
    if with_cnt:
        pltpu.sync_copy(zeros_n16, cbuf_v)
        pltpu.sync_copy(cbuf_v, cnt_sh.at[pl.ds(sid * RPT, RPT)])
        pltpu.sync_copy(ones_c16, ones_v)
    idx_a.wait()
    idx_b.wait()

    for b in range(NBUF):
        pltpu.async_copy(x2_hbm.at[src_v.at[b]], rows_v.at[b], gsem.at[b])
    plsc.subcore_barrier()

    def outer(i, carry):
        for b in range(NBUF):
            c = i * NBUF + b
            pltpu.make_async_copy(x2_hbm.at[src_v.at[b]], rows_v.at[b],
                                  gsem.at[b]).wait()
            if with_cnt:
                @pl.when(cid == (0 if b < 3 else 1))
                def _():
                    @pl.when(i > 0)
                    def _():
                        pltpu.make_async_copy(ones_v, cnt_sh.at[dst_v.at[c]],
                                              csem.at[b]).wait()
                    pltpu.async_copy(ones_v, cnt_sh.at[dst_v.at[c]],
                                     csem.at[b], add=True)
            pltpu.async_copy(rows_v.at[b], acc_sh.at[dst_v.at[c]],
                             ssem.at[b], add=True)
            @pl.when(i < _NOUTER - 1)
            def _():
                pltpu.make_async_copy(rows_v.at[b], acc_sh.at[dst_v.at[c]],
                                      ssem.at[b]).wait()
                pltpu.async_copy(x2_hbm.at[src_v.at[c + NBUF]], rows_v.at[b],
                                 gsem.at[b])
        return carry

    lax.fori_loop(0, _NOUTER, outer, 0)
    for b in range(NBUF):
        c = (_NOUTER - 1) * NBUF + b
        pltpu.make_async_copy(rows_v.at[b], acc_sh.at[dst_v.at[c]],
                              ssem.at[b]).wait()
        if with_cnt:
            @pl.when(cid == (0 if b < 3 else 1))
            def _():
                pltpu.make_async_copy(ones_v, cnt_sh.at[dst_v.at[c]],
                                      csem.at[b]).wait()
    plsc.subcore_barrier()

    base = cid * NP + sid * RPT
    for j in range(_NB):
        pltpu.sync_copy(acc_sh.at[pl.ds(sid * RPT + j * _B, _B)], buf_v)
        pltpu.sync_copy(buf_v, acc_hbm.at[pl.ds(base + j * _B, _B)])
    if with_cnt:
        pltpu.sync_copy(cnt_sh.at[pl.ds(sid * RPT, RPT)], cbuf_v)
        pltpu.sync_copy(cbuf_v, cnt_hbm.at[pl.ds(base, RPT)])


def _make_sc_agg(with_cnt, C):
    NCHUNK = EPT // C
    out_type = [jax.ShapeDtypeStruct((NC * NP, HD), jnp.bfloat16)]
    if with_cnt:
        out_type.append(jax.ShapeDtypeStruct((NC * NP, CW), jnp.float32))
    mesh = plsc.VectorSubcoreMesh(core_axis_name="c", subcore_axis_name="s",
                                  num_cores=NC, num_subcores=NS)
    if with_cnt:
        body = functools.partial(_sc_agg_body, True, C)
    else:
        def body(x2_hbm, src3_hbm, dst3_hbm, zeros_bd, zeros_n16, ones_c16,
                 acc_hbm, src_v, dst_v, rows_v, ones_v, buf_v, cbuf_v,
                 acc_sh, cnt_sh, gsem, ssem, csem, sem):
            _sc_agg_body(False, C, x2_hbm, src3_hbm, dst3_hbm, zeros_bd,
                         zeros_n16, ones_c16, acc_hbm, None, src_v, dst_v,
                         rows_v, ones_v, buf_v, cbuf_v, acc_sh, cnt_sh,
                         gsem, ssem, csem, sem)
    return pl.kernel(
        body,
        out_type=tuple(out_type) if with_cnt else out_type[0],
        mesh=mesh,
        scratch_types=[
            pltpu.VMEM((NCHUNK, C), jnp.int32),
            pltpu.VMEM((NCHUNK, C), jnp.int32),
            pltpu.VMEM((NBUF, C, HD), jnp.bfloat16),
            pltpu.VMEM((C, CW), jnp.float32),
            pltpu.VMEM((_B, HD), jnp.bfloat16),
            pltpu.VMEM((RPT, CW), jnp.float32),
            pltpu.VMEM_SHARED((NP, HD), jnp.bfloat16),
            pltpu.VMEM_SHARED((NP, CW), jnp.float32),
            pltpu.SemaphoreType.DMA((NBUF,)),
            pltpu.SemaphoreType.DMA((NBUF,)),
            pltpu.SemaphoreType.DMA((NBUF,)),
            pltpu.SemaphoreType.DMA,
        ],
        compiler_params=pltpu.CompilerParams(use_tc_tiling_on_sc=False),
        name="sc_segment_mean" + ("_cnt" if with_cnt else ""),
    )



def _gelu(h):
    return 0.5 * h * (1.0 + lax.erf(h * _SQRT_HALF))


def _dot_t(a, w):
    return lax.dot_general(a, w, (((1,), (1,)), ((), ())),
                           preferred_element_type=jnp.float32)


def _mean_halves(acc_ref, cnt_ref):
    cnt = jnp.maximum(cnt_ref[0][:, :1] + cnt_ref[1][:, :1], 1.0)
    return (acc_ref[0].astype(jnp.float32) / cnt,
            acc_ref[1].astype(jnp.float32) / cnt)


def _combine_body(acc_ref, cnt_ref, x_ref, wll_ref, wlr_ref, bl_ref, wr_ref,
                  out_ref):
    meanl, meanr = _mean_halves(acc_ref, cnt_ref)
    h = (_dot_t(meanl, wll_ref[...]) + _dot_t(meanr, wlr_ref[...])
         + bl_ref[...] + _dot_t(x_ref[...], wr_ref[...]))
    out_ref[...] = _gelu(h)


def _tail_body(acc_ref, cnt_ref, h_ref, wll_ref, wlr_ref, bl_ref, wr_ref,
               wc1_ref, bc1_ref, wc2_ref, bc2_ref, out_ref):
    meanl, meanr = _mean_halves(acc_ref, cnt_ref)
    h = (_dot_t(meanl, wll_ref[...]) + _dot_t(meanr, wlr_ref[...])
         + bl_ref[...] + _dot_t(h_ref[...], wr_ref[...]))
    h = _gelu(h)
    h = _gelu(_dot_t(h, wc1_ref[...]) + bc1_ref[...])
    logits = _dot_t(h, wc2_ref[...]) + bc2_ref[...]
    m = jnp.max(logits, axis=1, keepdims=True)
    e = jnp.exp(logits - m)
    out_ref[...] = e / jnp.sum(e, axis=1, keepdims=True)


_R = 2000
_GRID = N // _R

_full2 = lambda shape: pl.BlockSpec(shape, lambda i: (0, 0))
_acc_spec = pl.BlockSpec((NC, _R, HD), lambda i: (0, i, 0))
_cnt_spec = pl.BlockSpec((NC, _R, CW), lambda i: (0, i, 0))
_row_spec = pl.BlockSpec((_R, D), lambda i: (i, 0))


def _tc_combine(acc, cnt, x, wll, wlr, bl, wr):
    return pl.pallas_call(
        _combine_body,
        grid=(_GRID,),
        in_specs=[_acc_spec, _cnt_spec, _row_spec,
                  _full2((D, HD)), _full2((D, HD)), _full2((1, D)),
                  _full2((D, D))],
        out_specs=_row_spec,
        out_shape=jax.ShapeDtypeStruct((N, D), jnp.float32),
    )(acc, cnt, x, wll, wlr, bl, wr)


def _tc_tail(acc, cnt, h, wll, wlr, bl, wr, wc1, bc1, wc2, bc2):
    return pl.pallas_call(
        _tail_body,
        grid=(_GRID,),
        in_specs=[_acc_spec, _cnt_spec, _row_spec,
                  _full2((D, HD)), _full2((D, HD)), _full2((1, D)),
                  _full2((D, D)), _full2((D, D)), _full2((1, D)),
                  _full2((S, D)), _full2((1, S))],
        out_specs=pl.BlockSpec((_R, S), lambda i: (i, 0)),
        out_shape=jax.ShapeDtypeStruct((N, S), jnp.float32),
    )(acc, cnt, h, wll, wlr, bl, wr, wc1, bc1, wc2, bc2)


C1 = 125
C2 = 125
_sc_agg_cnt = _make_sc_agg(True, C1)
_sc_agg = _make_sc_agg(False, C2)


def kernel(x, edge_index, Wl1, bl1, Wr1, Wl2, bl2, Wr2, Wc1, bc1, Wc2, bc2):
    src = edge_index[0].astype(jnp.int32)
    dst = edge_index[1].astype(jnp.int32)
    src2 = jnp.stack([2 * src, 2 * src + 1])
    src3a = src2.reshape(NC, NS, EPT // C1, C1)
    dst3a = dst.reshape(NS, EPT // C1, C1)
    src3b = src2.reshape(NC, NS, EPT // C2, C2)
    dst3b = dst.reshape(NS, EPT // C2, C2)
    zeros_bd = jnp.zeros((_B, HD), jnp.bfloat16)
    zeros_n16 = jnp.zeros((RPT, CW), jnp.float32)
    ones_c16 = jnp.ones((C1, CW), jnp.float32)

    acc1, cnt = _sc_agg_cnt(x.astype(jnp.bfloat16).reshape(2 * N, HD),
                            src3a, dst3a, zeros_bd, zeros_n16, ones_c16)
    acc1 = acc1.reshape(NC, NP, HD)
    cnt = cnt.reshape(NC, NP, CW)
    h1 = _tc_combine(acc1, cnt, x, Wl1[:, :HD], Wl1[:, HD:],
                     bl1.reshape(1, D), Wr1)

    acc2 = _sc_agg(h1.astype(jnp.bfloat16).reshape(2 * N, HD), src3b, dst3b,
                   zeros_bd, zeros_n16, ones_c16)
    acc2 = acc2.reshape(NC, NP, HD)
    return _tc_tail(acc2, cnt, h1, Wl2[:, :HD], Wl2[:, HD:],
                    bl2.reshape(1, D), Wr2,
                    Wc1, bc1.reshape(1, D), Wc2, bc2.reshape(1, S))

# --- scband reference (transcript-rebuilt; emitter-appended) ---
"""Pipeline reference for scband-partitioner-20349555048507 (READ-ONLY COPY).

The authoritative reference and input builder live on the scoring server;
editing this copy changes nothing except your own understanding.
"""

import jax, jax.numpy as jnp
import numpy as np

N = 10000
E = 320000
D = 128
H = 128
S = 8


def setup_inputs(seed: int = 0) -> dict:
    key = jax.random.key(seed)
    ks = jax.random.split(key, 12)
    x = jax.random.normal(ks[0], (N, D), dtype=jnp.float32)
    edge_index = jax.random.randint(ks[1], (2, E), 0, N)
    def lin(k, fan_out, fan_in):
        s = 1.0 / np.sqrt(fan_in)
        return jax.random.uniform(k, (fan_out, fan_in), jnp.float32, -s, s)
    def bias(k, fan_out, fan_in):
        s = 1.0 / np.sqrt(fan_in)
        return jax.random.uniform(k, (fan_out,), jnp.float32, -s, s)
    return {
        "x": x,
        "edge_index": edge_index,
        "Wl1": lin(ks[2], H, D), "bl1": bias(ks[3], H, D), "Wr1": lin(ks[4], H, D),
        "Wl2": lin(ks[5], H, H), "bl2": bias(ks[6], H, H), "Wr2": lin(ks[7], H, H),
        "Wc1": lin(ks[8], H, H), "bc1": bias(ks[9], H, H),
        "Wc2": lin(ks[10], S, H), "bc2": bias(ks[11], S, H),
    }


def sage_conv(x, edge_index, Wl, bl, Wr):
    # PyG SAGEConv with mean aggregation: lin_l(mean_{j->i} x_j) + lin_r(x_i)
    src = edge_index[0]
    dst = edge_index[1]
    n = x.shape[0]
    msg = jnp.take(x, src, axis=0)                      # gather
    agg = jax.ops.segment_sum(msg, dst, num_segments=n)  # scatter-add
    cnt = jax.ops.segment_sum(jnp.ones((edge_index.shape[1],), x.dtype), dst, num_segments=n)
    mean = agg / jnp.maximum(cnt, 1.0)[:, None]
    return mean @ Wl.T + bl + x @ Wr.T


def reference(x, edge_index, Wl1, bl1, Wr1, Wl2, bl2, Wr2, Wc1, bc1, Wc2, bc2):
    h = sage_conv(x, edge_index, Wl1, bl1, Wr1)
    h = jax.nn.gelu(h, approximate=False)
    h = sage_conv(h, edge_index, Wl2, bl2, Wr2)
    h = jax.nn.gelu(h, approximate=False)
    h = h @ Wc1.T + bc1
    h = jax.nn.gelu(h, approximate=False)
    logits = h @ Wc2.T + bc2
    return jax.nn.softmax(logits, axis=1)

if __name__ == "__main__":
    import jax
    _d = setup_inputs()
    print(jax.jit(kernel)(*tuple(_d.values())))

</pallas_src>

<mosaic_0001>
#map = affine_map<(d0, d1) -> (0, 0)>
#map1 = affine_map<(d0, d1) -> (0, 0, 0, 0)>
#map2 = affine_map<(d0, d1) -> (0, 0, 0)>
module attributes {stable_mosaic.version = 14 : i64} {
  func.func @sc_segment_mean_cnt(%arg0: i32, %arg1: i32, %arg2: memref<20000x64xbf16, #tpu.memory_space<hbm>>, %arg3: memref<2x16x160x125xi32, #tpu.memory_space<hbm>>, %arg4: memref<16x160x125xi32, #tpu.memory_space<hbm>>, %arg5: memref<128x64xbf16, #tpu.memory_space<hbm>>, %arg6: memref<640x8xf32, #tpu.memory_space<hbm>>, %arg7: memref<125x8xf32, #tpu.memory_space<hbm>>, %arg8: memref<20480x64xbf16, #tpu.memory_space<hbm>>, %arg9: memref<20480x8xf32, #tpu.memory_space<hbm>>, %arg10: memref<160x125xi32, #tpu.memory_space<vmem>>, %arg11: memref<160x125xi32, #tpu.memory_space<vmem>>, %arg12: memref<5x125x64xbf16, #tpu.memory_space<vmem>>, %arg13: memref<125x8xf32, #tpu.memory_space<vmem>>, %arg14: memref<128x64xbf16, #tpu.memory_space<vmem>>, %arg15: memref<640x8xf32, #tpu.memory_space<vmem>>, %arg16: memref<10240x64xbf16, #tpu.memory_space<vmem_shared>>, %arg17: memref<10240x8xf32, #tpu.memory_space<vmem_shared>>, %arg18: memref<5x!tpu.dma_semaphore, #tpu.memory_space<semaphore_mem>>, %arg19: memref<5x!tpu.dma_semaphore, #tpu.memory_space<semaphore_mem>>, %arg20: memref<5x!tpu.dma_semaphore, #tpu.memory_space<semaphore_mem>>, %arg21: memref<!tpu.dma_semaphore, #tpu.memory_space<semaphore_mem>>) attributes {dimension_semantics = [#tpu.dimension_semantics<core_parallel>, #tpu.dimension_semantics<subcore_parallel>], iteration_bounds = array<i64: 2, 16>, scalar_prefetch = 0 : i64, scratch_operands = 12 : i64, tpu.core_type = #tpu.core_type<sc_vector_subcore>, window_params = [{transform_indices = #map}, {transform_indices = #map1}, {transform_indices = #map2}, {transform_indices = #map}, {transform_indices = #map}, {transform_indices = #map}, {transform_indices = #map}, {transform_indices = #map}]} {
    %dma_start3A = arith.constant 0 : i32
    %dma_start3A_0 = arith.constant 0 : i32
    %dma_start3A_1 = tpu.memref_slice %arg3[%arg0, %arg1, %dma_start3A, %dma_start3A_0] : memref<2x16x160x125xi32, #tpu.memory_space<hbm>> -> memref<1x1x160x125xi32, #tpu.memory_space<hbm>>
    %dma_start3A_2 = tpu.memref_squeeze %dma_start3A_1 : memref<1x1x160x125xi32, #tpu.memory_space<hbm>> -> memref<160x125xi32, #tpu.memory_space<hbm>>
    %dma_start3A_3 = arith.constant 0 : i32
    %dma_start3A_4 = arith.constant 0 : i32
    %dma_start3A_5 = tpu.memref_slice %arg3[%arg0, %arg1, %dma_start3A_3, %dma_start3A_4] : memref<2x16x160x125xi32, #tpu.memory_space<hbm>> -> memref<1x1x160x125xi32, #tpu.memory_space<hbm>>
    %dma_start3A_6 = tpu.memref_squeeze %dma_start3A_5 : memref<1x1x160x125xi32, #tpu.memory_space<hbm>> -> memref<160x125xi32, #tpu.memory_space<hbm>>
    tpu.enqueue_dma source(%dma_start3A_6 : memref<160x125xi32, #tpu.memory_space<hbm>>) target(%arg10 : memref<160x125xi32, #tpu.memory_space<vmem>>) target_semaphore(%arg21 : memref<!tpu.dma_semaphore, #tpu.memory_space<semaphore_mem>>)
    %dma_start3A_7 = arith.constant 0 : i32
    %dma_start3A_8 = arith.constant 0 : i32
    %dma_start3A_9 = tpu.memref_slice %arg4[%arg1, %dma_start3A_7, %dma_start3A_8] : memref<16x160x125xi32, #tpu.memory_space<hbm>> -> memref<1x160x125xi32, #tpu.memory_space<hbm>>
    %dma_start3A_10 = tpu.memref_squeeze %dma_start3A_9 : memref<1x160x125xi32, #tpu.memory_space<hbm>> -> memref<160x125xi32, #tpu.memory_space<hbm>>
    %dma_start3A_11 = arith.constant 0 : i32
    %dma_start3A_12 = arith.constant 0 : i32
    %dma_start3A_13 = tpu.memref_slice %arg4[%arg1, %dma_start3A_11, %dma_start3A_12] : memref<16x160x125xi32, #tpu.memory_space<hbm>> -> memref<1x160x125xi32, #tpu.memory_space<hbm>>
    %dma_start3A_14 = tpu.memref_squeeze %dma_start3A_13 : memref<1x160x125xi32, #tpu.memory_space<hbm>> -> memref<160x125xi32, #tpu.memory_space<hbm>>
    tpu.enqueue_dma source(%dma_start3A_14 : memref<160x125xi32, #tpu.memory_space<hbm>>) target(%arg11 : memref<160x125xi32, #tpu.memory_space<vmem>>) target_semaphore(%arg21 : memref<!tpu.dma_semaphore, #tpu.memory_space<semaphore_mem>>)
    "tpu.region"() ({
      %run_scoped3A = tpu.sem_alloc : memref<!tpu.dma_semaphore, #tpu.memory_space<semaphore_mem>>
      tpu.enqueue_dma source(%arg5 : memref<128x64xbf16, #tpu.memory_space<hbm>>) target(%arg14 : memref<128x64xbf16, #tpu.memory_space<vmem>>) target_semaphore(%run_scoped3A : memref<!tpu.dma_semaphore, #tpu.memory_space<semaphore_mem>>)
      tpu.wait_dma2 semaphore(%run_scoped3A : memref<!tpu.dma_semaphore, #tpu.memory_space<semaphore_mem>>) src(%arg5 : memref<128x64xbf16, #tpu.memory_space<hbm>>) dst(%arg14 : memref<128x64xbf16, #tpu.memory_space<vmem>>)
      tpu.yield
    }) : () -> ()
    %mul3A = arith.constant 640 : i32
    %mul3A_15 = arith.muli %arg1, %mul3A : i32
    %add3A = arith.constant 0 : i32
    %add3A_16 = arith.addi %mul3A_15, %add3A : i32
    "tpu.region"() ({
      %run_scoped3A = tpu.sem_alloc : memref<!tpu.dma_semaphore, #tpu.memory_space<semaphore_mem>>
      %dma_start3A_265 = arith.constant 0 : i32
      %dma_start3A_266 = tpu.memref_slice %arg16[%add3A_16, %dma_start3A_265] : memref<10240x64xbf16, #tpu.memory_space<vmem_shared>> -> memref<128x64xbf16, #tpu.memory_space<vmem_shared>>
      %dma_start3A_267 = arith.constant 0 : i32
      %dma_start3A_268 = tpu.memref_slice %arg16[%add3A_16, %dma_start3A_267] : memref<10240x64xbf16, #tpu.memory_space<vmem_shared>> -> memref<128x64xbf16, #tpu.memory_space<vmem_shared>>
      tpu.enqueue_dma source(%arg14 : memref<128x64xbf16, #tpu.memory_space<vmem>>) target(%dma_start3A_268 : memref<128x64xbf16, #tpu.memory_space<vmem_shared>>) target_semaphore(%run_scoped3A : memref<!tpu.dma_semaphore, #tpu.memory_space<semaphore_mem>>)
      %dma_wait3A_269 = arith.constant 0 : i32
      %dma_wait3A_270 = tpu.memref_slice %arg16[%add3A_16, %dma_wait3A_269] : memref<10240x64xbf16, #tpu.memory_space<vmem_shared>> -> memref<128x64xbf16, #tpu.memory_space<vmem_shared>>
      %dma_wait3A_271 = arith.constant 0 : i32
      %dma_wait3A_272 = tpu.memref_slice %arg16[%add3A_16, %dma_wait3A_271] : memref<10240x64xbf16, #tpu.memory_space<vmem_shared>> -> memref<128x64xbf16, #tpu.memory_space<vmem_shared>>
      tpu.wait_dma2 semaphore(%run_scoped3A : memref<!tpu.dma_semaphore, #tpu.memory_space<semaphore_mem>>) src(%arg14 : memref<128x64xbf16, #tpu.memory_space<vmem>>) dst(%dma_wait3A_272 : memref<128x64xbf16, #tpu.memory_space<vmem_shared>>)
      tpu.yield
    }) : () -> ()
    %mul3A_17 = arith.constant 640 : i32
    %mul3A_18 = arith.muli %arg1, %mul3A_17 : i32
    %add3A_19 = arith.constant 128 : i32
    %add3A_20 = arith.addi %mul3A_18, %add3A_19 : i32
    "tpu.region"() ({
      %run_scoped3A = tpu.sem_alloc : memref<!tpu.dma_semaphore, #tpu.memory_space<semaphore_mem>>
      %dma_start3A_265 = arith.constant 0 : i32
      %dma_start3A_266 = tpu.memref_slice %arg16[%add3A_20, %dma_start3A_265] : memref<10240x64xbf16, #tpu.memory_space<vmem_shared>> -> memref<128x64xbf16, #tpu.memory_space<vmem_shared>>
      %dma_start3A_267 = arith.constant 0 : i32
      %dma_start3A_268 = tpu.memref_slice %arg16[%add3A_20, %dma_start3A_267] : memref<10240x64xbf16, #tpu.memory_space<vmem_shared>> -> memref<128x64xbf16, #tpu.memory_space<vmem_shared>>
      tpu.enqueue_dma source(%arg14 : memref<128x64xbf16, #tpu.memory_space<vmem>>) target(%dma_start3A_268 : memref<128x64xbf16, #tpu.memory_space<vmem_shared>>) target_semaphore(%run_scoped3A : memref<!tpu.dma_semaphore, #tpu.memory_space<semaphore_mem>>)
      %dma_wait3A_269 = arith.constant 0 : i32
      %dma_wait3A_270 = tpu.memref_slice %arg16[%add3A_20, %dma_wait3A_269] : memref<10240x64xbf16, #tpu.memory_space<vmem_shared>> -> memref<128x64xbf16, #tpu.memory_space<vmem_shared>>
      %dma_wait3A_271 = arith.constant 0 : i32
      %dma_wait3A_272 = tpu.memref_slice %arg16[%add3A_20, %dma_wait3A_271] : memref<10240x64xbf16, #tpu.memory_space<vmem_shared>> -> memref<128x64xbf16, #tpu.memory_space<vmem_shared>>
      tpu.wait_dma2 semaphore(%run_scoped3A : memref<!tpu.dma_semaphore, #tpu.memory_space<semaphore_mem>>) src(%arg14 : memref<128x64xbf16, #tpu.memory_space<vmem>>) dst(%dma_wait3A_272 : memref<128x64xbf16, #tpu.memory_space<vmem_shared>>)
      tpu.yield
    }) : () -> ()
    %mul3A_21 = arith.constant 640 : i32
    %mul3A_22 = arith.muli %arg1, %mul3A_21 : i32
    %add3A_23 = arith.constant 256 : i32
    %add3A_24 = arith.addi %mul3A_22, %add3A_23 : i32
    "tpu.region"() ({
      %run_scoped3A = tpu.sem_alloc : memref<!tpu.dma_semaphore, #tpu.memory_space<semaphore_mem>>
      %dma_start3A_265 = arith.constant 0 : i32
      %dma_start3A_266 = tpu.memref_slice %arg16[%add3A_24, %dma_start3A_265] : memref<10240x64xbf16, #tpu.memory_space<vmem_shared>> -> memref<128x64xbf16, #tpu.memory_space<vmem_shared>>
      %dma_start3A_267 = arith.constant 0 : i32
      %dma_start3A_268 = tpu.memref_slice %arg16[%add3A_24, %dma_start3A_267] : memref<10240x64xbf16, #tpu.memory_space<vmem_shared>> -> memref<128x64xbf16, #tpu.memory_space<vmem_shared>>
      tpu.enqueue_dma source(%arg14 : memref<128x64xbf16, #tpu.memory_space<vmem>>) target(%dma_start3A_268 : memref<128x64xbf16, #tpu.memory_space<vmem_shared>>) target_semaphore(%run_scoped3A : memref<!tpu.dma_semaphore, #tpu.memory_space<semaphore_mem>>)
      %dma_wait3A_269 = arith.constant 0 : i32
      %dma_wait3A_270 = tpu.memref_slice %arg16[%add3A_24, %dma_wait3A_269] : memref<10240x64xbf16, #tpu.memory_space<vmem_shared>> -> memref<128x64xbf16, #tpu.memory_space<vmem_shared>>
      %dma_wait3A_271 = arith.constant 0 : i32
      %dma_wait3A_272 = tpu.memref_slice %arg16[%add3A_24, %dma_wait3A_271] : memref<10240x64xbf16, #tpu.memory_space<vmem_shared>> -> memref<128x64xbf16, #tpu.memory_space<vmem_shared>>
      tpu.wait_dma2 semaphore(%run_scoped3A : memref<!tpu.dma_semaphore, #tpu.memory_space<semaphore_mem>>) src(%arg14 : memref<128x64xbf16, #tpu.memory_space<vmem>>) dst(%dma_wait3A_272 : memref<128x64xbf16, #tpu.memory_space<vmem_shared>>)
      tpu.yield
    }) : () -> ()
    %mul3A_25 = arith.constant 640 : i32
    %mul3A_26 = arith.muli %arg1, %mul3A_25 : i32
    %add3A_27 = arith.constant 384 : i32
    %add3A_28 = arith.addi %mul3A_26, %add3A_27 : i32
    "tpu.region"() ({
      %run_scoped3A = tpu.sem_alloc : memref<!tpu.dma_semaphore, #tpu.memory_space<semaphore_mem>>
      %dma_start3A_265 = arith.constant 0 : i32
      %dma_start3A_266 = tpu.memref_slice %arg16[%add3A_28, %dma_start3A_265] : memref<10240x64xbf16, #tpu.memory_space<vmem_shared>> -> memref<128x64xbf16, #tpu.memory_space<vmem_shared>>
      %dma_start3A_267 = arith.constant 0 : i32
      %dma_start3A_268 = tpu.memref_slice %arg16[%add3A_28, %dma_start3A_267] : memref<10240x64xbf16, #tpu.memory_space<vmem_shared>> -> memref<128x64xbf16, #tpu.memory_space<vmem_shared>>
      tpu.enqueue_dma source(%arg14 : memref<128x64xbf16, #tpu.memory_space<vmem>>) target(%dma_start3A_268 : memref<128x64xbf16, #tpu.memory_space<vmem_shared>>) target_semaphore(%run_scoped3A : memref<!tpu.dma_semaphore, #tpu.memory_space<semaphore_mem>>)
      %dma_wait3A_269 = arith.constant 0 : i32
      %dma_wait3A_270 = tpu.memref_slice %arg16[%add3A_28, %dma_wait3A_269] : memref<10240x64xbf16, #tpu.memory_space<vmem_shared>> -> memref<128x64xbf16, #tpu.memory_space<vmem_shared>>
      %dma_wait3A_271 = arith.constant 0 : i32
      %dma_wait3A_272 = tpu.memref_slice %arg16[%add3A_28, %dma_wait3A_271] : memref<10240x64xbf16, #tpu.memory_space<vmem_shared>> -> memref<128x64xbf16, #tpu.memory_space<vmem_shared>>
      tpu.wait_dma2 semaphore(%run_scoped3A : memref<!tpu.dma_semaphore, #tpu.memory_space<semaphore_mem>>) src(%arg14 : memref<128x64xbf16, #tpu.memory_space<vmem>>) dst(%dma_wait3A_272 : memref<128x64xbf16, #tpu.memory_space<vmem_shared>>)
      tpu.yield
    }) : () -> ()
    %mul3A_29 = arith.constant 640 : i32
    %mul3A_30 = arith.muli %arg1, %mul3A_29 : i32
    %add3A_31 = arith.constant 512 : i32
    %add3A_32 = arith.addi %mul3A_30, %add3A_31 : i32
    "tpu.region"() ({
      %run_scoped3A = tpu.sem_alloc : memref<!tpu.dma_semaphore, #tpu.memory_space<semaphore_mem>>
      %dma_start3A_265 = arith.constant 0 : i32
      %dma_start3A_266 = tpu.memref_slice %arg16[%add3A_32, %dma_start3A_265] : memref<10240x64xbf16, #tpu.memory_space<vmem_shared>> -> memref<128x64xbf16, #tpu.memory_space<vmem_shared>>
      %dma_start3A_267 = arith.constant 0 : i32
      %dma_start3A_268 = tpu.memref_slice %arg16[%add3A_32, %dma_start3A_267] : memref<10240x64xbf16, #tpu.memory_space<vmem_shared>> -> memref<128x64xbf16, #tpu.memory_space<vmem_shared>>
      tpu.enqueue_dma source(%arg14 : memref<128x64xbf16, #tpu.memory_space<vmem>>) target(%dma_start3A_268 : memref<128x64xbf16, #tpu.memory_space<vmem_shared>>) target_semaphore(%run_scoped3A : memref<!tpu.dma_semaphore, #tpu.memory_space<semaphore_mem>>)
      %dma_wait3A_269 = arith.constant 0 : i32
      %dma_wait3A_270 = tpu.memref_slice %arg16[%add3A_32, %dma_wait3A_269] : memref<10240x64xbf16, #tpu.memory_space<vmem_shared>> -> memref<128x64xbf16, #tpu.memory_space<vmem_shared>>
      %dma_wait3A_271 = arith.constant 0 : i32
      %dma_wait3A_272 = tpu.memref_slice %arg16[%add3A_32, %dma_wait3A_271] : memref<10240x64xbf16, #tpu.memory_space<vmem_shared>> -> memref<128x64xbf16, #tpu.memory_space<vmem_shared>>
      tpu.wait_dma2 semaphore(%run_scoped3A : memref<!tpu.dma_semaphore, #tpu.memory_space<semaphore_mem>>) src(%arg14 : memref<128x64xbf16, #tpu.memory_space<vmem>>) dst(%dma_wait3A_272 : memref<128x64xbf16, #tpu.memory_space<vmem_shared>>)
      tpu.yield
    }) : () -> ()
    "tpu.region"() ({
      %run_scoped3A = tpu.sem_alloc : memref<!tpu.dma_semaphore, #tpu.memory_space<semaphore_mem>>
      tpu.enqueue_dma source(%arg6 : memref<640x8xf32, #tpu.memory_space<hbm>>) target(%arg15 : memref<640x8xf32, #tpu.memory_space<vmem>>) target_semaphore(%run_scoped3A : memref<!tpu.dma_semaphore, #tpu.memory_space<semaphore_mem>>)
      tpu.wait_dma2 semaphore(%run_scoped3A : memref<!tpu.dma_semaphore, #tpu.memory_space<semaphore_mem>>) src(%arg6 : memref<640x8xf32, #tpu.memory_space<hbm>>) dst(%arg15 : memref<640x8xf32, #tpu.memory_space<vmem>>)
      tpu.yield
    }) : () -> ()
    %mul3A_33 = arith.constant 640 : i32
    %mul3A_34 = arith.muli %arg1, %mul3A_33 : i32
    "tpu.region"() ({
      %run_scoped3A = tpu.sem_alloc : memref<!tpu.dma_semaphore, #tpu.memory_space<semaphore_mem>>
      %dma_start3A_265 = arith.constant 0 : i32
      %dma_start3A_266 = tpu.memref_slice %arg17[%mul3A_34, %dma_start3A_265] : memref<10240x8xf32, #tpu.memory_space<vmem_shared>> -> memref<640x8xf32, #tpu.memory_space<vmem_shared>>
      %dma_start3A_267 = arith.constant 0 : i32
      %dma_start3A_268 = tpu.memref_slice %arg17[%mul3A_34, %dma_start3A_267] : memref<10240x8xf32, #tpu.memory_space<vmem_shared>> -> memref<640x8xf32, #tpu.memory_space<vmem_shared>>
      tpu.enqueue_dma source(%arg15 : memref<640x8xf32, #tpu.memory_space<vmem>>) target(%dma_start3A_268 : memref<640x8xf32, #tpu.memory_space<vmem_shared>>) target_semaphore(%run_scoped3A : memref<!tpu.dma_semaphore, #tpu.memory_space<semaphore_mem>>)
      %dma_wait3A_269 = arith.constant 0 : i32
      %dma_wait3A_270 = tpu.memref_slice %arg17[%mul3A_34, %dma_wait3A_269] : memref<10240x8xf32, #tpu.memory_space<vmem_shared>> -> memref<640x8xf32, #tpu.memory_space<vmem_shared>>
      %dma_wait3A_271 = arith.constant 0 : i32
      %dma_wait3A_272 = tpu.memref_slice %arg17[%mul3A_34, %dma_wait3A_271] : memref<10240x8xf32, #tpu.memory_space<vmem_shared>> -> memref<640x8xf32, #tpu.memory_space<vmem_shared>>
      tpu.wait_dma2 semaphore(%run_scoped3A : memref<!tpu.dma_semaphore, #tpu.memory_space<semaphore_mem>>) src(%arg15 : memref<640x8xf32, #tpu.memory_space<vmem>>) dst(%dma_wait3A_272 : memref<640x8xf32, #tpu.memory_space<vmem_shared>>)
      tpu.yield
    }) : () -> ()
    "tpu.region"() ({
      %run_scoped3A = tpu.sem_alloc : memref<!tpu.dma_semaphore, #tpu.memory_space<semaphore_mem>>
      tpu.enqueue_dma source(%arg7 : memref<125x8xf32, #tpu.memory_space<hbm>>) target(%arg13 : memref<125x8xf32, #tpu.memory_space<vmem>>) target_semaphore(%run_scoped3A : memref<!tpu.dma_semaphore, #tpu.memory_space<semaphore_mem>>)
      tpu.wait_dma2 semaphore(%run_scoped3A : memref<!tpu.dma_semaphore, #tpu.memory_space<semaphore_mem>>) src(%arg7 : memref<125x8xf32, #tpu.memory_space<hbm>>) dst(%arg13 : memref<125x8xf32, #tpu.memory_space<vmem>>)
      tpu.yield
    }) : () -> ()
    %dma_wait3A = arith.constant 0 : i32
    %dma_wait3A_35 = arith.constant 0 : i32
    %dma_wait3A_36 = tpu.memref_slice %arg3[%arg0, %arg1, %dma_wait3A, %dma_wait3A_35] : memref<2x16x160x125xi32, #tpu.memory_space<hbm>> -> memref<1x1x160x125xi32, #tpu.memory_space<hbm>>
    %dma_wait3A_37 = tpu.memref_squeeze %dma_wait3A_36 : memref<1x1x160x125xi32, #tpu.memory_space<hbm>> -> memref<160x125xi32, #tpu.memory_space<hbm>>
    %dma_wait3A_38 = arith.constant 0 : i32
    %dma_wait3A_39 = arith.constant 0 : i32
    %dma_wait3A_40 = tpu.memref_slice %arg3[%arg0, %arg1, %dma_wait3A_38, %dma_wait3A_39] : memref<2x16x160x125xi32, #tpu.memory_space<hbm>> -> memref<1x1x160x125xi32, #tpu.memory_space<hbm>>
    %dma_wait3A_41 = tpu.memref_squeeze %dma_wait3A_40 : memref<1x1x160x125xi32, #tpu.memory_space<hbm>> -> memref<160x125xi32, #tpu.memory_space<hbm>>
    tpu.wait_dma2 semaphore(%arg21 : memref<!tpu.dma_semaphore, #tpu.memory_space<semaphore_mem>>) src(%dma_wait3A_41 : memref<160x125xi32, #tpu.memory_space<hbm>>) dst(%arg10 : memref<160x125xi32, #tpu.memory_space<vmem>>)
    %dma_wait3A_42 = arith.constant 0 : i32
    %dma_wait3A_43 = arith.constant 0 : i32
    %dma_wait3A_44 = tpu.memref_slice %arg4[%arg1, %dma_wait3A_42, %dma_wait3A_43] : memref<16x160x125xi32, #tpu.memory_space<hbm>> -> memref<1x160x125xi32, #tpu.memory_space<hbm>>
    %dma_wait3A_45 = tpu.memref_squeeze %dma_wait3A_44 : memref<1x160x125xi32, #tpu.memory_space<hbm>> -> memref<160x125xi32, #tpu.memory_space<hbm>>
    %dma_wait3A_46 = arith.constant 0 : i32
    %dma_wait3A_47 = arith.constant 0 : i32
    %dma_wait3A_48 = tpu.memref_slice %arg4[%arg1, %dma_wait3A_46, %dma_wait3A_47] : memref<16x160x125xi32, #tpu.memory_space<hbm>> -> memref<1x160x125xi32, #tpu.memory_space<hbm>>
    %dma_wait3A_49 = tpu.memref_squeeze %dma_wait3A_48 : memref<1x160x125xi32, #tpu.memory_space<hbm>> -> memref<160x125xi32, #tpu.memory_space<hbm>>
    tpu.wait_dma2 semaphore(%arg21 : memref<!tpu.dma_semaphore, #tpu.memory_space<semaphore_mem>>) src(%dma_wait3A_49 : memref<160x125xi32, #tpu.memory_space<hbm>>) dst(%arg11 : memref<160x125xi32, #tpu.memory_space<vmem>>)
    %dma_start3A_50 = arith.constant 0 : i32
    %dma_start3A_51 = arith.constant 0 : i32
    %dma_start3A_52 = arith.constant 0 : i32
    %dma_start3A_53 = arith.constant 0 : i32
    %dma_start3A_54 = arith.constant 0 : i32
    %dma_start3A_55 = tpu.memref_slice %arg12[%dma_start3A_51, %dma_start3A_53, %dma_start3A_54] : memref<5x125x64xbf16, #tpu.memory_space<vmem>> -> memref<1x125x64xbf16, #tpu.memory_space<vmem>>
    %dma_start3A_56 = tpu.memref_squeeze %dma_start3A_55 : memref<1x125x64xbf16, #tpu.memory_space<vmem>> -> memref<125x64xbf16, #tpu.memory_space<vmem>>
    %dma_start3A_57 = arith.constant 0 : i32
    %dma_start3A_58 = tpu.memref_slice %arg10[%dma_start3A_50, %dma_start3A_57] : memref<160x125xi32, #tpu.memory_space<vmem>> -> memref<1x125xi32, #tpu.memory_space<vmem>>
    %dma_start3A_59 = tpu.memref_squeeze %dma_start3A_58 : memref<1x125xi32, #tpu.memory_space<vmem>> -> memref<125xi32, #tpu.memory_space<vmem>>
    %dma_start3A_60 = arith.constant 0 : i32
    %dma_start3A_61 = arith.constant 0 : i32
    %dma_start3A_62 = tpu.memref_slice %arg2[%dma_start3A_60, %dma_start3A_61] : memref<20000x64xbf16, #tpu.memory_space<hbm>> -> memref<20000x64xbf16, #tpu.memory_space<hbm>>
    %dma_start3A_63 = tpu.memref_slice %arg18[%dma_start3A_52] : memref<5x!tpu.dma_semaphore, #tpu.memory_space<semaphore_mem>> -> memref<1x!tpu.dma_semaphore, #tpu.memory_space<semaphore_mem>>
    %dma_start3A_64 = tpu.memref_squeeze %dma_start3A_63 : memref<1x!tpu.dma_semaphore, #tpu.memory_space<semaphore_mem>> -> memref<!tpu.dma_semaphore, #tpu.memory_space<semaphore_mem>>
    tpu.enqueue_indirect_dma source(%dma_start3A_62 : memref<20000x64xbf16, #tpu.memory_space<hbm>>) target(%dma_start3A_56 : memref<125x64xbf16, #tpu.memory_space<vmem>>) offsets(%dma_start3A_59 : memref<125xi32, #tpu.memory_space<vmem>>) semaphore(%dma_start3A_64 : memref<!tpu.dma_semaphore, #tpu.memory_space<semaphore_mem>>)
    %dma_start3A_65 = arith.constant 1 : i32
    %dma_start3A_66 = arith.constant 1 : i32
    %dma_start3A_67 = arith.constant 1 : i32
    %dma_start3A_68 = arith.constant 0 : i32
    %dma_start3A_69 = arith.constant 0 : i32
    %dma_start3A_70 = tpu.memref_slice %arg12[%dma_start3A_66, %dma_start3A_68, %dma_start3A_69] : memref<5x125x64xbf16, #tpu.memory_space<vmem>> -> memref<1x125x64xbf16, #tpu.memory_space<vmem>>
    %dma_start3A_71 = tpu.memref_squeeze %dma_start3A_70 : memref<1x125x64xbf16, #tpu.memory_space<vmem>> -> memref<125x64xbf16, #tpu.memory_space<vmem>>
    %dma_start3A_72 = arith.constant 0 : i32
    %dma_start3A_73 = tpu.memref_slice %arg10[%dma_start3A_65, %dma_start3A_72] : memref<160x125xi32, #tpu.memory_space<vmem>> -> memref<1x125xi32, #tpu.memory_space<vmem>>
    %dma_start3A_74 = tpu.memref_squeeze %dma_start3A_73 : memref<1x125xi32, #tpu.memory_space<vmem>> -> memref<125xi32, #tpu.memory_space<vmem>>
    %dma_start3A_75 = arith.constant 0 : i32
    %dma_start3A_76 = arith.constant 0 : i32
    %dma_start3A_77 = tpu.memref_slice %arg2[%dma_start3A_75, %dma_start3A_76] : memref<20000x64xbf16, #tpu.memory_space<hbm>> -> memref<20000x64xbf16, #tpu.memory_space<hbm>>
    %dma_start3A_78 = tpu.memref_slice %arg18[%dma_start3A_67] : memref<5x!tpu.dma_semaphore, #tpu.memory_space<semaphore_mem>> -> memref<1x!tpu.dma_semaphore, #tpu.memory_space<semaphore_mem>>
    %dma_start3A_79 = tpu.memref_squeeze %dma_start3A_78 : memref<1x!tpu.dma_semaphore, #tpu.memory_space<semaphore_mem>> -> memref<!tpu.dma_semaphore, #tpu.memory_space<semaphore_mem>>
    tpu.enqueue_indirect_dma source(%dma_start3A_77 : memref<20000x64xbf16, #tpu.memory_space<hbm>>) target(%dma_start3A_71 : memref<125x64xbf16, #tpu.memory_space<vmem>>) offsets(%dma_start3A_74 : memref<125xi32, #tpu.memory_space<vmem>>) semaphore(%dma_start3A_79 : memref<!tpu.dma_semaphore, #tpu.memory_space<semaphore_mem>>)
    %dma_start3A_80 = arith.constant 2 : i32
    %dma_start3A_81 = arith.constant 2 : i32
    %dma_start3A_82 = arith.constant 2 : i32
    %dma_start3A_83 = arith.constant 0 : i32
    %dma_start3A_84 = arith.constant 0 : i32
    %dma_start3A_85 = tpu.memref_slice %arg12[%dma_start3A_81, %dma_start3A_83, %dma_start3A_84] : memref<5x125x64xbf16, #tpu.memory_space<vmem>> -> memref<1x125x64xbf16, #tpu.memory_space<vmem>>
    %dma_start3A_86 = tpu.memref_squeeze %dma_start3A_85 : memref<1x125x64xbf16, #tpu.memory_space<vmem>> -> memref<125x64xbf16, #tpu.memory_space<vmem>>
    %dma_start3A_87 = arith.constant 0 : i32
    %dma_start3A_88 = tpu.memref_slice %arg10[%dma_start3A_80, %dma_start3A_87] : memref<160x125xi32, #tpu.memory_space<vmem>> -> memref<1x125xi32, #tpu.memory_space<vmem>>
    %dma_start3A_89 = tpu.memref_squeeze %dma_start3A_88 : memref<1x125xi32, #tpu.memory_space<vmem>> -> memref<125xi32, #tpu.memory_space<vmem>>
    %dma_start3A_90 = arith.constant 0 : i32
    %dma_start3A_91 = arith.constant 0 : i32
    %dma_start3A_92 = tpu.memref_slice %arg2[%dma_start3A_90, %dma_start3A_91] : memref<20000x64xbf16, #tpu.memory_space<hbm>> -> memref<20000x64xbf16, #tpu.memory_space<hbm>>
    %dma_start3A_93 = tpu.memref_slice %arg18[%dma_start3A_82] : memref<5x!tpu.dma_semaphore, #tpu.memory_space<semaphore_mem>> -> memref<1x!tpu.dma_semaphore, #tpu.memory_space<semaphore_mem>>
    %dma_start3A_94 = tpu.memref_squeeze %dma_start3A_93 : memref<1x!tpu.dma_semaphore, #tpu.memory_space<semaphore_mem>> -> memref<!tpu.dma_semaphore, #tpu.memory_space<semaphore_mem>>
    tpu.enqueue_indirect_dma source(%dma_start3A_92 : memref<20000x64xbf16, #tpu.memory_space<hbm>>) target(%dma_start3A_86 : memref<125x64xbf16, #tpu.memory_space<vmem>>) offsets(%dma_start3A_89 : memref<125xi32, #tpu.memory_space<vmem>>) semaphore(%dma_start3A_94 : memref<!tpu.dma_semaphore, #tpu.memory_space<semaphore_mem>>)
    %dma_start3A_95 = arith.constant 3 : i32
    %dma_start3A_96 = arith.constant 3 : i32
    %dma_start3A_97 = arith.constant 3 : i32
    %dma_start3A_98 = arith.constant 0 : i32
    %dma_start3A_99 = arith.constant 0 : i32
    %dma_start3A_100 = tpu.memref_slice %arg12[%dma_start3A_96, %dma_start3A_98, %dma_start3A_99] : memref<5x125x64xbf16, #tpu.memory_space<vmem>> -> memref<1x125x64xbf16, #tpu.memory_space<vmem>>
    %dma_start3A_101 = tpu.memref_squeeze %dma_start3A_100 : memref<1x125x64xbf16, #tpu.memory_space<vmem>> -> memref<125x64xbf16, #tpu.memory_space<vmem>>
    %dma_start3A_102 = arith.constant 0 : i32
    %dma_start3A_103 = tpu.memref_slice %arg10[%dma_start3A_95, %dma_start3A_102] : memref<160x125xi32, #tpu.memory_space<vmem>> -> memref<1x125xi32, #tpu.memory_space<vmem>>
    %dma_start3A_104 = tpu.memref_squeeze %dma_start3A_103 : memref<1x125xi32, #tpu.memory_space<vmem>> -> memref<125xi32, #tpu.memory_space<vmem>>
    %dma_start3A_105 = arith.constant 0 : i32
    %dma_start3A_106 = arith.constant 0 : i32
    %dma_start3A_107 = tpu.memref_slice %arg2[%dma_start3A_105, %dma_start3A_106] : memref<20000x64xbf16, #tpu.memory_space<hbm>> -> memref<20000x64xbf16, #tpu.memory_space<hbm>>
    %dma_start3A_108 = tpu.memref_slice %arg18[%dma_start3A_97] : memref<5x!tpu.dma_semaphore, #tpu.memory_space<semaphore_mem>> -> memref<1x!tpu.dma_semaphore, #tpu.memory_space<semaphore_mem>>
    %dma_start3A_109 = tpu.memref_squeeze %dma_start3A_108 : memref<1x!tpu.dma_semaphore, #tpu.memory_space<semaphore_mem>> -> memref<!tpu.dma_semaphore, #tpu.memory_space<semaphore_mem>>
    tpu.enqueue_indirect_dma source(%dma_start3A_107 : memref<20000x64xbf16, #tpu.memory_space<hbm>>) target(%dma_start3A_101 : memref<125x64xbf16, #tpu.memory_space<vmem>>) offsets(%dma_start3A_104 : memref<125xi32, #tpu.memory_space<vmem>>) semaphore(%dma_start3A_109 : memref<!tpu.dma_semaphore, #tpu.memory_space<semaphore_mem>>)
    %dma_start3A_110 = arith.constant 4 : i32
    %dma_start3A_111 = arith.constant 4 : i32
    %dma_start3A_112 = arith.constant 4 : i32
    %dma_start3A_113 = arith.constant 0 : i32
    %dma_start3A_114 = arith.constant 0 : i32
    %dma_start3A_115 = tpu.memref_slice %arg12[%dma_start3A_111, %dma_start3A_113, %dma_start3A_114] : memref<5x125x64xbf16, #tpu.memory_space<vmem>> -> memref<1x125x64xbf16, #tpu.memory_space<vmem>>
    %dma_start3A_116 = tpu.memref_squeeze %dma_start3A_115 : memref<1x125x64xbf16, #tpu.memory_space<vmem>> -> memref<125x64xbf16, #tpu.memory_space<vmem>>
    %dma_start3A_117 = arith.constant 0 : i32
    %dma_start3A_118 = tpu.memref_slice %arg10[%dma_start3A_110, %dma_start3A_117] : memref<160x125xi32, #tpu.memory_space<vmem>> -> memref<1x125xi32, #tpu.memory_space<vmem>>
    %dma_start3A_119 = tpu.memref_squeeze %dma_start3A_118 : memref<1x125xi32, #tpu.memory_space<vmem>> -> memref<125xi32, #tpu.memory_space<vmem>>
    %dma_start3A_120 = arith.constant 0 : i32
    %dma_start3A_121 = arith.constant 0 : i32
    %dma_start3A_122 = tpu.memref_slice %arg2[%dma_start3A_120, %dma_start3A_121] : memref<20000x64xbf16, #tpu.memory_space<hbm>> -> memref<20000x64xbf16, #tpu.memory_space<hbm>>
    %dma_start3A_123 = tpu.memref_slice %arg18[%dma_start3A_112] : memref<5x!tpu.dma_semaphore, #tpu.memory_space<semaphore_mem>> -> memref<1x!tpu.dma_semaphore, #tpu.memory_space<semaphore_mem>>
    %dma_start3A_124 = tpu.memref_squeeze %dma_start3A_123 : memref<1x!tpu.dma_semaphore, #tpu.memory_space<semaphore_mem>> -> memref<!tpu.dma_semaphore, #tpu.memory_space<semaphore_mem>>
    tpu.enqueue_indirect_dma source(%dma_start3A_122 : memref<20000x64xbf16, #tpu.memory_space<hbm>>) target(%dma_start3A_116 : memref<125x64xbf16, #tpu.memory_space<vmem>>) offsets(%dma_start3A_119 : memref<125xi32, #tpu.memory_space<vmem>>) semaphore(%dma_start3A_124 : memref<!tpu.dma_semaphore, #tpu.memory_space<semaphore_mem>>)
    %barrier3A = arith.constant 0 : index
    tpu.barrier barrier_id(%barrier3A)
    %scan3A = arith.constant 0 : i32
    %scan3A_125 = arith.constant 0 : i32
    %scan3A_126 = arith.constant 32 : i32
    %scan3A_127 = arith.addi %scan3A_125, %scan3A_126 : i32
    %scan3A_128 = arith.constant 1 : i32
    scf.for %scan3A_265 = %scan3A_125 to %scan3A_127 step %scan3A_128  : i32 {
      %mul3A_266 = arith.constant 5 : i32
      %mul3A_267 = arith.muli %scan3A_265, %mul3A_266 : i32
      %add3A_268 = arith.constant 0 : i32
      %add3A_269 = arith.addi %mul3A_267, %add3A_268 : i32
      %dma_wait3A_270 = arith.constant 0 : i32
      %dma_wait3A_271 = arith.constant 0 : i32
      %dma_wait3A_272 = arith.constant 0 : i32
      %dma_wait3A_273 = arith.constant 0 : i32
      %dma_wait3A_274 = arith.constant 0 : i32
      %dma_wait3A_275 = tpu.memref_slice %arg12[%dma_wait3A_271, %dma_wait3A_273, %dma_wait3A_274] : memref<5x125x64xbf16, #tpu.memory_space<vmem>> -> memref<1x125x64xbf16, #tpu.memory_space<vmem>>
      %dma_wait3A_276 = tpu.memref_squeeze %dma_wait3A_275 : memref<1x125x64xbf16, #tpu.memory_space<vmem>> -> memref<125x64xbf16, #tpu.memory_space<vmem>>
      %dma_wait3A_277 = arith.constant 0 : i32
      %dma_wait3A_278 = tpu.memref_slice %arg10[%dma_wait3A_270, %dma_wait3A_277] : memref<160x125xi32, #tpu.memory_space<vmem>> -> memref<1x125xi32, #tpu.memory_space<vmem>>
      %dma_wait3A_279 = tpu.memref_squeeze %dma_wait3A_278 : memref<1x125xi32, #tpu.memory_space<vmem>> -> memref<125xi32, #tpu.memory_space<vmem>>
      %dma_wait3A_280 = arith.constant 0 : i32
      %dma_wait3A_281 = arith.constant 0 : i32
      %dma_wait3A_282 = tpu.memref_slice %arg2[%dma_wait3A_280, %dma_wait3A_281] : memref<20000x64xbf16, #tpu.memory_space<hbm>> -> memref<20000x64xbf16, #tpu.memory_space<hbm>>
      %dma_wait3A_283 = tpu.memref_slice %arg18[%dma_wait3A_272] : memref<5x!tpu.dma_semaphore, #tpu.memory_space<semaphore_mem>> -> memref<1x!tpu.dma_semaphore, #tpu.memory_space<semaphore_mem>>
      %dma_wait3A_284 = tpu.memref_squeeze %dma_wait3A_283 : memref<1x!tpu.dma_semaphore, #tpu.memory_space<semaphore_mem>> -> memref<!tpu.dma_semaphore, #tpu.memory_space<semaphore_mem>>
      tpu.wait_indirect_dma semaphore(%dma_wait3A_284 : memref<!tpu.dma_semaphore, #tpu.memory_space<semaphore_mem>>) src(%dma_wait3A_282 : memref<20000x64xbf16, #tpu.memory_space<hbm>>) dst(%dma_wait3A_276 : memref<125x64xbf16, #tpu.memory_space<vmem>>)
      %eq3A_285 = arith.constant 0 : i32
      %eq3A_286 = arith.cmpi eq, %arg0, %eq3A_285 : i32
      %convert_element_type3A_287 = arith.extui %eq3A_286 : i1 to i32
      %cond3A_288 = arith.constant 0 : i32
      %cond3A_289 = arith.cmpi ne, %convert_element_type3A_287, %cond3A_288 : i32
      scf.if %cond3A_289 {
        %gt3A = arith.constant 0 : i32
        %gt3A_480 = arith.cmpi sgt, %scan3A_265, %gt3A : i32
        %convert_element_type3A_481 = arith.extui %gt3A_480 : i1 to i32
        %cond3A_482 = arith.constant 0 : i32
        %cond3A_483 = arith.cmpi ne, %convert_element_type3A_481, %cond3A_482 : i32
        scf.if %cond3A_483 {
          %dma_wait3A_493 = arith.constant 0 : i32
          %dma_wait3A_494 = arith.constant 0 : i32
          %dma_wait3A_495 = tpu.memref_slice %arg11[%add3A_269, %dma_wait3A_494] : memref<160x125xi32, #tpu.memory_space<vmem>> -> memref<1x125xi32, #tpu.memory_space<vmem>>
          %dma_wait3A_496 = tpu.memref_squeeze %dma_wait3A_495 : memref<1x125xi32, #tpu.memory_space<vmem>> -> memref<125xi32, #tpu.memory_space<vmem>>
          %dma_wait3A_497 = arith.constant 0 : i32
          %dma_wait3A_498 = arith.constant 0 : i32
          %dma_wait3A_499 = tpu.memref_slice %arg17[%dma_wait3A_497, %dma_wait3A_498] : memref<10240x8xf32, #tpu.memory_space<vmem_shared>> -> memref<10240x8xf32, #tpu.memory_space<vmem_shared>>
          %dma_wait3A_500 = tpu.memref_slice %arg20[%dma_wait3A_493] : memref<5x!tpu.dma_semaphore, #tpu.memory_space<semaphore_mem>> -> memref<1x!tpu.dma_semaphore, #tpu.memory_space<semaphore_mem>>
          %dma_wait3A_501 = tpu.memref_squeeze %dma_wait3A_500 : memref<1x!tpu.dma_semaphore, #tpu.memory_space<semaphore_mem>> -> memref<!tpu.dma_semaphore, #tpu.memory_space<semaphore_mem>>
          tpu.wait_indirect_dma semaphore(%dma_wait3A_501 : memref<!tpu.dma_semaphore, #tpu.memory_space<semaphore_mem>>) src(%arg13 : memref<125x8xf32, #tpu.memory_space<vmem>>) dst(%dma_wait3A_499 : memref<10240x8xf32, #tpu.memory_space<vmem_shared>>)
        } else {
        }
        %dma_start3A_484 = arith.constant 0 : i32
        %dma_start3A_485 = arith.constant 0 : i32
        %dma_start3A_486 = tpu.memref_slice %arg11[%add3A_269, %dma_start3A_485] : memref<160x125xi32, #tpu.memory_space<vmem>> -> memref<1x125xi32, #tpu.memory_space<vmem>>
        %dma_start3A_487 = tpu.memref_squeeze %dma_start3A_486 : memref<1x125xi32, #tpu.memory_space<vmem>> -> memref<125xi32, #tpu.memory_space<vmem>>
        %dma_start3A_488 = arith.constant 0 : i32
        %dma_start3A_489 = arith.constant 0 : i32
        %dma_start3A_490 = tpu.memref_slice %arg17[%dma_start3A_488, %dma_start3A_489] : memref<10240x8xf32, #tpu.memory_space<vmem_shared>> -> memref<10240x8xf32, #tpu.memory_space<vmem_shared>>
        %dma_start3A_491 = tpu.memref_slice %arg20[%dma_start3A_484] : memref<5x!tpu.dma_semaphore, #tpu.memory_space<semaphore_mem>> -> memref<1x!tpu.dma_semaphore, #tpu.memory_space<semaphore_mem>>
        %dma_start3A_492 = tpu.memref_squeeze %dma_start3A_491 : memref<1x!tpu.dma_semaphore, #tpu.memory_space<semaphore_mem>> -> memref<!tpu.dma_semaphore, #tpu.memory_space<semaphore_mem>>
        tpu.enqueue_indirect_dma source(%arg13 : memref<125x8xf32, #tpu.memory_space<vmem>>) target(%dma_start3A_490 : memref<10240x8xf32, #tpu.memory_space<vmem_shared>>) offsets(%dma_start3A_487 : memref<125xi32, #tpu.memory_space<vmem>>) semaphore(%dma_start3A_492 : memref<!tpu.dma_semaphore, #tpu.memory_space<semaphore_mem>>) {add = true}
      } else {
      }
      %dma_start3A_290 = arith.constant 0 : i32
      %dma_start3A_291 = arith.constant 0 : i32
      %dma_start3A_292 = arith.constant 0 : i32
      %dma_start3A_293 = arith.constant 0 : i32
      %dma_start3A_294 = tpu.memref_slice %arg12[%dma_start3A_290, %dma_start3A_292, %dma_start3A_293] : memref<5x125x64xbf16, #tpu.memory_space<vmem>> -> memref<1x125x64xbf16, #tpu.memory_space<vmem>>
      %dma_start3A_295 = tpu.memref_squeeze %dma_start3A_294 : memref<1x125x64xbf16, #tpu.memory_space<vmem>> -> memref<125x64xbf16, #tpu.memory_space<vmem>>
      %dma_start3A_296 = arith.constant 0 : i32
      %dma_start3A_297 = tpu.memref_slice %arg11[%add3A_269, %dma_start3A_296] : memref<160x125xi32, #tpu.memory_space<vmem>> -> memref<1x125xi32, #tpu.memory_space<vmem>>
      %dma_start3A_298 = tpu.memref_squeeze %dma_start3A_297 : memref<1x125xi32, #tpu.memory_space<vmem>> -> memref<125xi32, #tpu.memory_space<vmem>>
      %dma_start3A_299 = arith.constant 0 : i32
      %dma_start3A_300 = arith.constant 0 : i32
      %dma_start3A_301 = tpu.memref_slice %arg16[%dma_start3A_299, %dma_start3A_300] : memref<10240x64xbf16, #tpu.memory_space<vmem_shared>> -> memref<10240x64xbf16, #tpu.memory_space<vmem_shared>>
      %dma_start3A_302 = tpu.memref_slice %arg19[%dma_start3A_291] : memref<5x!tpu.dma_semaphore, #tpu.memory_space<semaphore_mem>> -> memref<1x!tpu.dma_semaphore, #tpu.memory_space<semaphore_mem>>
      %dma_start3A_303 = tpu.memref_squeeze %dma_start3A_302 : memref<1x!tpu.dma_semaphore, #tpu.memory_space<semaphore_mem>> -> memref<!tpu.dma_semaphore, #tpu.memory_space<semaphore_mem>>
      tpu.enqueue_indirect_dma source(%dma_start3A_295 : memref<125x64xbf16, #tpu.memory_space<vmem>>) target(%dma_start3A_301 : memref<10240x64xbf16, #tpu.memory_space<vmem_shared>>) offsets(%dma_start3A_298 : memref<125xi32, #tpu.memory_space<vmem>>) semaphore(%dma_start3A_303 : memref<!tpu.dma_semaphore, #tpu.memory_space<semaphore_mem>>) {add = true}
      %lt3A = arith.constant 31 : i32
      %lt3A_304 = arith.cmpi slt, %scan3A_265, %lt3A : i32
      %convert_element_type3A_305 = arith.extui %lt3A_304 : i1 to i32
      %cond3A_306 = arith.constant 0 : i32
      %cond3A_307 = arith.cmpi ne, %convert_element_type3A_305, %cond3A_306 : i32
      scf.if %cond3A_307 {
        %dma_wait3A_480 = arith.constant 0 : i32
        %dma_wait3A_481 = arith.constant 0 : i32
        %dma_wait3A_482 = arith.constant 0 : i32
        %dma_wait3A_483 = arith.constant 0 : i32
        %dma_wait3A_484 = tpu.memref_slice %arg12[%dma_wait3A_480, %dma_wait3A_482, %dma_wait3A_483] : memref<5x125x64xbf16, #tpu.memory_space<vmem>> -> memref<1x125x64xbf16, #tpu.memory_space<vmem>>
        %dma_wait3A_485 = tpu.memref_squeeze %dma_wait3A_484 : memref<1x125x64xbf16, #tpu.memory_space<vmem>> -> memref<125x64xbf16, #tpu.memory_space<vmem>>
        %dma_wait3A_486 = arith.constant 0 : i32
        %dma_wait3A_487 = tpu.memref_slice %arg11[%add3A_269, %dma_wait3A_486] : memref<160x125xi32, #tpu.memory_space<vmem>> -> memref<1x125xi32, #tpu.memory_space<vmem>>
        %dma_wait3A_488 = tpu.memref_squeeze %dma_wait3A_487 : memref<1x125xi32, #tpu.memory_space<vmem>> -> memref<125xi32, #tpu.memory_space<vmem>>
        %dma_wait3A_489 = arith.constant 0 : i32
        %dma_wait3A_490 = arith.constant 0 : i32
        %dma_wait3A_491 = tpu.memref_slice %arg16[%dma_wait3A_489, %dma_wait3A_490] : memref<10240x64xbf16, #tpu.memory_space<vmem_shared>> -> memref<10240x64xbf16, #tpu.memory_space<vmem_shared>>
        %dma_wait3A_492 = tpu.memref_slice %arg19[%dma_wait3A_481] : memref<5x!tpu.dma_semaphore, #tpu.memory_space<semaphore_mem>> -> memref<1x!tpu.dma_semaphore, #tpu.memory_space<semaphore_mem>>
        %dma_wait3A_493 = tpu.memref_squeeze %dma_wait3A_492 : memref<1x!tpu.dma_semaphore, #tpu.memory_space<semaphore_mem>> -> memref<!tpu.dma_semaphore, #tpu.memory_space<semaphore_mem>>
        tpu.wait_indirect_dma semaphore(%dma_wait3A_493 : memref<!tpu.dma_semaphore, #tpu.memory_space<semaphore_mem>>) src(%dma_wait3A_485 : memref<125x64xbf16, #tpu.memory_space<vmem>>) dst(%dma_wait3A_491 : memref<10240x64xbf16, #tpu.memory_space<vmem_shared>>)
        %add3A_494 = arith.constant 5 : i32
        %add3A_495 = arith.addi %add3A_269, %add3A_494 : i32
        %dma_start3A_496 = arith.constant 0 : i32
        %dma_start3A_497 = arith.constant 0 : i32
        %dma_start3A_498 = arith.constant 0 : i32
        %dma_start3A_499 = arith.constant 0 : i32
        %dma_start3A_500 = tpu.memref_slice %arg12[%dma_start3A_496, %dma_start3A_498, %dma_start3A_499] : memref<5x125x64xbf16, #tpu.memory_space<vmem>> -> memref<1x125x64xbf16, #tpu.memory_space<vmem>>
        %dma_start3A_501 = tpu.memref_squeeze %dma_start3A_500 : memref<1x125x64xbf16, #tpu.memory_space<vmem>> -> memref<125x64xbf16, #tpu.memory_space<vmem>>
        %dma_start3A_502 = arith.constant 0 : i32
        %dma_start3A_503 = tpu.memref_slice %arg10[%add3A_495, %dma_start3A_502] : memref<160x125xi32, #tpu.memory_space<vmem>> -> memref<1x125xi32, #tpu.memory_space<vmem>>
        %dma_start3A_504 = tpu.memref_squeeze %dma_start3A_503 : memref<1x125xi32, #tpu.memory_space<vmem>> -> memref<125xi32, #tpu.memory_space<vmem>>
        %dma_start3A_505 = arith.constant 0 : i32
        %dma_start3A_506 = arith.constant 0 : i32
        %dma_start3A_507 = tpu.memref_slice %arg2[%dma_start3A_505, %dma_start3A_506] : memref<20000x64xbf16, #tpu.memory_space<hbm>> -> memref<20000x64xbf16, #tpu.memory_space<hbm>>
        %dma_start3A_508 = tpu.memref_slice %arg18[%dma_start3A_497] : memref<5x!tpu.dma_semaphore, #tpu.memory_space<semaphore_mem>> -> memref<1x!tpu.dma_semaphore, #tpu.memory_space<semaphore_mem>>
        %dma_start3A_509 = tpu.memref_squeeze %dma_start3A_508 : memref<1x!tpu.dma_semaphore, #tpu.memory_space<semaphore_mem>> -> memref<!tpu.dma_semaphore, #tpu.memory_space<semaphore_mem>>
        tpu.enqueue_indirect_dma source(%dma_start3A_507 : memref<20000x64xbf16, #tpu.memory_space<hbm>>) target(%dma_start3A_501 : memref<125x64xbf16, #tpu.memory_space<vmem>>) offsets(%dma_start3A_504 : memref<125xi32, #tpu.memory_space<vmem>>) semaphore(%dma_start3A_509 : memref<!tpu.dma_semaphore, #tpu.memory_space<semaphore_mem>>)
      } else {
      }
      %mul3A_308 = arith.constant 5 : i32
      %mul3A_309 = arith.muli %scan3A_265, %mul3A_308 : i32
      %add3A_310 = arith.constant 1 : i32
      %add3A_311 = arith.addi %mul3A_309, %add3A_310 : i32
      %dma_wait3A_312 = arith.constant 1 : i32
      %dma_wait3A_313 = arith.constant 1 : i32
      %dma_wait3A_314 = arith.constant 1 : i32
      %dma_wait3A_315 = arith.constant 0 : i32
      %dma_wait3A_316 = arith.constant 0 : i32
      %dma_wait3A_317 = tpu.memref_slice %arg12[%dma_wait3A_313, %dma_wait3A_315, %dma_wait3A_316] : memref<5x125x64xbf16, #tpu.memory_space<vmem>> -> memref<1x125x64xbf16, #tpu.memory_space<vmem>>
      %dma_wait3A_318 = tpu.memref_squeeze %dma_wait3A_317 : memref<1x125x64xbf16, #tpu.memory_space<vmem>> -> memref<125x64xbf16, #tpu.memory_space<vmem>>
      %dma_wait3A_319 = arith.constant 0 : i32
      %dma_wait3A_320 = tpu.memref_slice %arg10[%dma_wait3A_312, %dma_wait3A_319] : memref<160x125xi32, #tpu.memory_space<vmem>> -> memref<1x125xi32, #tpu.memory_space<vmem>>
      %dma_wait3A_321 = tpu.memref_squeeze %dma_wait3A_320 : memref<1x125xi32, #tpu.memory_space<vmem>> -> memref<125xi32, #tpu.memory_space<vmem>>
      %dma_wait3A_322 = arith.constant 0 : i32
      %dma_wait3A_323 = arith.constant 0 : i32
      %dma_wait3A_324 = tpu.memref_slice %arg2[%dma_wait3A_322, %dma_wait3A_323] : memref<20000x64xbf16, #tpu.memory_space<hbm>> -> memref<20000x64xbf16, #tpu.memory_space<hbm>>
      %dma_wait3A_325 = tpu.memref_slice %arg18[%dma_wait3A_314] : memref<5x!tpu.dma_semaphore, #tpu.memory_space<semaphore_mem>> -> memref<1x!tpu.dma_semaphore, #tpu.memory_space<semaphore_mem>>
      %dma_wait3A_326 = tpu.memref_squeeze %dma_wait3A_325 : memref<1x!tpu.dma_semaphore, #tpu.memory_space<semaphore_mem>> -> memref<!tpu.dma_semaphore, #tpu.memory_space<semaphore_mem>>
      tpu.wait_indirect_dma semaphore(%dma_wait3A_326 : memref<!tpu.dma_semaphore, #tpu.memory_space<semaphore_mem>>) src(%dma_wait3A_324 : memref<20000x64xbf16, #tpu.memory_space<hbm>>) dst(%dma_wait3A_318 : memref<125x64xbf16, #tpu.memory_space<vmem>>)
      %eq3A_327 = arith.constant 0 : i32
      %eq3A_328 = arith.cmpi eq, %arg0, %eq3A_327 : i32
      %convert_element_type3A_329 = arith.extui %eq3A_328 : i1 to i32
      %cond3A_330 = arith.constant 0 : i32
      %cond3A_331 = arith.cmpi ne, %convert_element_type3A_329, %cond3A_330 : i32
      scf.if %cond3A_331 {
        %gt3A = arith.constant 0 : i32
        %gt3A_480 = arith.cmpi sgt, %scan3A_265, %gt3A : i32
        %convert_element_type3A_481 = arith.extui %gt3A_480 : i1 to i32
        %cond3A_482 = arith.constant 0 : i32
        %cond3A_483 = arith.cmpi ne, %convert_element_type3A_481, %cond3A_482 : i32
        scf.if %cond3A_483 {
          %dma_wait3A_493 = arith.constant 1 : i32
          %dma_wait3A_494 = arith.constant 0 : i32
          %dma_wait3A_495 = tpu.memref_slice %arg11[%add3A_311, %dma_wait3A_494] : memref<160x125xi32, #tpu.memory_space<vmem>> -> memref<1x125xi32, #tpu.memory_space<vmem>>
          %dma_wait3A_496 = tpu.memref_squeeze %dma_wait3A_495 : memref<1x125xi32, #tpu.memory_space<vmem>> -> memref<125xi32, #tpu.memory_space<vmem>>
          %dma_wait3A_497 = arith.constant 0 : i32
          %dma_wait3A_498 = arith.constant 0 : i32
          %dma_wait3A_499 = tpu.memref_slice %arg17[%dma_wait3A_497, %dma_wait3A_498] : memref<10240x8xf32, #tpu.memory_space<vmem_shared>> -> memref<10240x8xf32, #tpu.memory_space<vmem_shared>>
          %dma_wait3A_500 = tpu.memref_slice %arg20[%dma_wait3A_493] : memref<5x!tpu.dma_semaphore, #tpu.memory_space<semaphore_mem>> -> memref<1x!tpu.dma_semaphore, #tpu.memory_space<semaphore_mem>>
          %dma_wait3A_501 = tpu.memref_squeeze %dma_wait3A_500 : memref<1x!tpu.dma_semaphore, #tpu.memory_space<semaphore_mem>> -> memref<!tpu.dma_semaphore, #tpu.memory_space<semaphore_mem>>
          tpu.wait_indirect_dma semaphore(%dma_wait3A_501 : memref<!tpu.dma_semaphore, #tpu.memory_space<semaphore_mem>>) src(%arg13 : memref<125x8xf32, #tpu.memory_space<vmem>>) dst(%dma_wait3A_499 : memref<10240x8xf32, #tpu.memory_space<vmem_shared>>)
        } else {
        }
        %dma_start3A_484 = arith.constant 1 : i32
        %dma_start3A_485 = arith.constant 0 : i32
        %dma_start3A_486 = tpu.memref_slice %arg11[%add3A_311, %dma_start3A_485] : memref<160x125xi32, #tpu.memory_space<vmem>> -> memref<1x125xi32, #tpu.memory_space<vmem>>
        %dma_start3A_487 = tpu.memref_squeeze %dma_start3A_486 : memref<1x125xi32, #tpu.memory_space<vmem>> -> memref<125xi32, #tpu.memory_space<vmem>>
        %dma_start3A_488 = arith.constant 0 : i32
        %dma_start3A_489 = arith.constant 0 : i32
        %dma_start3A_490 = tpu.memref_slice %arg17[%dma_start3A_488, %dma_start3A_489] : memref<10240x8xf32, #tpu.memory_space<vmem_shared>> -> memref<10240x8xf32, #tpu.memory_space<vmem_shared>>
        %dma_start3A_491 = tpu.memref_slice %arg20[%dma_start3A_484] : memref<5x!tpu.dma_semaphore, #tpu.memory_space<semaphore_mem>> -> memref<1x!tpu.dma_semaphore, #tpu.memory_space<semaphore_mem>>
        %dma_start3A_492 = tpu.memref_squeeze %dma_start3A_491 : memref<1x!tpu.dma_semaphore, #tpu.memory_space<semaphore_mem>> -> memref<!tpu.dma_semaphore, #tpu.memory_space<semaphore_mem>>
        tpu.enqueue_indirect_dma source(%arg13 : memref<125x8xf32, #tpu.memory_space<vmem>>) target(%dma_start3A_490 : memref<10240x8xf32, #tpu.memory_space<vmem_shared>>) offsets(%dma_start3A_487 : memref<125xi32, #tpu.memory_space<vmem>>) semaphore(%dma_start3A_492 : memref<!tpu.dma_semaphore, #tpu.memory_space<semaphore_mem>>) {add = true}
      } else {
      }
      %dma_start3A_332 = arith.constant 1 : i32
      %dma_start3A_333 = arith.constant 1 : i32
      %dma_start3A_334 = arith.constant 0 : i32
      %dma_start3A_335 = arith.constant 0 : i32
      %dma_start3A_336 = tpu.memref_slice %arg12[%dma_start3A_332, %dma_start3A_334, %dma_start3A_335] : memref<5x125x64xbf16, #tpu.memory_space<vmem>> -> memref<1x125x64xbf16, #tpu.memory_space<vmem>>
      %dma_start3A_337 = tpu.memref_squeeze %dma_start3A_336 : memref<1x125x64xbf16, #tpu.memory_space<vmem>> -> memref<125x64xbf16, #tpu.memory_space<vmem>>
      %dma_start3A_338 = arith.constant 0 : i32
      %dma_start3A_339 = tpu.memref_slice %arg11[%add3A_311, %dma_start3A_338] : memref<160x125xi32, #tpu.memory_space<vmem>> -> memref<1x125xi32, #tpu.memory_space<vmem>>
      %dma_start3A_340 = tpu.memref_squeeze %dma_start3A_339 : memref<1x125xi32, #tpu.memory_space<vmem>> -> memref<125xi32, #tpu.memory_space<vmem>>
      %dma_start3A_341 = arith.constant 0 : i32
      %dma_start3A_342 = arith.constant 0 : i32
      %dma_start3A_343 = tpu.memref_slice %arg16[%dma_start3A_341, %dma_start3A_342] : memref<10240x64xbf16, #tpu.memory_space<vmem_shared>> -> memref<10240x64xbf16, #tpu.memory_space<vmem_shared>>
      %dma_start3A_344 = tpu.memref_slice %arg19[%dma_start3A_333] : memref<5x!tpu.dma_semaphore, #tpu.memory_space<semaphore_mem>> -> memref<1x!tpu.dma_semaphore, #tpu.memory_space<semaphore_mem>>
      %dma_start3A_345 = tpu.memref_squeeze %dma_start3A_344 : memref<1x!tpu.dma_semaphore, #tpu.memory_space<semaphore_mem>> -> memref<!tpu.dma_semaphore, #tpu.memory_space<semaphore_mem>>
      tpu.enqueue_indirect_dma source(%dma_start3A_337 : memref<125x64xbf16, #tpu.memory_space<vmem>>) target(%dma_start3A_343 : memref<10240x64xbf16, #tpu.memory_space<vmem_shared>>) offsets(%dma_start3A_340 : memref<125xi32, #tpu.memory_space<vmem>>) semaphore(%dma_start3A_345 : memref<!tpu.dma_semaphore, #tpu.memory_space<semaphore_mem>>) {add = true}
      %lt3A_346 = arith.constant 31 : i32
      %lt3A_347 = arith.cmpi slt, %scan3A_265, %lt3A_346 : i32
      %convert_element_type3A_348 = arith.extui %lt3A_347 : i1 to i32
      %cond3A_349 = arith.constant 0 : i32
      %cond3A_350 = arith.cmpi ne, %convert_element_type3A_348, %cond3A_349 : i32
      scf.if %cond3A_350 {
        %dma_wait3A_480 = arith.constant 1 : i32
        %dma_wait3A_481 = arith.constant 1 : i32
        %dma_wait3A_482 = arith.constant 0 : i32
        %dma_wait3A_483 = arith.constant 0 : i32
        %dma_wait3A_484 = tpu.memref_slice %arg12[%dma_wait3A_480, %dma_wait3A_482, %dma_wait3A_483] : memref<5x125x64xbf16, #tpu.memory_space<vmem>> -> memref<1x125x64xbf16, #tpu.memory_space<vmem>>
        %dma_wait3A_485 = tpu.memref_squeeze %dma_wait3A_484 : memref<1x125x64xbf16, #tpu.memory_space<vmem>> -> memref<125x64xbf16, #tpu.memory_space<vmem>>
        %dma_wait3A_486 = arith.constant 0 : i32
        %dma_wait3A_487 = tpu.memref_slice %arg11[%add3A_311, %dma_wait3A_486] : memref<160x125xi32, #tpu.memory_space<vmem>> -> memref<1x125xi32, #tpu.memory_space<vmem>>
        %dma_wait3A_488 = tpu.memref_squeeze %dma_wait3A_487 : memref<1x125xi32, #tpu.memory_space<vmem>> -> memref<125xi32, #tpu.memory_space<vmem>>
        %dma_wait3A_489 = arith.constant 0 : i32
        %dma_wait3A_490 = arith.constant 0 : i32
        %dma_wait3A_491 = tpu.memref_slice %arg16[%dma_wait3A_489, %dma_wait3A_490] : memref<10240x64xbf16, #tpu.memory_space<vmem_shared>> -> memref<10240x64xbf16, #tpu.memory_space<vmem_shared>>
        %dma_wait3A_492 = tpu.memref_slice %arg19[%dma_wait3A_481] : memref<5x!tpu.dma_semaphore, #tpu.memory_space<semaphore_mem>> -> memref<1x!tpu.dma_semaphore, #tpu.memory_space<semaphore_mem>>
        %dma_wait3A_493 = tpu.memref_squeeze %dma_wait3A_492 : memref<1x!tpu.dma_semaphore, #tpu.memory_space<semaphore_mem>> -> memref<!tpu.dma_semaphore, #tpu.memory_space<semaphore_mem>>
        tpu.wait_indirect_dma semaphore(%dma_wait3A_493 : memref<!tpu.dma_semaphore, #tpu.memory_space<semaphore_mem>>) src(%dma_wait3A_485 : memref<125x64xbf16, #tpu.memory_space<vmem>>) dst(%dma_wait3A_491 : memref<10240x64xbf16, #tpu.memory_space<vmem_shared>>)
        %add3A_494 = arith.constant 5 : i32
        %add3A_495 = arith.addi %add3A_311, %add3A_494 : i32
        %dma_start3A_496 = arith.constant 1 : i32
        %dma_start3A_497 = arith.constant 1 : i32
        %dma_start3A_498 = arith.constant 0 : i32
        %dma_start3A_499 = arith.constant 0 : i32
        %dma_start3A_500 = tpu.memref_slice %arg12[%dma_start3A_496, %dma_start3A_498, %dma_start3A_499] : memref<5x125x64xbf16, #tpu.memory_space<vmem>> -> memref<1x125x64xbf16, #tpu.memory_space<vmem>>
        %dma_start3A_501 = tpu.memref_squeeze %dma_start3A_500 : memref<1x125x64xbf16, #tpu.memory_space<vmem>> -> memref<125x64xbf16, #tpu.memory_space<vmem>>
        %dma_start3A_502 = arith.constant 0 : i32
        %dma_start3A_503 = tpu.memref_slice %arg10[%add3A_495, %dma_start3A_502] : memref<160x125xi32, #tpu.memory_space<vmem>> -> memref<1x125xi32, #tpu.memory_space<vmem>>
        %dma_start3A_504 = tpu.memref_squeeze %dma_start3A_503 : memref<1x125xi32, #tpu.memory_space<vmem>> -> memref<125xi32, #tpu.memory_space<vmem>>
        %dma_start3A_505 = arith.constant 0 : i32
        %dma_start3A_506 = arith.constant 0 : i32
        %dma_start3A_507 = tpu.memref_slice %arg2[%dma_start3A_505, %dma_start3A_506] : memref<20000x64xbf16, #tpu.memory_space<hbm>> -> memref<20000x64xbf16, #tpu.memory_space<hbm>>
        %dma_start3A_508 = tpu.memref_slice %arg18[%dma_start3A_497] : memref<5x!tpu.dma_semaphore, #tpu.memory_space<semaphore_mem>> -> memref<1x!tpu.dma_semaphore, #tpu.memory_space<semaphore_mem>>
        %dma_start3A_509 = tpu.memref_squeeze %dma_start3A_508 : memref<1x!tpu.dma_semaphore, #tpu.memory_space<semaphore_mem>> -> memref<!tpu.dma_semaphore, #tpu.memory_space<semaphore_mem>>
        tpu.enqueue_indirect_dma source(%dma_start3A_507 : memref<20000x64xbf16, #tpu.memory_space<hbm>>) target(%dma_start3A_501 : memref<125x64xbf16, #tpu.memory_space<vmem>>) offsets(%dma_start3A_504 : memref<125xi32, #tpu.memory_space<vmem>>) semaphore(%dma_start3A_509 : memref<!tpu.dma_semaphore, #tpu.memory_space<semaphore_mem>>)
      } else {
      }
      %mul3A_351 = arith.constant 5 : i32
      %mul3A_352 = arith.muli %scan3A_265, %mul3A_351 : i32
      %add3A_353 = arith.constant 2 : i32
      %add3A_354 = arith.addi %mul3A_352, %add3A_353 : i32
      %dma_wait3A_355 = arith.constant 2 : i32
      %dma_wait3A_356 = arith.constant 2 : i32
      %dma_wait3A_357 = arith.constant 2 : i32
      %dma_wait3A_358 = arith.constant 0 : i32
      %dma_wait3A_359 = arith.constant 0 : i32
      %dma_wait3A_360 = tpu.memref_slice %arg12[%dma_wait3A_356, %dma_wait3A_358, %dma_wait3A_359] : memref<5x125x64xbf16, #tpu.memory_space<vmem>> -> memref<1x125x64xbf16, #tpu.memory_space<vmem>>
      %dma_wait3A_361 = tpu.memref_squeeze %dma_wait3A_360 : memref<1x125x64xbf16, #tpu.memory_space<vmem>> -> memref<125x64xbf16, #tpu.memory_space<vmem>>
      %dma_wait3A_362 = arith.constant 0 : i32
      %dma_wait3A_363 = tpu.memref_slice %arg10[%dma_wait3A_355, %dma_wait3A_362] : memref<160x125xi32, #tpu.memory_space<vmem>> -> memref<1x125xi32, #tpu.memory_space<vmem>>
      %dma_wait3A_364 = tpu.memref_squeeze %dma_wait3A_363 : memref<1x125xi32, #tpu.memory_space<vmem>> -> memref<125xi32, #tpu.memory_space<vmem>>
      %dma_wait3A_365 = arith.constant 0 : i32
      %dma_wait3A_366 = arith.constant 0 : i32
      %dma_wait3A_367 = tpu.memref_slice %arg2[%dma_wait3A_365, %dma_wait3A_366] : memref<20000x64xbf16, #tpu.memory_space<hbm>> -> memref<20000x64xbf16, #tpu.memory_space<hbm>>
      %dma_wait3A_368 = tpu.memref_slice %arg18[%dma_wait3A_357] : memref<5x!tpu.dma_semaphore, #tpu.memory_space<semaphore_mem>> -> memref<1x!tpu.dma_semaphore, #tpu.memory_space<semaphore_mem>>
      %dma_wait3A_369 = tpu.memref_squeeze %dma_wait3A_368 : memref<1x!tpu.dma_semaphore, #tpu.memory_space<semaphore_mem>> -> memref<!tpu.dma_semaphore, #tpu.memory_space<semaphore_mem>>
      tpu.wait_indirect_dma semaphore(%dma_wait3A_369 : memref<!tpu.dma_semaphore, #tpu.memory_space<semaphore_mem>>) src(%dma_wait3A_367 : memref<20000x64xbf16, #tpu.memory_space<hbm>>) dst(%dma_wait3A_361 : memref<125x64xbf16, #tpu.memory_space<vmem>>)
      %eq3A_370 = arith.constant 0 : i32
      %eq3A_371 = arith.cmpi eq, %arg0, %eq3A_370 : i32
      %convert_element_type3A_372 = arith.extui %eq3A_371 : i1 to i32
      %cond3A_373 = arith.constant 0 : i32
      %cond3A_374 = arith.cmpi ne, %convert_element_type3A_372, %cond3A_373 : i32
      scf.if %cond3A_374 {
        %gt3A = arith.constant 0 : i32
        %gt3A_480 = arith.cmpi sgt, %scan3A_265, %gt3A : i32
        %convert_element_type3A_481 = arith.extui %gt3A_480 : i1 to i32
        %cond3A_482 = arith.constant 0 : i32
        %cond3A_483 = arith.cmpi ne, %convert_element_type3A_481, %cond3A_482 : i32
        scf.if %cond3A_483 {
          %dma_wait3A_493 = arith.constant 2 : i32
          %dma_wait3A_494 = arith.constant 0 : i32
          %dma_wait3A_495 = tpu.memref_slice %arg11[%add3A_354, %dma_wait3A_494] : memref<160x125xi32, #tpu.memory_space<vmem>> -> memref<1x125xi32, #tpu.memory_space<vmem>>
          %dma_wait3A_496 = tpu.memref_squeeze %dma_wait3A_495 : memref<1x125xi32, #tpu.memory_space<vmem>> -> memref<125xi32, #tpu.memory_space<vmem>>
          %dma_wait3A_497 = arith.constant 0 : i32
          %dma_wait3A_498 = arith.constant 0 : i32
          %dma_wait3A_499 = tpu.memref_slice %arg17[%dma_wait3A_497, %dma_wait3A_498] : memref<10240x8xf32, #tpu.memory_space<vmem_shared>> -> memref<10240x8xf32, #tpu.memory_space<vmem_shared>>
          %dma_wait3A_500 = tpu.memref_slice %arg20[%dma_wait3A_493] : memref<5x!tpu.dma_semaphore, #tpu.memory_space<semaphore_mem>> -> memref<1x!tpu.dma_semaphore, #tpu.memory_space<semaphore_mem>>
          %dma_wait3A_501 = tpu.memref_squeeze %dma_wait3A_500 : memref<1x!tpu.dma_semaphore, #tpu.memory_space<semaphore_mem>> -> memref<!tpu.dma_semaphore, #tpu.memory_space<semaphore_mem>>
          tpu.wait_indirect_dma semaphore(%dma_wait3A_501 : memref<!tpu.dma_semaphore, #tpu.memory_space<semaphore_mem>>) src(%arg13 : memref<125x8xf32, #tpu.memory_space<vmem>>) dst(%dma_wait3A_499 : memref<10240x8xf32, #tpu.memory_space<vmem_shared>>)
        } else {
        }
        %dma_start3A_484 = arith.constant 2 : i32
        %dma_start3A_485 = arith.constant 0 : i32
        %dma_start3A_486 = tpu.memref_slice %arg11[%add3A_354, %dma_start3A_485] : memref<160x125xi32, #tpu.memory_space<vmem>> -> memref<1x125xi32, #tpu.memory_space<vmem>>
        %dma_start3A_487 = tpu.memref_squeeze %dma_start3A_486 : memref<1x125xi32, #tpu.memory_space<vmem>> -> memref<125xi32, #tpu.memory_space<vmem>>
        %dma_start3A_488 = arith.constant 0 : i32
        %dma_start3A_489 = arith.constant 0 : i32
        %dma_start3A_490 = tpu.memref_slice %arg17[%dma_start3A_488, %dma_start3A_489] : memref<10240x8xf32, #tpu.memory_space<vmem_shared>> -> memref<10240x8xf32, #tpu.memory_space<vmem_shared>>
        %dma_start3A_491 = tpu.memref_slice %arg20[%dma_start3A_484] : memref<5x!tpu.dma_semaphore, #tpu.memory_space<semaphore_mem>> -> memref<1x!tpu.dma_semaphore, #tpu.memory_space<semaphore_mem>>
        %dma_start3A_492 = tpu.memref_squeeze %dma_start3A_491 : memref<1x!tpu.dma_semaphore, #tpu.memory_space<semaphore_mem>> -> memref<!tpu.dma_semaphore, #tpu.memory_space<semaphore_mem>>
        tpu.enqueue_indirect_dma source(%arg13 : memref<125x8xf32, #tpu.memory_space<vmem>>) target(%dma_start3A_490 : memref<10240x8xf32, #tpu.memory_space<vmem_shared>>) offsets(%dma_start3A_487 : memref<125xi32, #tpu.memory_space<vmem>>) semaphore(%dma_start3A_492 : memref<!tpu.dma_semaphore, #tpu.memory_space<semaphore_mem>>) {add = true}
      } else {
      }
      %dma_start3A_375 = arith.constant 2 : i32
      %dma_start3A_376 = arith.constant 2 : i32
      %dma_start3A_377 = arith.constant 0 : i32
      %dma_start3A_378 = arith.constant 0 : i32
      %dma_start3A_379 = tpu.memref_slice %arg12[%dma_start3A_375, %dma_start3A_377, %dma_start3A_378] : memref<5x125x64xbf16, #tpu.memory_space<vmem>> -> memref<1x125x64xbf16, #tpu.memory_space<vmem>>
      %dma_start3A_380 = tpu.memref_squeeze %dma_start3A_379 : memref<1x125x64xbf16, #tpu.memory_space<vmem>> -> memref<125x64xbf16, #tpu.memory_space<vmem>>
      %dma_start3A_381 = arith.constant 0 : i32
      %dma_start3A_382 = tpu.memref_slice %arg11[%add3A_354, %dma_start3A_381] : memref<160x125xi32, #tpu.memory_space<vmem>> -> memref<1x125xi32, #tpu.memory_space<vmem>>
      %dma_start3A_383 = tpu.memref_squeeze %dma_start3A_382 : memref<1x125xi32, #tpu.memory_space<vmem>> -> memref<125xi32, #tpu.memory_space<vmem>>
      %dma_start3A_384 = arith.constant 0 : i32
      %dma_start3A_385 = arith.constant 0 : i32
      %dma_start3A_386 = tpu.memref_slice %arg16[%dma_start3A_384, %dma_start3A_385] : memref<10240x64xbf16, #tpu.memory_space<vmem_shared>> -> memref<10240x64xbf16, #tpu.memory_space<vmem_shared>>
      %dma_start3A_387 = tpu.memref_slice %arg19[%dma_start3A_376] : memref<5x!tpu.dma_semaphore, #tpu.memory_space<semaphore_mem>> -> memref<1x!tpu.dma_semaphore, #tpu.memory_space<semaphore_mem>>
      %dma_start3A_388 = tpu.memref_squeeze %dma_start3A_387 : memref<1x!tpu.dma_semaphore, #tpu.memory_space<semaphore_mem>> -> memref<!tpu.dma_semaphore, #tpu.memory_space<semaphore_mem>>
      tpu.enqueue_indirect_dma source(%dma_start3A_380 : memref<125x64xbf16, #tpu.memory_space<vmem>>) target(%dma_start3A_386 : memref<10240x64xbf16, #tpu.memory_space<vmem_shared>>) offsets(%dma_start3A_383 : memref<125xi32, #tpu.memory_space<vmem>>) semaphore(%dma_start3A_388 : memref<!tpu.dma_semaphore, #tpu.memory_space<semaphore_mem>>) {add = true}
      %lt3A_389 = arith.constant 31 : i32
      %lt3A_390 = arith.cmpi slt, %scan3A_265, %lt3A_389 : i32
      %convert_element_type3A_391 = arith.extui %lt3A_390 : i1 to i32
      %cond3A_392 = arith.constant 0 : i32
      %cond3A_393 = arith.cmpi ne, %convert_element_type3A_391, %cond3A_392 : i32
      scf.if %cond3A_393 {
        %dma_wait3A_480 = arith.constant 2 : i32
        %dma_wait3A_481 = arith.constant 2 : i32
        %dma_wait3A_482 = arith.constant 0 : i32
        %dma_wait3A_483 = arith.constant 0 : i32
        %dma_wait3A_484 = tpu.memref_slice %arg12[%dma_wait3A_480, %dma_wait3A_482, %dma_wait3A_483] : memref<5x125x64xbf16, #tpu.memory_space<vmem>> -> memref<1x125x64xbf16, #tpu.memory_space<vmem>>
        %dma_wait3A_485 = tpu.memref_squeeze %dma_wait3A_484 : memref<1x125x64xbf16, #tpu.memory_space<vmem>> -> memref<125x64xbf16, #tpu.memory_space<vmem>>
        %dma_wait3A_486 = arith.constant 0 : i32
        %dma_wait3A_487 = tpu.memref_slice %arg11[%add3A_354, %dma_wait3A_486] : memref<160x125xi32, #tpu.memory_space<vmem>> -> memref<1x125xi32, #tpu.memory_space<vmem>>
        %dma_wait3A_488 = tpu.memref_squeeze %dma_wait3A_487 : memref<1x125xi32, #tpu.memory_space<vmem>> -> memref<125xi32, #tpu.memory_space<vmem>>
        %dma_wait3A_489 = arith.constant 0 : i32
        %dma_wait3A_490 = arith.constant 0 : i32
        %dma_wait3A_491 = tpu.memref_slice %arg16[%dma_wait3A_489, %dma_wait3A_490] : memref<10240x64xbf16, #tpu.memory_space<vmem_shared>> -> memref<10240x64xbf16, #tpu.memory_space<vmem_shared>>
        %dma_wait3A_492 = tpu.memref_slice %arg19[%dma_wait3A_481] : memref<5x!tpu.dma_semaphore, #tpu.memory_space<semaphore_mem>> -> memref<1x!tpu.dma_semaphore, #tpu.memory_space<semaphore_mem>>
        %dma_wait3A_493 = tpu.memref_squeeze %dma_wait3A_492 : memref<1x!tpu.dma_semaphore, #tpu.memory_space<semaphore_mem>> -> memref<!tpu.dma_semaphore, #tpu.memory_space<semaphore_mem>>
        tpu.wait_indirect_dma semaphore(%dma_wait3A_493 : memref<!tpu.dma_semaphore, #tpu.memory_space<semaphore_mem>>) src(%dma_wait3A_485 : memref<125x64xbf16, #tpu.memory_space<vmem>>) dst(%dma_wait3A_491 : memref<10240x64xbf16, #tpu.memory_space<vmem_shared>>)
        %add3A_494 = arith.constant 5 : i32
        %add3A_495 = arith.addi %add3A_354, %add3A_494 : i32
        %dma_start3A_496 = arith.constant 2 : i32
        %dma_start3A_497 = arith.constant 2 : i32
        %dma_start3A_498 = arith.constant 0 : i32
        %dma_start3A_499 = arith.constant 0 : i32
        %dma_start3A_500 = tpu.memref_slice %arg12[%dma_start3A_496, %dma_start3A_498, %dma_start3A_499] : memref<5x125x64xbf16, #tpu.memory_space<vmem>> -> memref<1x125x64xbf16, #tpu.memory_space<vmem>>
        %dma_start3A_501 = tpu.memref_squeeze %dma_start3A_500 : memref<1x125x64xbf16, #tpu.memory_space<vmem>> -> memref<125x64xbf16, #tpu.memory_space<vmem>>
        %dma_start3A_502 = arith.constant 0 : i32
        %dma_start3A_503 = tpu.memref_slice %arg10[%add3A_495, %dma_start3A_502] : memref<160x125xi32, #tpu.memory_space<vmem>> -> memref<1x125xi32, #tpu.memory_space<vmem>>
        %dma_start3A_504 = tpu.memref_squeeze %dma_start3A_503 : memref<1x125xi32, #tpu.memory_space<vmem>> -> memref<125xi32, #tpu.memory_space<vmem>>
        %dma_start3A_505 = arith.constant 0 : i32
        %dma_start3A_506 = arith.constant 0 : i32
        %dma_start3A_507 = tpu.memref_slice %arg2[%dma_start3A_505, %dma_start3A_506] : memref<20000x64xbf16, #tpu.memory_space<hbm>> -> memref<20000x64xbf16, #tpu.memory_space<hbm>>
        %dma_start3A_508 = tpu.memref_slice %arg18[%dma_start3A_497] : memref<5x!tpu.dma_semaphore, #tpu.memory_space<semaphore_mem>> -> memref<1x!tpu.dma_semaphore, #tpu.memory_space<semaphore_mem>>
        %dma_start3A_509 = tpu.memref_squeeze %dma_start3A_508 : memref<1x!tpu.dma_semaphore, #tpu.memory_space<semaphore_mem>> -> memref<!tpu.dma_semaphore, #tpu.memory_space<semaphore_mem>>
        tpu.enqueue_indirect_dma source(%dma_start3A_507 : memref<20000x64xbf16, #tpu.memory_space<hbm>>) target(%dma_start3A_501 : memref<125x64xbf16, #tpu.memory_space<vmem>>) offsets(%dma_start3A_504 : memref<125xi32, #tpu.memory_space<vmem>>) semaphore(%dma_start3A_509 : memref<!tpu.dma_semaphore, #tpu.memory_space<semaphore_mem>>)
      } else {
      }
      %mul3A_394 = arith.constant 5 : i32
      %mul3A_395 = arith.muli %scan3A_265, %mul3A_394 : i32
      %add3A_396 = arith.constant 3 : i32
      %add3A_397 = arith.addi %mul3A_395, %add3A_396 : i32
      %dma_wait3A_398 = arith.constant 3 : i32
      %dma_wait3A_399 = arith.constant 3 : i32
      %dma_wait3A_400 = arith.constant 3 : i32
      %dma_wait3A_401 = arith.constant 0 : i32
      %dma_wait3A_402 = arith.constant 0 : i32
      %dma_wait3A_403 = tpu.memref_slice %arg12[%dma_wait3A_399, %dma_wait3A_401, %dma_wait3A_402] : memref<5x125x64xbf16, #tpu.memory_space<vmem>> -> memref<1x125x64xbf16, #tpu.memory_space<vmem>>
      %dma_wait3A_404 = tpu.memref_squeeze %dma_wait3A_403 : memref<1x125x64xbf16, #tpu.memory_space<vmem>> -> memref<125x64xbf16, #tpu.memory_space<vmem>>
      %dma_wait3A_405 = arith.constant 0 : i32
      %dma_wait3A_406 = tpu.memref_slice %arg10[%dma_wait3A_398, %dma_wait3A_405] : memref<160x125xi32, #tpu.memory_space<vmem>> -> memref<1x125xi32, #tpu.memory_space<vmem>>
      %dma_wait3A_407 = tpu.memref_squeeze %dma_wait3A_406 : memref<1x125xi32, #tpu.memory_space<vmem>> -> memref<125xi32, #tpu.memory_space<vmem>>
      %dma_wait3A_408 = arith.constant 0 : i32
      %dma_wait3A_409 = arith.constant 0 : i32
      %dma_wait3A_410 = tpu.memref_slice %arg2[%dma_wait3A_408, %dma_wait3A_409] : memref<20000x64xbf16, #tpu.memory_space<hbm>> -> memref<20000x64xbf16, #tpu.memory_space<hbm>>
      %dma_wait3A_411 = tpu.memref_slice %arg18[%dma_wait3A_400] : memref<5x!tpu.dma_semaphore, #tpu.memory_space<semaphore_mem>> -> memref<1x!tpu.dma_semaphore, #tpu.memory_space<semaphore_mem>>
      %dma_wait3A_412 = tpu.memref_squeeze %dma_wait3A_411 : memref<1x!tpu.dma_semaphore, #tpu.memory_space<semaphore_mem>> -> memref<!tpu.dma_semaphore, #tpu.memory_space<semaphore_mem>>
      tpu.wait_indirect_dma semaphore(%dma_wait3A_412 : memref<!tpu.dma_semaphore, #tpu.memory_space<semaphore_mem>>) src(%dma_wait3A_410 : memref<20000x64xbf16, #tpu.memory_space<hbm>>) dst(%dma_wait3A_404 : memref<125x64xbf16, #tpu.memory_space<vmem>>)
      %eq3A_413 = arith.constant 1 : i32
      %eq3A_414 = arith.cmpi eq, %arg0, %eq3A_413 : i32
      %convert_element_type3A_415 = arith.extui %eq3A_414 : i1 to i32
      %cond3A_416 = arith.constant 0 : i32
      %cond3A_417 = arith.cmpi ne, %convert_element_type3A_415, %cond3A_416 : i32
      scf.if %cond3A_417 {
        %gt3A = arith.constant 0 : i32
        %gt3A_480 = arith.cmpi sgt, %scan3A_265, %gt3A : i32
        %convert_element_type3A_481 = arith.extui %gt3A_480 : i1 to i32
        %cond3A_482 = arith.constant 0 : i32
        %cond3A_483 = arith.cmpi ne, %convert_element_type3A_481, %cond3A_482 : i32
        scf.if %cond3A_483 {
          %dma_wait3A_493 = arith.constant 3 : i32
          %dma_wait3A_494 = arith.constant 0 : i32
          %dma_wait3A_495 = tpu.memref_slice %arg11[%add3A_397, %dma_wait3A_494] : memref<160x125xi32, #tpu.memory_space<vmem>> -> memref<1x125xi32, #tpu.memory_space<vmem>>
          %dma_wait3A_496 = tpu.memref_squeeze %dma_wait3A_495 : memref<1x125xi32, #tpu.memory_space<vmem>> -> memref<125xi32, #tpu.memory_space<vmem>>
          %dma_wait3A_497 = arith.constant 0 : i32
          %dma_wait3A_498 = arith.constant 0 : i32
          %dma_wait3A_499 = tpu.memref_slice %arg17[%dma_wait3A_497, %dma_wait3A_498] : memref<10240x8xf32, #tpu.memory_space<vmem_shared>> -> memref<10240x8xf32, #tpu.memory_space<vmem_shared>>
          %dma_wait3A_500 = tpu.memref_slice %arg20[%dma_wait3A_493] : memref<5x!tpu.dma_semaphore, #tpu.memory_space<semaphore_mem>> -> memref<1x!tpu.dma_semaphore, #tpu.memory_space<semaphore_mem>>
          %dma_wait3A_501 = tpu.memref_squeeze %dma_wait3A_500 : memref<1x!tpu.dma_semaphore, #tpu.memory_space<semaphore_mem>> -> memref<!tpu.dma_semaphore, #tpu.memory_space<semaphore_mem>>
          tpu.wait_indirect_dma semaphore(%dma_wait3A_501 : memref<!tpu.dma_semaphore, #tpu.memory_space<semaphore_mem>>) src(%arg13 : memref<125x8xf32, #tpu.memory_space<vmem>>) dst(%dma_wait3A_499 : memref<10240x8xf32, #tpu.memory_space<vmem_shared>>)
        } else {
        }
        %dma_start3A_484 = arith.constant 3 : i32
        %dma_start3A_485 = arith.constant 0 : i32
        %dma_start3A_486 = tpu.memref_slice %arg11[%add3A_397, %dma_start3A_485] : memref<160x125xi32, #tpu.memory_space<vmem>> -> memref<1x125xi32, #tpu.memory_space<vmem>>
        %dma_start3A_487 = tpu.memref_squeeze %dma_start3A_486 : memref<1x125xi32, #tpu.memory_space<vmem>> -> memref<125xi32, #tpu.memory_space<vmem>>
        %dma_start3A_488 = arith.constant 0 : i32
        %dma_start3A_489 = arith.constant 0 : i32
        %dma_start3A_490 = tpu.memref_slice %arg17[%dma_start3A_488, %dma_start3A_489] : memref<10240x8xf32, #tpu.memory_space<vmem_shared>> -> memref<10240x8xf32, #tpu.memory_space<vmem_shared>>
        %dma_start3A_491 = tpu.memref_slice %arg20[%dma_start3A_484] : memref<5x!tpu.dma_semaphore, #tpu.memory_space<semaphore_mem>> -> memref<1x!tpu.dma_semaphore, #tpu.memory_space<semaphore_mem>>
        %dma_start3A_492 = tpu.memref_squeeze %dma_start3A_491 : memref<1x!tpu.dma_semaphore, #tpu.memory_space<semaphore_mem>> -> memref<!tpu.dma_semaphore, #tpu.memory_space<semaphore_mem>>
        tpu.enqueue_indirect_dma source(%arg13 : memref<125x8xf32, #tpu.memory_space<vmem>>) target(%dma_start3A_490 : memref<10240x8xf32, #tpu.memory_space<vmem_shared>>) offsets(%dma_start3A_487 : memref<125xi32, #tpu.memory_space<vmem>>) semaphore(%dma_start3A_492 : memref<!tpu.dma_semaphore, #tpu.memory_space<semaphore_mem>>) {add = true}
      } else {
      }
      %dma_start3A_418 = arith.constant 3 : i32
      %dma_start3A_419 = arith.constant 3 : i32
      %dma_start3A_420 = arith.constant 0 : i32
      %dma_start3A_421 = arith.constant 0 : i32
      %dma_start3A_422 = tpu.memref_slice %arg12[%dma_start3A_418, %dma_start3A_420, %dma_start3A_421] : memref<5x125x64xbf16, #tpu.memory_space<vmem>> -> memref<1x125x64xbf16, #tpu.memory_space<vmem>>
      %dma_start3A_423 = tpu.memref_squeeze %dma_start3A_422 : memref<1x125x64xbf16, #tpu.memory_space<vmem>> -> memref<125x64xbf16, #tpu.memory_space<vmem>>
      %dma_start3A_424 = arith.constant 0 : i32
      %dma_start3A_425 = tpu.memref_slice %arg11[%add3A_397, %dma_start3A_424] : memref<160x125xi32, #tpu.memory_space<vmem>> -> memref<1x125xi32, #tpu.memory_space<vmem>>
      %dma_start3A_426 = tpu.memref_squeeze %dma_start3A_425 : memref<1x125xi32, #tpu.memory_space<vmem>> -> memref<125xi32, #tpu.memory_space<vmem>>
      %dma_start3A_427 = arith.constant 0 : i32
      %dma_start3A_428 = arith.constant 0 : i32
      %dma_start3A_429 = tpu.memref_slice %arg16[%dma_start3A_427, %dma_start3A_428] : memref<10240x64xbf16, #tpu.memory_space<vmem_shared>> -> memref<10240x64xbf16, #tpu.memory_space<vmem_shared>>
      %dma_start3A_430 = tpu.memref_slice %arg19[%dma_start3A_419] : memref<5x!tpu.dma_semaphore, #tpu.memory_space<semaphore_mem>> -> memref<1x!tpu.dma_semaphore, #tpu.memory_space<semaphore_mem>>
      %dma_start3A_431 = tpu.memref_squeeze %dma_start3A_430 : memref<1x!tpu.dma_semaphore, #tpu.memory_space<semaphore_mem>> -> memref<!tpu.dma_semaphore, #tpu.memory_space<semaphore_mem>>
      tpu.enqueue_indirect_dma source(%dma_start3A_423 : memref<125x64xbf16, #tpu.memory_space<vmem>>) target(%dma_start3A_429 : memref<10240x64xbf16, #tpu.memory_space<vmem_shared>>) offsets(%dma_start3A_426 : memref<125xi32, #tpu.memory_space<vmem>>) semaphore(%dma_start3A_431 : memref<!tpu.dma_semaphore, #tpu.memory_space<semaphore_mem>>) {add = true}
      %lt3A_432 = arith.constant 31 : i32
      %lt3A_433 = arith.cmpi slt, %scan3A_265, %lt3A_432 : i32
      %convert_element_type3A_434 = arith.extui %lt3A_433 : i1 to i32
      %cond3A_435 = arith.constant 0 : i32
      %cond3A_436 = arith.cmpi ne, %convert_element_type3A_434, %cond3A_435 : i32
      scf.if %cond3A_436 {
        %dma_wait3A_480 = arith.constant 3 : i32
        %dma_wait3A_481 = arith.constant 3 : i32
        %dma_wait3A_482 = arith.constant 0 : i32
        %dma_wait3A_483 = arith.constant 0 : i32
        %dma_wait3A_484 = tpu.memref_slice %arg12[%dma_wait3A_480, %dma_wait3A_482, %dma_wait3A_483] : memref<5x125x64xbf16, #tpu.memory_space<vmem>> -> memref<1x125x64xbf16, #tpu.memory_space<vmem>>
        %dma_wait3A_485 = tpu.memref_squeeze %dma_wait3A_484 : memref<1x125x64xbf16, #tpu.memory_space<vmem>> -> memref<125x64xbf16, #tpu.memory_space<vmem>>
        %dma_wait3A_486 = arith.constant 0 : i32
        %dma_wait3A_487 = tpu.memref_slice %arg11[%add3A_397, %dma_wait3A_486] : memref<160x125xi32, #tpu.memory_space<vmem>> -> memref<1x125xi32, #tpu.memory_space<vmem>>
        %dma_wait3A_488 = tpu.memref_squeeze %dma_wait3A_487 : memref<1x125xi32, #tpu.memory_space<vmem>> -> memref<125xi32, #tpu.memory_space<vmem>>
        %dma_wait3A_489 = arith.constant 0 : i32
        %dma_wait3A_490 = arith.constant 0 : i32
        %dma_wait3A_491 = tpu.memref_slice %arg16[%dma_wait3A_489, %dma_wait3A_490] : memref<10240x64xbf16, #tpu.memory_space<vmem_shared>> -> memref<10240x64xbf16, #tpu.memory_space<vmem_shared>>
        %dma_wait3A_492 = tpu.memref_slice %arg19[%dma_wait3A_481] : memref<5x!tpu.dma_semaphore, #tpu.memory_space<semaphore_mem>> -> memref<1x!tpu.dma_semaphore, #tpu.memory_space<semaphore_mem>>
        %dma_wait3A_493 = tpu.memref_squeeze %dma_wait3A_492 : memref<1x!tpu.dma_semaphore, #tpu.memory_space<semaphore_mem>> -> memref<!tpu.dma_semaphore, #tpu.memory_space<semaphore_mem>>
        tpu.wait_indirect_dma semaphore(%dma_wait3A_493 : memref<!tpu.dma_semaphore, #tpu.memory_space<semaphore_mem>>) src(%dma_wait3A_485 : memref<125x64xbf16, #tpu.memory_space<vmem>>) dst(%dma_wait3A_491 : memref<10240x64xbf16, #tpu.memory_space<vmem_shared>>)
        %add3A_494 = arith.constant 5 : i32
        %add3A_495 = arith.addi %add3A_397, %add3A_494 : i32
        %dma_start3A_496 = arith.constant 3 : i32
        %dma_start3A_497 = arith.constant 3 : i32
        %dma_start3A_498 = arith.constant 0 : i32
        %dma_start3A_499 = arith.constant 0 : i32
        %dma_start3A_500 = tpu.memref_slice %arg12[%dma_start3A_496, %dma_start3A_498, %dma_start3A_499] : memref<5x125x64xbf16, #tpu.memory_space<vmem>> -> memref<1x125x64xbf16, #tpu.memory_space<vmem>>
        %dma_start3A_501 = tpu.memref_squeeze %dma_start3A_500 : memref<1x125x64xbf16, #tpu.memory_space<vmem>> -> memref<125x64xbf16, #tpu.memory_space<vmem>>
        %dma_start3A_502 = arith.constant 0 : i32
        %dma_start3A_503 = tpu.memref_slice %arg10[%add3A_495, %dma_start3A_502] : memref<160x125xi32, #tpu.memory_space<vmem>> -> memref<1x125xi32, #tpu.memory_space<vmem>>
        %dma_start3A_504 = tpu.memref_squeeze %dma_start3A_503 : memref<1x125xi32, #tpu.memory_space<vmem>> -> memref<125xi32, #tpu.memory_space<vmem>>
        %dma_start3A_505 = arith.constant 0 : i32
        %dma_start3A_506 = arith.constant 0 : i32
        %dma_start3A_507 = tpu.memref_slice %arg2[%dma_start3A_505, %dma_start3A_506] : memref<20000x64xbf16, #tpu.memory_space<hbm>> -> memref<20000x64xbf16, #tpu.memory_space<hbm>>
        %dma_start3A_508 = tpu.memref_slice %arg18[%dma_start3A_497] : memref<5x!tpu.dma_semaphore, #tpu.memory_space<semaphore_mem>> -> memref<1x!tpu.dma_semaphore, #tpu.memory_space<semaphore_mem>>
        %dma_start3A_509 = tpu.memref_squeeze %dma_start3A_508 : memref<1x!tpu.dma_semaphore, #tpu.memory_space<semaphore_mem>> -> memref<!tpu.dma_semaphore, #tpu.memory_space<semaphore_mem>>
        tpu.enqueue_indirect_dma source(%dma_start3A_507 : memref<20000x64xbf16, #tpu.memory_space<hbm>>) target(%dma_start3A_501 : memref<125x64xbf16, #tpu.memory_space<vmem>>) offsets(%dma_start3A_504 : memref<125xi32, #tpu.memory_space<vmem>>) semaphore(%dma_start3A_509 : memref<!tpu.dma_semaphore, #tpu.memory_space<semaphore_mem>>)
      } else {
      }
      %mul3A_437 = arith.constant 5 : i32
      %mul3A_438 = arith.muli %scan3A_265, %mul3A_437 : i32
      %add3A_439 = arith.constant 4 : i32
      %add3A_440 = arith.addi %mul3A_438, %add3A_439 : i32
      %dma_wait3A_441 = arith.constant 4 : i32
      %dma_wait3A_442 = arith.constant 4 : i32
      %dma_wait3A_443 = arith.constant 4 : i32
      %dma_wait3A_444 = arith.constant 0 : i32
      %dma_wait3A_445 = arith.constant 0 : i32
      %dma_wait3A_446 = tpu.memref_slice %arg12[%dma_wait3A_442, %dma_wait3A_444, %dma_wait3A_445] : memref<5x125x64xbf16, #tpu.memory_space<vmem>> -> memref<1x125x64xbf16, #tpu.memory_space<vmem>>
      %dma_wait3A_447 = tpu.memref_squeeze %dma_wait3A_446 : memref<1x125x64xbf16, #tpu.memory_space<vmem>> -> memref<125x64xbf16, #tpu.memory_space<vmem>>
      %dma_wait3A_448 = arith.constant 0 : i32
      %dma_wait3A_449 = tpu.memref_slice %arg10[%dma_wait3A_441, %dma_wait3A_448] : memref<160x125xi32, #tpu.memory_space<vmem>> -> memref<1x125xi32, #tpu.memory_space<vmem>>
      %dma_wait3A_450 = tpu.memref_squeeze %dma_wait3A_449 : memref<1x125xi32, #tpu.memory_space<vmem>> -> memref<125xi32, #tpu.memory_space<vmem>>
      %dma_wait3A_451 = arith.constant 0 : i32
      %dma_wait3A_452 = arith.constant 0 : i32
      %dma_wait3A_453 = tpu.memref_slice %arg2[%dma_wait3A_451, %dma_wait3A_452] : memref<20000x64xbf16, #tpu.memory_space<hbm>> -> memref<20000x64xbf16, #tpu.memory_space<hbm>>
      %dma_wait3A_454 = tpu.memref_slice %arg18[%dma_wait3A_443] : memref<5x!tpu.dma_semaphore, #tpu.memory_space<semaphore_mem>> -> memref<1x!tpu.dma_semaphore, #tpu.memory_space<semaphore_mem>>
      %dma_wait3A_455 = tpu.memref_squeeze %dma_wait3A_454 : memref<1x!tpu.dma_semaphore, #tpu.memory_space<semaphore_mem>> -> memref<!tpu.dma_semaphore, #tpu.memory_space<semaphore_mem>>
      tpu.wait_indirect_dma semaphore(%dma_wait3A_455 : memref<!tpu.dma_semaphore, #tpu.memory_space<semaphore_mem>>) src(%dma_wait3A_453 : memref<20000x64xbf16, #tpu.memory_space<hbm>>) dst(%dma_wait3A_447 : memref<125x64xbf16, #tpu.memory_space<vmem>>)
      %eq3A_456 = arith.constant 1 : i32
      %eq3A_457 = arith.cmpi eq, %arg0, %eq3A_456 : i32
      %convert_element_type3A_458 = arith.extui %eq3A_457 : i1 to i32
      %cond3A_459 = arith.constant 0 : i32
      %cond3A_460 = arith.cmpi ne, %convert_element_type3A_458, %cond3A_459 : i32
      scf.if %cond3A_460 {
        %gt3A = arith.constant 0 : i32
        %gt3A_480 = arith.cmpi sgt, %scan3A_265, %gt3A : i32
        %convert_element_type3A_481 = arith.extui %gt3A_480 : i1 to i32
        %cond3A_482 = arith.constant 0 : i32
        %cond3A_483 = arith.cmpi ne, %convert_element_type3A_481, %cond3A_482 : i32
        scf.if %cond3A_483 {
          %dma_wait3A_493 = arith.constant 4 : i32
          %dma_wait3A_494 = arith.constant 0 : i32
          %dma_wait3A_495 = tpu.memref_slice %arg11[%add3A_440, %dma_wait3A_494] : memref<160x125xi32, #tpu.memory_space<vmem>> -> memref<1x125xi32, #tpu.memory_space<vmem>>
          %dma_wait3A_496 = tpu.memref_squeeze %dma_wait3A_495 : memref<1x125xi32, #tpu.memory_space<vmem>> -> memref<125xi32, #tpu.memory_space<vmem>>
          %dma_wait3A_497 = arith.constant 0 : i32
          %dma_wait3A_498 = arith.constant 0 : i32
          %dma_wait3A_499 = tpu.memref_slice %arg17[%dma_wait3A_497, %dma_wait3A_498] : memref<10240x8xf32, #tpu.memory_space<vmem_shared>> -> memref<10240x8xf32, #tpu.memory_space<vmem_shared>>
          %dma_wait3A_500 = tpu.memref_slice %arg20[%dma_wait3A_493] : memref<5x!tpu.dma_semaphore, #tpu.memory_space<semaphore_mem>> -> memref<1x!tpu.dma_semaphore, #tpu.memory_space<semaphore_mem>>
          %dma_wait3A_501 = tpu.memref_squeeze %dma_wait3A_500 : memref<1x!tpu.dma_semaphore, #tpu.memory_space<semaphore_mem>> -> memref<!tpu.dma_semaphore, #tpu.memory_space<semaphore_mem>>
          tpu.wait_indirect_dma semaphore(%dma_wait3A_501 : memref<!tpu.dma_semaphore, #tpu.memory_space<semaphore_mem>>) src(%arg13 : memref<125x8xf32, #tpu.memory_space<vmem>>) dst(%dma_wait3A_499 : memref<10240x8xf32, #tpu.memory_space<vmem_shared>>)
        } else {
        }
        %dma_start3A_484 = arith.constant 4 : i32
        %dma_start3A_485 = arith.constant 0 : i32
        %dma_start3A_486 = tpu.memref_slice %arg11[%add3A_440, %dma_start3A_485] : memref<160x125xi32, #tpu.memory_space<vmem>> -> memref<1x125xi32, #tpu.memory_space<vmem>>
        %dma_start3A_487 = tpu.memref_squeeze %dma_start3A_486 : memref<1x125xi32, #tpu.memory_space<vmem>> -> memref<125xi32, #tpu.memory_space<vmem>>
        %dma_start3A_488 = arith.constant 0 : i32
        %dma_start3A_489 = arith.constant 0 : i32
        %dma_start3A_490 = tpu.memref_slice %arg17[%dma_start3A_488, %dma_start3A_489] : memref<10240x8xf32, #tpu.memory_space<vmem_shared>> -> memref<10240x8xf32, #tpu.memory_space<vmem_shared>>
        %dma_start3A_491 = tpu.memref_slice %arg20[%dma_start3A_484] : memref<5x!tpu.dma_semaphore, #tpu.memory_space<semaphore_mem>> -> memref<1x!tpu.dma_semaphore, #tpu.memory_space<semaphore_mem>>
        %dma_start3A_492 = tpu.memref_squeeze %dma_start3A_491 : memref<1x!tpu.dma_semaphore, #tpu.memory_space<semaphore_mem>> -> memref<!tpu.dma_semaphore, #tpu.memory_space<semaphore_mem>>
        tpu.enqueue_indirect_dma source(%arg13 : memref<125x8xf32, #tpu.memory_space<vmem>>) target(%dma_start3A_490 : memref<10240x8xf32, #tpu.memory_space<vmem_shared>>) offsets(%dma_start3A_487 : memref<125xi32, #tpu.memory_space<vmem>>) semaphore(%dma_start3A_492 : memref<!tpu.dma_semaphore, #tpu.memory_space<semaphore_mem>>) {add = true}
      } else {
      }
      %dma_start3A_461 = arith.constant 4 : i32
      %dma_start3A_462 = arith.constant 4 : i32
      %dma_start3A_463 = arith.constant 0 : i32
      %dma_start3A_464 = arith.constant 0 : i32
      %dma_start3A_465 = tpu.memref_slice %arg12[%dma_start3A_461, %dma_start3A_463, %dma_start3A_464] : memref<5x125x64xbf16, #tpu.memory_space<vmem>> -> memref<1x125x64xbf16, #tpu.memory_space<vmem>>
      %dma_start3A_466 = tpu.memref_squeeze %dma_start3A_465 : memref<1x125x64xbf16, #tpu.memory_space<vmem>> -> memref<125x64xbf16, #tpu.memory_space<vmem>>
      %dma_start3A_467 = arith.constant 0 : i32
      %dma_start3A_468 = tpu.memref_slice %arg11[%add3A_440, %dma_start3A_467] : memref<160x125xi32, #tpu.memory_space<vmem>> -> memref<1x125xi32, #tpu.memory_space<vmem>>
      %dma_start3A_469 = tpu.memref_squeeze %dma_start3A_468 : memref<1x125xi32, #tpu.memory_space<vmem>> -> memref<125xi32, #tpu.memory_space<vmem>>
      %dma_start3A_470 = arith.constant 0 : i32
      %dma_start3A_471 = arith.constant 0 : i32
      %dma_start3A_472 = tpu.memref_slice %arg16[%dma_start3A_470, %dma_start3A_471] : memref<10240x64xbf16, #tpu.memory_space<vmem_shared>> -> memref<10240x64xbf16, #tpu.memory_space<vmem_shared>>
      %dma_start3A_473 = tpu.memref_slice %arg19[%dma_start3A_462] : memref<5x!tpu.dma_semaphore, #tpu.memory_space<semaphore_mem>> -> memref<1x!tpu.dma_semaphore, #tpu.memory_space<semaphore_mem>>
      %dma_start3A_474 = tpu.memref_squeeze %dma_start3A_473 : memref<1x!tpu.dma_semaphore, #tpu.memory_space<semaphore_mem>> -> memref<!tpu.dma_semaphore, #tpu.memory_space<semaphore_mem>>
      tpu.enqueue_indirect_dma source(%dma_start3A_466 : memref<125x64xbf16, #tpu.memory_space<vmem>>) target(%dma_start3A_472 : memref<10240x64xbf16, #tpu.memory_space<vmem_shared>>) offsets(%dma_start3A_469 : memref<125xi32, #tpu.memory_space<vmem>>) semaphore(%dma_start3A_474 : memref<!tpu.dma_semaphore, #tpu.memory_space<semaphore_mem>>) {add = true}
      %lt3A_475 = arith.constant 31 : i32
      %lt3A_476 = arith.cmpi slt, %scan3A_265, %lt3A_475 : i32
      %convert_element_type3A_477 = arith.extui %lt3A_476 : i1 to i32
      %cond3A_478 = arith.constant 0 : i32
      %cond3A_479 = arith.cmpi ne, %convert_element_type3A_477, %cond3A_478 : i32
      scf.if %cond3A_479 {
        %dma_wait3A_480 = arith.constant 4 : i32
        %dma_wait3A_481 = arith.constant 4 : i32
        %dma_wait3A_482 = arith.constant 0 : i32
        %dma_wait3A_483 = arith.constant 0 : i32
        %dma_wait3A_484 = tpu.memref_slice %arg12[%dma_wait3A_480, %dma_wait3A_482, %dma_wait3A_483] : memref<5x125x64xbf16, #tpu.memory_space<vmem>> -> memref<1x125x64xbf16, #tpu.memory_space<vmem>>
        %dma_wait3A_485 = tpu.memref_squeeze %dma_wait3A_484 : memref<1x125x64xbf16, #tpu.memory_space<vmem>> -> memref<125x64xbf16, #tpu.memory_space<vmem>>
        %dma_wait3A_486 = arith.constant 0 : i32
        %dma_wait3A_487 = tpu.memref_slice %arg11[%add3A_440, %dma_wait3A_486] : memref<160x125xi32, #tpu.memory_space<vmem>> -> memref<1x125xi32, #tpu.memory_space<vmem>>
        %dma_wait3A_488 = tpu.memref_squeeze %dma_wait3A_487 : memref<1x125xi32, #tpu.memory_space<vmem>> -> memref<125xi32, #tpu.memory_space<vmem>>
        %dma_wait3A_489 = arith.constant 0 : i32
        %dma_wait3A_490 = arith.constant 0 : i32
        %dma_wait3A_491 = tpu.memref_slice %arg16[%dma_wait3A_489, %dma_wait3A_490] : memref<10240x64xbf16, #tpu.memory_space<vmem_shared>> -> memref<10240x64xbf16, #tpu.memory_space<vmem_shared>>
        %dma_wait3A_492 = tpu.memref_slice %arg19[%dma_wait3A_481] : memref<5x!tpu.dma_semaphore, #tpu.memory_space<semaphore_mem>> -> memref<1x!tpu.dma_semaphore, #tpu.memory_space<semaphore_mem>>
        %dma_wait3A_493 = tpu.memref_squeeze %dma_wait3A_492 : memref<1x!tpu.dma_semaphore, #tpu.memory_space<semaphore_mem>> -> memref<!tpu.dma_semaphore, #tpu.memory_space<semaphore_mem>>
        tpu.wait_indirect_dma semaphore(%dma_wait3A_493 : memref<!tpu.dma_semaphore, #tpu.memory_space<semaphore_mem>>) src(%dma_wait3A_485 : memref<125x64xbf16, #tpu.memory_space<vmem>>) dst(%dma_wait3A_491 : memref<10240x64xbf16, #tpu.memory_space<vmem_shared>>)
        %add3A_494 = arith.constant 5 : i32
        %add3A_495 = arith.addi %add3A_440, %add3A_494 : i32
        %dma_start3A_496 = arith.constant 4 : i32
        %dma_start3A_497 = arith.constant 4 : i32
        %dma_start3A_498 = arith.constant 0 : i32
        %dma_start3A_499 = arith.constant 0 : i32
        %dma_start3A_500 = tpu.memref_slice %arg12[%dma_start3A_496, %dma_start3A_498, %dma_start3A_499] : memref<5x125x64xbf16, #tpu.memory_space<vmem>> -> memref<1x125x64xbf16, #tpu.memory_space<vmem>>
        %dma_start3A_501 = tpu.memref_squeeze %dma_start3A_500 : memref<1x125x64xbf16, #tpu.memory_space<vmem>> -> memref<125x64xbf16, #tpu.memory_space<vmem>>
        %dma_start3A_502 = arith.constant 0 : i32
        %dma_start3A_503 = tpu.memref_slice %arg10[%add3A_495, %dma_start3A_502] : memref<160x125xi32, #tpu.memory_space<vmem>> -> memref<1x125xi32, #tpu.memory_space<vmem>>
        %dma_start3A_504 = tpu.memref_squeeze %dma_start3A_503 : memref<1x125xi32, #tpu.memory_space<vmem>> -> memref<125xi32, #tpu.memory_space<vmem>>
        %dma_start3A_505 = arith.constant 0 : i32
        %dma_start3A_506 = arith.constant 0 : i32
        %dma_start3A_507 = tpu.memref_slice %arg2[%dma_start3A_505, %dma_start3A_506] : memref<20000x64xbf16, #tpu.memory_space<hbm>> -> memref<20000x64xbf16, #tpu.memory_space<hbm>>
        %dma_start3A_508 = tpu.memref_slice %arg18[%dma_start3A_497] : memref<5x!tpu.dma_semaphore, #tpu.memory_space<semaphore_mem>> -> memref<1x!tpu.dma_semaphore, #tpu.memory_space<semaphore_mem>>
        %dma_start3A_509 = tpu.memref_squeeze %dma_start3A_508 : memref<1x!tpu.dma_semaphore, #tpu.memory_space<semaphore_mem>> -> memref<!tpu.dma_semaphore, #tpu.memory_space<semaphore_mem>>
        tpu.enqueue_indirect_dma source(%dma_start3A_507 : memref<20000x64xbf16, #tpu.memory_space<hbm>>) target(%dma_start3A_501 : memref<125x64xbf16, #tpu.memory_space<vmem>>) offsets(%dma_start3A_504 : memref<125xi32, #tpu.memory_space<vmem>>) semaphore(%dma_start3A_509 : memref<!tpu.dma_semaphore, #tpu.memory_space<semaphore_mem>>)
      } else {
      }
    }
    %scan3A_129 = arith.constant 32 : i32
    %dma_wait3A_130 = arith.constant 0 : i32
    %dma_wait3A_131 = arith.constant 155 : i32
    %dma_wait3A_132 = arith.constant 0 : i32
    %dma_wait3A_133 = arith.constant 0 : i32
    %dma_wait3A_134 = arith.constant 0 : i32
    %dma_wait3A_135 = tpu.memref_slice %arg12[%dma_wait3A_130, %dma_wait3A_133, %dma_wait3A_134] : memref<5x125x64xbf16, #tpu.memory_space<vmem>> -> memref<1x125x64xbf16, #tpu.memory_space<vmem>>
    %dma_wait3A_136 = tpu.memref_squeeze %dma_wait3A_135 : memref<1x125x64xbf16, #tpu.memory_space<vmem>> -> memref<125x64xbf16, #tpu.memory_space<vmem>>
    %dma_wait3A_137 = arith.constant 0 : i32
    %dma_wait3A_138 = tpu.memref_slice %arg11[%dma_wait3A_131, %dma_wait3A_137] : memref<160x125xi32, #tpu.memory_space<vmem>> -> memref<1x125xi32, #tpu.memory_space<vmem>>
    %dma_wait3A_139 = tpu.memref_squeeze %dma_wait3A_138 : memref<1x125xi32, #tpu.memory_space<vmem>> -> memref<125xi32, #tpu.memory_space<vmem>>
    %dma_wait3A_140 = arith.constant 0 : i32
    %dma_wait3A_141 = arith.constant 0 : i32
    %dma_wait3A_142 = tpu.memref_slice %arg16[%dma_wait3A_140, %dma_wait3A_141] : memref<10240x64xbf16, #tpu.memory_space<vmem_shared>> -> memref<10240x64xbf16, #tpu.memory_space<vmem_shared>>
    %dma_wait3A_143 = tpu.memref_slice %arg19[%dma_wait3A_132] : memref<5x!tpu.dma_semaphore, #tpu.memory_space<semaphore_mem>> -> memref<1x!tpu.dma_semaphore, #tpu.memory_space<semaphore_mem>>
    %dma_wait3A_144 = tpu.memref_squeeze %dma_wait3A_143 : memref<1x!tpu.dma_semaphore, #tpu.memory_space<semaphore_mem>> -> memref<!tpu.dma_semaphore, #tpu.memory_space<semaphore_mem>>
    tpu.wait_indirect_dma semaphore(%dma_wait3A_144 : memref<!tpu.dma_semaphore, #tpu.memory_space<semaphore_mem>>) src(%dma_wait3A_136 : memref<125x64xbf16, #tpu.memory_space<vmem>>) dst(%dma_wait3A_142 : memref<10240x64xbf16, #tpu.memory_space<vmem_shared>>)
    %eq3A = arith.constant 0 : i32
    %eq3A_145 = arith.cmpi eq, %arg0, %eq3A : i32
    %convert_element_type3A = arith.extui %eq3A_145 : i1 to i32
    %cond3A = arith.constant 0 : i32
    %cond3A_146 = arith.cmpi ne, %convert_element_type3A, %cond3A : i32
    scf.if %cond3A_146 {
      %dma_wait3A_265 = arith.constant 155 : i32
      %dma_wait3A_266 = arith.constant 0 : i32
      %dma_wait3A_267 = arith.constant 0 : i32
      %dma_wait3A_268 = tpu.memref_slice %arg11[%dma_wait3A_265, %dma_wait3A_267] : memref<160x125xi32, #tpu.memory_space<vmem>> -> memref<1x125xi32, #tpu.memory_space<vmem>>
      %dma_wait3A_269 = tpu.memref_squeeze %dma_wait3A_268 : memref<1x125xi32, #tpu.memory_space<vmem>> -> memref<125xi32, #tpu.memory_space<vmem>>
      %dma_wait3A_270 = arith.constant 0 : i32
      %dma_wait3A_271 = arith.constant 0 : i32
      %dma_wait3A_272 = tpu.memref_slice %arg17[%dma_wait3A_270, %dma_wait3A_271] : memref<10240x8xf32, #tpu.memory_space<vmem_shared>> -> memref<10240x8xf32, #tpu.memory_space<vmem_shared>>
      %dma_wait3A_273 = tpu.memref_slice %arg20[%dma_wait3A_266] : memref<5x!tpu.dma_semaphore, #tpu.memory_space<semaphore_mem>> -> memref<1x!tpu.dma_semaphore, #tpu.memory_space<semaphore_mem>>
      %dma_wait3A_274 = tpu.memref_squeeze %dma_wait3A_273 : memref<1x!tpu.dma_semaphore, #tpu.memory_space<semaphore_mem>> -> memref<!tpu.dma_semaphore, #tpu.memory_space<semaphore_mem>>
      tpu.wait_indirect_dma semaphore(%dma_wait3A_274 : memref<!tpu.dma_semaphore, #tpu.memory_space<semaphore_mem>>) src(%arg13 : memref<125x8xf32, #tpu.memory_space<vmem>>) dst(%dma_wait3A_272 : memref<10240x8xf32, #tpu.memory_space<vmem_shared>>)
    } else {
    }
    %dma_wait3A_147 = arith.constant 1 : i32
    %dma_wait3A_148 = arith.constant 156 : i32
    %dma_wait3A_149 = arith.constant 1 : i32
    %dma_wait3A_150 = arith.constant 0 : i32
    %dma_wait3A_151 = arith.constant 0 : i32
    %dma_wait3A_152 = tpu.memref_slice %arg12[%dma_wait3A_147, %dma_wait3A_150, %dma_wait3A_151] : memref<5x125x64xbf16, #tpu.memory_space<vmem>> -> memref<1x125x64xbf16, #tpu.memory_space<vmem>>
    %dma_wait3A_153 = tpu.memref_squeeze %dma_wait3A_152 : memref<1x125x64xbf16, #tpu.memory_space<vmem>> -> memref<125x64xbf16, #tpu.memory_space<vmem>>
    %dma_wait3A_154 = arith.constant 0 : i32
    %dma_wait3A_155 = tpu.memref_slice %arg11[%dma_wait3A_148, %dma_wait3A_154] : memref<160x125xi32, #tpu.memory_space<vmem>> -> memref<1x125xi32, #tpu.memory_space<vmem>>
    %dma_wait3A_156 = tpu.memref_squeeze %dma_wait3A_155 : memref<1x125xi32, #tpu.memory_space<vmem>> -> memref<125xi32, #tpu.memory_space<vmem>>
    %dma_wait3A_157 = arith.constant 0 : i32
    %dma_wait3A_158 = arith.constant 0 : i32
    %dma_wait3A_159 = tpu.memref_slice %arg16[%dma_wait3A_157, %dma_wait3A_158] : memref<10240x64xbf16, #tpu.memory_space<vmem_shared>> -> memref<10240x64xbf16, #tpu.memory_space<vmem_shared>>
    %dma_wait3A_160 = tpu.memref_slice %arg19[%dma_wait3A_149] : memref<5x!tpu.dma_semaphore, #tpu.memory_space<semaphore_mem>> -> memref<1x!tpu.dma_semaphore, #tpu.memory_space<semaphore_mem>>
    %dma_wait3A_161 = tpu.memref_squeeze %dma_wait3A_160 : memref<1x!tpu.dma_semaphore, #tpu.memory_space<semaphore_mem>> -> memref<!tpu.dma_semaphore, #tpu.memory_space<semaphore_mem>>
    tpu.wait_indirect_dma semaphore(%dma_wait3A_161 : memref<!tpu.dma_semaphore, #tpu.memory_space<semaphore_mem>>) src(%dma_wait3A_153 : memref<125x64xbf16, #tpu.memory_space<vmem>>) dst(%dma_wait3A_159 : memref<10240x64xbf16, #tpu.memory_space<vmem_shared>>)
    %eq3A_162 = arith.constant 0 : i32
    %eq3A_163 = arith.cmpi eq, %arg0, %eq3A_162 : i32
    %convert_element_type3A_164 = arith.extui %eq3A_163 : i1 to i32
    %cond3A_165 = arith.constant 0 : i32
    %cond3A_166 = arith.cmpi ne, %convert_element_type3A_164, %cond3A_165 : i32
    scf.if %cond3A_166 {
      %dma_wait3A_265 = arith.constant 156 : i32
      %dma_wait3A_266 = arith.constant 1 : i32
      %dma_wait3A_267 = arith.constant 0 : i32
      %dma_wait3A_268 = tpu.memref_slice %arg11[%dma_wait3A_265, %dma_wait3A_267] : memref<160x125xi32, #tpu.memory_space<vmem>> -> memref<1x125xi32, #tpu.memory_space<vmem>>
      %dma_wait3A_269 = tpu.memref_squeeze %dma_wait3A_268 : memref<1x125xi32, #tpu.memory_space<vmem>> -> memref<125xi32, #tpu.memory_space<vmem>>
      %dma_wait3A_270 = arith.constant 0 : i32
      %dma_wait3A_271 = arith.constant 0 : i32
      %dma_wait3A_272 = tpu.memref_slice %arg17[%dma_wait3A_270, %dma_wait3A_271] : memref<10240x8xf32, #tpu.memory_space<vmem_shared>> -> memref<10240x8xf32, #tpu.memory_space<vmem_shared>>
      %dma_wait3A_273 = tpu.memref_slice %arg20[%dma_wait3A_266] : memref<5x!tpu.dma_semaphore, #tpu.memory_space<semaphore_mem>> -> memref<1x!tpu.dma_semaphore, #tpu.memory_space<semaphore_mem>>
      %dma_wait3A_274 = tpu.memref_squeeze %dma_wait3A_273 : memref<1x!tpu.dma_semaphore, #tpu.memory_space<semaphore_mem>> -> memref<!tpu.dma_semaphore, #tpu.memory_space<semaphore_mem>>
      tpu.wait_indirect_dma semaphore(%dma_wait3A_274 : memref<!tpu.dma_semaphore, #tpu.memory_space<semaphore_mem>>) src(%arg13 : memref<125x8xf32, #tpu.memory_space<vmem>>) dst(%dma_wait3A_272 : memref<10240x8xf32, #tpu.memory_space<vmem_shared>>)
    } else {
    }
    %dma_wait3A_167 = arith.constant 2 : i32
    %dma_wait3A_168 = arith.constant 157 : i32
    %dma_wait3A_169 = arith.constant 2 : i32
    %dma_wait3A_170 = arith.constant 0 : i32
    %dma_wait3A_171 = arith.constant 0 : i32
    %dma_wait3A_172 = tpu.memref_slice %arg12[%dma_wait3A_167, %dma_wait3A_170, %dma_wait3A_171] : memref<5x125x64xbf16, #tpu.memory_space<vmem>> -> memref<1x125x64xbf16, #tpu.memory_space<vmem>>
    %dma_wait3A_173 = tpu.memref_squeeze %dma_wait3A_172 : memref<1x125x64xbf16, #tpu.memory_space<vmem>> -> memref<125x64xbf16, #tpu.memory_space<vmem>>
    %dma_wait3A_174 = arith.constant 0 : i32
    %dma_wait3A_175 = tpu.memref_slice %arg11[%dma_wait3A_168, %dma_wait3A_174] : memref<160x125xi32, #tpu.memory_space<vmem>> -> memref<1x125xi32, #tpu.memory_space<vmem>>
    %dma_wait3A_176 = tpu.memref_squeeze %dma_wait3A_175 : memref<1x125xi32, #tpu.memory_space<vmem>> -> memref<125xi32, #tpu.memory_space<vmem>>
    %dma_wait3A_177 = arith.constant 0 : i32
    %dma_wait3A_178 = arith.constant 0 : i32
    %dma_wait3A_179 = tpu.memref_slice %arg16[%dma_wait3A_177, %dma_wait3A_178] : memref<10240x64xbf16, #tpu.memory_space<vmem_shared>> -> memref<10240x64xbf16, #tpu.memory_space<vmem_shared>>
    %dma_wait3A_180 = tpu.memref_slice %arg19[%dma_wait3A_169] : memref<5x!tpu.dma_semaphore, #tpu.memory_space<semaphore_mem>> -> memref<1x!tpu.dma_semaphore, #tpu.memory_space<semaphore_mem>>
    %dma_wait3A_181 = tpu.memref_squeeze %dma_wait3A_180 : memref<1x!tpu.dma_semaphore, #tpu.memory_space<semaphore_mem>> -> memref<!tpu.dma_semaphore, #tpu.memory_space<semaphore_mem>>
    tpu.wait_indirect_dma semaphore(%dma_wait3A_181 : memref<!tpu.dma_semaphore, #tpu.memory_space<semaphore_mem>>) src(%dma_wait3A_173 : memref<125x64xbf16, #tpu.memory_space<vmem>>) dst(%dma_wait3A_179 : memref<10240x64xbf16, #tpu.memory_space<vmem_shared>>)
    %eq3A_182 = arith.constant 0 : i32
    %eq3A_183 = arith.cmpi eq, %arg0, %eq3A_182 : i32
    %convert_element_type3A_184 = arith.extui %eq3A_183 : i1 to i32
    %cond3A_185 = arith.constant 0 : i32
    %cond3A_186 = arith.cmpi ne, %convert_element_type3A_184, %cond3A_185 : i32
    scf.if %cond3A_186 {
      %dma_wait3A_265 = arith.constant 157 : i32
      %dma_wait3A_266 = arith.constant 2 : i32
      %dma_wait3A_267 = arith.constant 0 : i32
      %dma_wait3A_268 = tpu.memref_slice %arg11[%dma_wait3A_265, %dma_wait3A_267] : memref<160x125xi32, #tpu.memory_space<vmem>> -> memref<1x125xi32, #tpu.memory_space<vmem>>
      %dma_wait3A_269 = tpu.memref_squeeze %dma_wait3A_268 : memref<1x125xi32, #tpu.memory_space<vmem>> -> memref<125xi32, #tpu.memory_space<vmem>>
      %dma_wait3A_270 = arith.constant 0 : i32
      %dma_wait3A_271 = arith.constant 0 : i32
      %dma_wait3A_272 = tpu.memref_slice %arg17[%dma_wait3A_270, %dma_wait3A_271] : memref<10240x8xf32, #tpu.memory_space<vmem_shared>> -> memref<10240x8xf32, #tpu.memory_space<vmem_shared>>
      %dma_wait3A_273 = tpu.memref_slice %arg20[%dma_wait3A_266] : memref<5x!tpu.dma_semaphore, #tpu.memory_space<semaphore_mem>> -> memref<1x!tpu.dma_semaphore, #tpu.memory_space<semaphore_mem>>
      %dma_wait3A_274 = tpu.memref_squeeze %dma_wait3A_273 : memref<1x!tpu.dma_semaphore, #tpu.memory_space<semaphore_mem>> -> memref<!tpu.dma_semaphore, #tpu.memory_space<semaphore_mem>>
      tpu.wait_indirect_dma semaphore(%dma_wait3A_274 : memref<!tpu.dma_semaphore, #tpu.memory_space<semaphore_mem>>) src(%arg13 : memref<125x8xf32, #tpu.memory_space<vmem>>) dst(%dma_wait3A_272 : memref<10240x8xf32, #tpu.memory_space<vmem_shared>>)
    } else {
    }
    %dma_wait3A_187 = arith.constant 3 : i32
    %dma_wait3A_188 = arith.constant 158 : i32
    %dma_wait3A_189 = arith.constant 3 : i32
    %dma_wait3A_190 = arith.constant 0 : i32
    %dma_wait3A_191 = arith.constant 0 : i32
    %dma_wait3A_192 = tpu.memref_slice %arg12[%dma_wait3A_187, %dma_wait3A_190, %dma_wait3A_191] : memref<5x125x64xbf16, #tpu.memory_space<vmem>> -> memref<1x125x64xbf16, #tpu.memory_space<vmem>>
    %dma_wait3A_193 = tpu.memref_squeeze %dma_wait3A_192 : memref<1x125x64xbf16, #tpu.memory_space<vmem>> -> memref<125x64xbf16, #tpu.memory_space<vmem>>
    %dma_wait3A_194 = arith.constant 0 : i32
    %dma_wait3A_195 = tpu.memref_slice %arg11[%dma_wait3A_188, %dma_wait3A_194] : memref<160x125xi32, #tpu.memory_space<vmem>> -> memref<1x125xi32, #tpu.memory_space<vmem>>
    %dma_wait3A_196 = tpu.memref_squeeze %dma_wait3A_195 : memref<1x125xi32, #tpu.memory_space<vmem>> -> memref<125xi32, #tpu.memory_space<vmem>>
    %dma_wait3A_197 = arith.constant 0 : i32
    %dma_wait3A_198 = arith.constant 0 : i32
    %dma_wait3A_199 = tpu.memref_slice %arg16[%dma_wait3A_197, %dma_wait3A_198] : memref<10240x64xbf16, #tpu.memory_space<vmem_shared>> -> memref<10240x64xbf16, #tpu.memory_space<vmem_shared>>
    %dma_wait3A_200 = tpu.memref_slice %arg19[%dma_wait3A_189] : memref<5x!tpu.dma_semaphore, #tpu.memory_space<semaphore_mem>> -> memref<1x!tpu.dma_semaphore, #tpu.memory_space<semaphore_mem>>
    %dma_wait3A_201 = tpu.memref_squeeze %dma_wait3A_200 : memref<1x!tpu.dma_semaphore, #tpu.memory_space<semaphore_mem>> -> memref<!tpu.dma_semaphore, #tpu.memory_space<semaphore_mem>>
    tpu.wait_indirect_dma semaphore(%dma_wait3A_201 : memref<!tpu.dma_semaphore, #tpu.memory_space<semaphore_mem>>) src(%dma_wait3A_193 : memref<125x64xbf16, #tpu.memory_space<vmem>>) dst(%dma_wait3A_199 : memref<10240x64xbf16, #tpu.memory_space<vmem_shared>>)
    %eq3A_202 = arith.constant 1 : i32
    %eq3A_203 = arith.cmpi eq, %arg0, %eq3A_202 : i32
    %convert_element_type3A_204 = arith.extui %eq3A_203 : i1 to i32
    %cond3A_205 = arith.constant 0 : i32
    %cond3A_206 = arith.cmpi ne, %convert_element_type3A_204, %cond3A_205 : i32
    scf.if %cond3A_206 {
      %dma_wait3A_265 = arith.constant 158 : i32
      %dma_wait3A_266 = arith.constant 3 : i32
      %dma_wait3A_267 = arith.constant 0 : i32
      %dma_wait3A_268 = tpu.memref_slice %arg11[%dma_wait3A_265, %dma_wait3A_267] : memref<160x125xi32, #tpu.memory_space<vmem>> -> memref<1x125xi32, #tpu.memory_space<vmem>>
      %dma_wait3A_269 = tpu.memref_squeeze %dma_wait3A_268 : memref<1x125xi32, #tpu.memory_space<vmem>> -> memref<125xi32, #tpu.memory_space<vmem>>
      %dma_wait3A_270 = arith.constant 0 : i32
      %dma_wait3A_271 = arith.constant 0 : i32
      %dma_wait3A_272 = tpu.memref_slice %arg17[%dma_wait3A_270, %dma_wait3A_271] : memref<10240x8xf32, #tpu.memory_space<vmem_shared>> -> memref<10240x8xf32, #tpu.memory_space<vmem_shared>>
      %dma_wait3A_273 = tpu.memref_slice %arg20[%dma_wait3A_266] : memref<5x!tpu.dma_semaphore, #tpu.memory_space<semaphore_mem>> -> memref<1x!tpu.dma_semaphore, #tpu.memory_space<semaphore_mem>>
      %dma_wait3A_274 = tpu.memref_squeeze %dma_wait3A_273 : memref<1x!tpu.dma_semaphore, #tpu.memory_space<semaphore_mem>> -> memref<!tpu.dma_semaphore, #tpu.memory_space<semaphore_mem>>
      tpu.wait_indirect_dma semaphore(%dma_wait3A_274 : memref<!tpu.dma_semaphore, #tpu.memory_space<semaphore_mem>>) src(%arg13 : memref<125x8xf32, #tpu.memory_space<vmem>>) dst(%dma_wait3A_272 : memref<10240x8xf32, #tpu.memory_space<vmem_shared>>)
    } else {
    }
    %dma_wait3A_207 = arith.constant 4 : i32
    %dma_wait3A_208 = arith.constant 159 : i32
    %dma_wait3A_209 = arith.constant 4 : i32
    %dma_wait3A_210 = arith.constant 0 : i32
    %dma_wait3A_211 = arith.constant 0 : i32
    %dma_wait3A_212 = tpu.memref_slice %arg12[%dma_wait3A_207, %dma_wait3A_210, %dma_wait3A_211] : memref<5x125x64xbf16, #tpu.memory_space<vmem>> -> memref<1x125x64xbf16, #tpu.memory_space<vmem>>
    %dma_wait3A_213 = tpu.memref_squeeze %dma_wait3A_212 : memref<1x125x64xbf16, #tpu.memory_space<vmem>> -> memref<125x64xbf16, #tpu.memory_space<vmem>>
    %dma_wait3A_214 = arith.constant 0 : i32
    %dma_wait3A_215 = tpu.memref_slice %arg11[%dma_wait3A_208, %dma_wait3A_214] : memref<160x125xi32, #tpu.memory_space<vmem>> -> memref<1x125xi32, #tpu.memory_space<vmem>>
    %dma_wait3A_216 = tpu.memref_squeeze %dma_wait3A_215 : memref<1x125xi32, #tpu.memory_space<vmem>> -> memref<125xi32, #tpu.memory_space<vmem>>
    %dma_wait3A_217 = arith.constant 0 : i32
    %dma_wait3A_218 = arith.constant 0 : i32
    %dma_wait3A_219 = tpu.memref_slice %arg16[%dma_wait3A_217, %dma_wait3A_218] : memref<10240x64xbf16, #tpu.memory_space<vmem_shared>> -> memref<10240x64xbf16, #tpu.memory_space<vmem_shared>>
    %dma_wait3A_220 = tpu.memref_slice %arg19[%dma_wait3A_209] : memref<5x!tpu.dma_semaphore, #tpu.memory_space<semaphore_mem>> -> memref<1x!tpu.dma_semaphore, #tpu.memory_space<semaphore_mem>>
    %dma_wait3A_221 = tpu.memref_squeeze %dma_wait3A_220 : memref<1x!tpu.dma_semaphore, #tpu.memory_space<semaphore_mem>> -> memref<!tpu.dma_semaphore, #tpu.memory_space<semaphore_mem>>
    tpu.wait_indirect_dma semaphore(%dma_wait3A_221 : memref<!tpu.dma_semaphore, #tpu.memory_space<semaphore_mem>>) src(%dma_wait3A_213 : memref<125x64xbf16, #tpu.memory_space<vmem>>) dst(%dma_wait3A_219 : memref<10240x64xbf16, #tpu.memory_space<vmem_shared>>)
    %eq3A_222 = arith.constant 1 : i32
    %eq3A_223 = arith.cmpi eq, %arg0, %eq3A_222 : i32
    %convert_element_type3A_224 = arith.extui %eq3A_223 : i1 to i32
    %cond3A_225 = arith.constant 0 : i32
    %cond3A_226 = arith.cmpi ne, %convert_element_type3A_224, %cond3A_225 : i32
    scf.if %cond3A_226 {
      %dma_wait3A_265 = arith.constant 159 : i32
      %dma_wait3A_266 = arith.constant 4 : i32
      %dma_wait3A_267 = arith.constant 0 : i32
      %dma_wait3A_268 = tpu.memref_slice %arg11[%dma_wait3A_265, %dma_wait3A_267] : memref<160x125xi32, #tpu.memory_space<vmem>> -> memref<1x125xi32, #tpu.memory_space<vmem>>
      %dma_wait3A_269 = tpu.memref_squeeze %dma_wait3A_268 : memref<1x125xi32, #tpu.memory_space<vmem>> -> memref<125xi32, #tpu.memory_space<vmem>>
      %dma_wait3A_270 = arith.constant 0 : i32
      %dma_wait3A_271 = arith.constant 0 : i32
      %dma_wait3A_272 = tpu.memref_slice %arg17[%dma_wait3A_270, %dma_wait3A_271] : memref<10240x8xf32, #tpu.memory_space<vmem_shared>> -> memref<10240x8xf32, #tpu.memory_space<vmem_shared>>
      %dma_wait3A_273 = tpu.memref_slice %arg20[%dma_wait3A_266] : memref<5x!tpu.dma_semaphore, #tpu.memory_space<semaphore_mem>> -> memref<1x!tpu.dma_semaphore, #tpu.memory_space<semaphore_mem>>
      %dma_wait3A_274 = tpu.memref_squeeze %dma_wait3A_273 : memref<1x!tpu.dma_semaphore, #tpu.memory_space<semaphore_mem>> -> memref<!tpu.dma_semaphore, #tpu.memory_space<semaphore_mem>>
      tpu.wait_indirect_dma semaphore(%dma_wait3A_274 : memref<!tpu.dma_semaphore, #tpu.memory_space<semaphore_mem>>) src(%arg13 : memref<125x8xf32, #tpu.memory_space<vmem>>) dst(%dma_wait3A_272 : memref<10240x8xf32, #tpu.memory_space<vmem_shared>>)
    } else {
    }
    %barrier3A_227 = arith.constant 0 : index
    tpu.barrier barrier_id(%barrier3A_227)
    %mul3A_228 = arith.constant 10240 : i32
    %mul3A_229 = arith.muli %arg0, %mul3A_228 : i32
    %mul3A_230 = arith.constant 640 : i32
    %mul3A_231 = arith.muli %arg1, %mul3A_230 : i32
    %add3A_232 = arith.addi %mul3A_229, %mul3A_231 : i32
    %mul3A_233 = arith.constant 640 : i32
    %mul3A_234 = arith.muli %arg1, %mul3A_233 : i32
    %add3A_235 = arith.constant 0 : i32
    %add3A_236 = arith.addi %mul3A_234, %add3A_235 : i32
    "tpu.region"() ({
      %run_scoped3A = tpu.sem_alloc : memref<!tpu.dma_semaphore, #tpu.memory_space<semaphore_mem>>
      %dma_start3A_265 = arith.constant 0 : i32
      %dma_start3A_266 = tpu.memref_slice %arg16[%add3A_236, %dma_start3A_265] : memref<10240x64xbf16, #tpu.memory_space<vmem_shared>> -> memref<128x64xbf16, #tpu.memory_space<vmem_shared>>
      %dma_start3A_267 = arith.constant 0 : i32
      %dma_start3A_268 = tpu.memref_slice %arg16[%add3A_236, %dma_start3A_267] : memref<10240x64xbf16, #tpu.memory_space<vmem_shared>> -> memref<128x64xbf16, #tpu.memory_space<vmem_shared>>
      tpu.enqueue_dma source(%dma_start3A_268 : memref<128x64xbf16, #tpu.memory_space<vmem_shared>>) target(%arg14 : memref<128x64xbf16, #tpu.memory_space<vmem>>) target_semaphore(%run_scoped3A : memref<!tpu.dma_semaphore, #tpu.memory_space<semaphore_mem>>)
      %dma_wait3A_269 = arith.constant 0 : i32
      %dma_wait3A_270 = tpu.memref_slice %arg16[%add3A_236, %dma_wait3A_269] : memref<10240x64xbf16, #tpu.memory_space<vmem_shared>> -> memref<128x64xbf16, #tpu.memory_space<vmem_shared>>
      %dma_wait3A_271 = arith.constant 0 : i32
      %dma_wait3A_272 = tpu.memref_slice %arg16[%add3A_236, %dma_wait3A_271] : memref<10240x64xbf16, #tpu.memory_space<vmem_shared>> -> memref<128x64xbf16, #tpu.memory_space<vmem_shared>>
      tpu.wait_dma2 semaphore(%run_scoped3A : memref<!tpu.dma_semaphore, #tpu.memory_space<semaphore_mem>>) src(%dma_wait3A_272 : memref<128x64xbf16, #tpu.memory_space<vmem_shared>>) dst(%arg14 : memref<128x64xbf16, #tpu.memory_space<vmem>>)
      tpu.yield
    }) : () -> ()
    %add3A_237 = arith.constant 0 : i32
    %add3A_238 = arith.addi %add3A_232, %add3A_237 : i32
    "tpu.region"() ({
      %run_scoped3A = tpu.sem_alloc : memref<!tpu.dma_semaphore, #tpu.memory_space<semaphore_mem>>
      %dma_start3A_265 = arith.constant 0 : i32
      %dma_start3A_266 = tpu.memref_slice %arg8[%add3A_238, %dma_start3A_265] : memref<20480x64xbf16, #tpu.memory_space<hbm>> -> memref<128x64xbf16, #tpu.memory_space<hbm>>
      %dma_start3A_267 = arith.constant 0 : i32
      %dma_start3A_268 = tpu.memref_slice %arg8[%add3A_238, %dma_start3A_267] : memref<20480x64xbf16, #tpu.memory_space<hbm>> -> memref<128x64xbf16, #tpu.memory_space<hbm>>
      tpu.enqueue_dma source(%arg14 : memref<128x64xbf16, #tpu.memory_space<vmem>>) target(%dma_start3A_268 : memref<128x64xbf16, #tpu.memory_space<hbm>>) target_semaphore(%run_scoped3A : memref<!tpu.dma_semaphore, #tpu.memory_space<semaphore_mem>>)
      %dma_wait3A_269 = arith.constant 0 : i32
      %dma_wait3A_270 = tpu.memref_slice %arg8[%add3A_238, %dma_wait3A_269] : memref<20480x64xbf16, #tpu.memory_space<hbm>> -> memref<128x64xbf16, #tpu.memory_space<hbm>>
      %dma_wait3A_271 = arith.constant 0 : i32
      %dma_wait3A_272 = tpu.memref_slice %arg8[%add3A_238, %dma_wait3A_271] : memref<20480x64xbf16, #tpu.memory_space<hbm>> -> memref<128x64xbf16, #tpu.memory_space<hbm>>
      tpu.wait_dma2 semaphore(%run_scoped3A : memref<!tpu.dma_semaphore, #tpu.memory_space<semaphore_mem>>) src(%arg14 : memref<128x64xbf16, #tpu.memory_space<vmem>>) dst(%dma_wait3A_272 : memref<128x64xbf16, #tpu.memory_space<hbm>>)
      tpu.yield
    }) : () -> ()
    %mul3A_239 = arith.constant 640 : i32
    %mul3A_240 = arith.muli %arg1, %mul3A_239 : i32
    %add3A_241 = arith.constant 128 : i32
    %add3A_242 = arith.addi %mul3A_240, %add3A_241 : i32
    "tpu.region"() ({
      %run_scoped3A = tpu.sem_alloc : memref<!tpu.dma_semaphore, #tpu.memory_space<semaphore_mem>>
      %dma_start3A_265 = arith.constant 0 : i32
      %dma_start3A_266 = tpu.memref_slice %arg16[%add3A_242, %dma_start3A_265] : memref<10240x64xbf16, #tpu.memory_space<vmem_shared>> -> memref<128x64xbf16, #tpu.memory_space<vmem_shared>>
      %dma_start3A_267 = arith.constant 0 : i32
      %dma_start3A_268 = tpu.memref_slice %arg16[%add3A_242, %dma_start3A_267] : memref<10240x64xbf16, #tpu.memory_space<vmem_shared>> -> memref<128x64xbf16, #tpu.memory_space<vmem_shared>>
      tpu.enqueue_dma source(%dma_start3A_268 : memref<128x64xbf16, #tpu.memory_space<vmem_shared>>) target(%arg14 : memref<128x64xbf16, #tpu.memory_space<vmem>>) target_semaphore(%run_scoped3A : memref<!tpu.dma_semaphore, #tpu.memory_space<semaphore_mem>>)
      %dma_wait3A_269 = arith.constant 0 : i32
      %dma_wait3A_270 = tpu.memref_slice %arg16[%add3A_242, %dma_wait3A_269] : memref<10240x64xbf16, #tpu.memory_space<vmem_shared>> -> memref<128x64xbf16, #tpu.memory_space<vmem_shared>>
      %dma_wait3A_271 = arith.constant 0 : i32
      %dma_wait3A_272 = tpu.memref_slice %arg16[%add3A_242, %dma_wait3A_271] : memref<10240x64xbf16, #tpu.memory_space<vmem_shared>> -> memref<128x64xbf16, #tpu.memory_space<vmem_shared>>
      tpu.wait_dma2 semaphore(%run_scoped3A : memref<!tpu.dma_semaphore, #tpu.memory_space<semaphore_mem>>) src(%dma_wait3A_272 : memref<128x64xbf16, #tpu.memory_space<vmem_shared>>) dst(%arg14 : memref<128x64xbf16, #tpu.memory_space<vmem>>)
      tpu.yield
    }) : () -> ()
    %add3A_243 = arith.constant 128 : i32
    %add3A_244 = arith.addi %add3A_232, %add3A_243 : i32
    "tpu.region"() ({
      %run_scoped3A = tpu.sem_alloc : memref<!tpu.dma_semaphore, #tpu.memory_space<semaphore_mem>>
      %dma_start3A_265 = arith.constant 0 : i32
      %dma_start3A_266 = tpu.memref_slice %arg8[%add3A_244, %dma_start3A_265] : memref<20480x64xbf16, #tpu.memory_space<hbm>> -> memref<128x64xbf16, #tpu.memory_space<hbm>>
      %dma_start3A_267 = arith.constant 0 : i32
      %dma_start3A_268 = tpu.memref_slice %arg8[%add3A_244, %dma_start3A_267] : memref<20480x64xbf16, #tpu.memory_space<hbm>> -> memref<128x64xbf16, #tpu.memory_space<hbm>>
      tpu.enqueue_dma source(%arg14 : memref<128x64xbf16, #tpu.memory_space<vmem>>) target(%dma_start3A_268 : memref<128x64xbf16, #tpu.memory_space<hbm>>) target_semaphore(%run_scoped3A : memref<!tpu.dma_semaphore, #tpu.memory_space<semaphore_mem>>)
      %dma_wait3A_269 = arith.constant 0 : i32
      %dma_wait3A_270 = tpu.memref_slice %arg8[%add3A_244, %dma_wait3A_269] : memref<20480x64xbf16, #tpu.memory_space<hbm>> -> memref<128x64xbf16, #tpu.memory_space<hbm>>
      %dma_wait3A_271 = arith.constant 0 : i32
      %dma_wait3A_272 = tpu.memref_slice %arg8[%add3A_244, %dma_wait3A_271] : memref<20480x64xbf16, #tpu.memory_space<hbm>> -> memref<128x64xbf16, #tpu.memory_space<hbm>>
      tpu.wait_dma2 semaphore(%run_scoped3A : memref<!tpu.dma_semaphore, #tpu.memory_space<semaphore_mem>>) src(%arg14 : memref<128x64xbf16, #tpu.memory_space<vmem>>) dst(%dma_wait3A_272 : memref<128x64xbf16, #tpu.memory_space<hbm>>)
      tpu.yield
    }) : () -> ()
    %mul3A_245 = arith.constant 640 : i32
    %mul3A_246 = arith.muli %arg1, %mul3A_245 : i32
    %add3A_247 = arith.constant 256 : i32
    %add3A_248 = arith.addi %mul3A_246, %add3A_247 : i32
    "tpu.region"() ({
      %run_scoped3A = tpu.sem_alloc : memref<!tpu.dma_semaphore, #tpu.memory_space<semaphore_mem>>
      %dma_start3A_265 = arith.constant 0 : i32
      %dma_start3A_266 = tpu.memref_slice %arg16[%add3A_248, %dma_start3A_265] : memref<10240x64xbf16, #tpu.memory_space<vmem_shared>> -> memref<128x64xbf16, #tpu.memory_space<vmem_shared>>
      %dma_start3A_267 = arith.constant 0 : i32
      %dma_start3A_268 = tpu.memref_slice %arg16[%add3A_248, %dma_start3A_267] : memref<10240x64xbf16, #tpu.memory_space<vmem_shared>> -> memref<128x64xbf16, #tpu.memory_space<vmem_shared>>
      tpu.enqueue_dma source(%dma_start3A_268 : memref<128x64xbf16, #tpu.memory_space<vmem_shared>>) target(%arg14 : memref<128x64xbf16, #tpu.memory_space<vmem>>) target_semaphore(%run_scoped3A : memref<!tpu.dma_semaphore, #tpu.memory_space<semaphore_mem>>)
      %dma_wait3A_269 = arith.constant 0 : i32
      %dma_wait3A_270 = tpu.memref_slice %arg16[%add3A_248, %dma_wait3A_269] : memref<10240x64xbf16, #tpu.memory_space<vmem_shared>> -> memref<128x64xbf16, #tpu.memory_space<vmem_shared>>
      %dma_wait3A_271 = arith.constant 0 : i32
      %dma_wait3A_272 = tpu.memref_slice %arg16[%add3A_248, %dma_wait3A_271] : memref<10240x64xbf16, #tpu.memory_space<vmem_shared>> -> memref<128x64xbf16, #tpu.memory_space<vmem_shared>>
      tpu.wait_dma2 semaphore(%run_scoped3A : memref<!tpu.dma_semaphore, #tpu.memory_space<semaphore_mem>>) src(%dma_wait3A_272 : memref<128x64xbf16, #tpu.memory_space<vmem_shared>>) dst(%arg14 : memref<128x64xbf16, #tpu.memory_space<vmem>>)
      tpu.yield
    }) : () -> ()
    %add3A_249 = arith.constant 256 : i32
    %add3A_250 = arith.addi %add3A_232, %add3A_249 : i32
    "tpu.region"() ({
      %run_scoped3A = tpu.sem_alloc : memref<!tpu.dma_semaphore, #tpu.memory_space<semaphore_mem>>
      %dma_start3A_265 = arith.constant 0 : i32
      %dma_start3A_266 = tpu.memref_slice %arg8[%add3A_250, %dma_start3A_265] : memref<20480x64xbf16, #tpu.memory_space<hbm>> -> memref<128x64xbf16, #tpu.memory_space<hbm>>
      %dma_start3A_267 = arith.constant 0 : i32
      %dma_start3A_268 = tpu.memref_slice %arg8[%add3A_250, %dma_start3A_267] : memref<20480x64xbf16, #tpu.memory_space<hbm>> -> memref<128x64xbf16, #tpu.memory_space<hbm>>
      tpu.enqueue_dma source(%arg14 : memref<128x64xbf16, #tpu.memory_space<vmem>>) target(%dma_start3A_268 : memref<128x64xbf16, #tpu.memory_space<hbm>>) target_semaphore(%run_scoped3A : memref<!tpu.dma_semaphore, #tpu.memory_space<semaphore_mem>>)
      %dma_wait3A_269 = arith.constant 0 : i32
      %dma_wait3A_270 = tpu.memref_slice %arg8[%add3A_250, %dma_wait3A_269] : memref<20480x64xbf16, #tpu.memory_space<hbm>> -> memref<128x64xbf16, #tpu.memory_space<hbm>>
      %dma_wait3A_271 = arith.constant 0 : i32
      %dma_wait3A_272 = tpu.memref_slice %arg8[%add3A_250, %dma_wait3A_271] : memref<20480x64xbf16, #tpu.memory_space<hbm>> -> memref<128x64xbf16, #tpu.memory_space<hbm>>
      tpu.wait_dma2 semaphore(%run_scoped3A : memref<!tpu.dma_semaphore, #tpu.memory_space<semaphore_mem>>) src(%arg14 : memref<128x64xbf16, #tpu.memory_space<vmem>>) dst(%dma_wait3A_272 : memref<128x64xbf16, #tpu.memory_space<hbm>>)
      tpu.yield
    }) : () -> ()
    %mul3A_251 = arith.constant 640 : i32
    %mul3A_252 = arith.muli %arg1, %mul3A_251 : i32
    %add3A_253 = arith.constant 384 : i32
    %add3A_254 = arith.addi %mul3A_252, %add3A_253 : i32
    "tpu.region"() ({
      %run_scoped3A = tpu.sem_alloc : memref<!tpu.dma_semaphore, #tpu.memory_space<semaphore_mem>>
      %dma_start3A_265 = arith.constant 0 : i32
      %dma_start3A_266 = tpu.memref_slice %arg16[%add3A_254, %dma_start3A_265] : memref<10240x64xbf16, #tpu.memory_space<vmem_shared>> -> memref<128x64xbf16, #tpu.memory_space<vmem_shared>>
      %dma_start3A_267 = arith.constant 0 : i32
      %dma_start3A_268 = tpu.memref_slice %arg16[%add3A_254, %dma_start3A_267] : memref<10240x64xbf16, #tpu.memory_space<vmem_shared>> -> memref<128x64xbf16, #tpu.memory_space<vmem_shared>>
      tpu.enqueue_dma source(%dma_start3A_268 : memref<128x64xbf16, #tpu.memory_space<vmem_shared>>) target(%arg14 : memref<128x64xbf16, #tpu.memory_space<vmem>>) target_semaphore(%run_scoped3A : memref<!tpu.dma_semaphore, #tpu.memory_space<semaphore_mem>>)
      %dma_wait3A_269 = arith.constant 0 : i32
      %dma_wait3A_270 = tpu.memref_slice %arg16[%add3A_254, %dma_wait3A_269] : memref<10240x64xbf16, #tpu.memory_space<vmem_shared>> -> memref<128x64xbf16, #tpu.memory_space<vmem_shared>>
      %dma_wait3A_271 = arith.constant 0 : i32
      %dma_wait3A_272 = tpu.memref_slice %arg16[%add3A_254, %dma_wait3A_271] : memref<10240x64xbf16, #tpu.memory_space<vmem_shared>> -> memref<128x64xbf16, #tpu.memory_space<vmem_shared>>
      tpu.wait_dma2 semaphore(%run_scoped3A : memref<!tpu.dma_semaphore, #tpu.memory_space<semaphore_mem>>) src(%dma_wait3A_272 : memref<128x64xbf16, #tpu.memory_space<vmem_shared>>) dst(%arg14 : memref<128x64xbf16, #tpu.memory_space<vmem>>)
      tpu.yield
    }) : () -> ()
    %add3A_255 = arith.constant 384 : i32
    %add3A_256 = arith.addi %add3A_232, %add3A_255 : i32
    "tpu.region"() ({
      %run_scoped3A = tpu.sem_alloc : memref<!tpu.dma_semaphore, #tpu.memory_space<semaphore_mem>>
      %dma_start3A_265 = arith.constant 0 : i32
      %dma_start3A_266 = tpu.memref_slice %arg8[%add3A_256, %dma_start3A_265] : memref<20480x64xbf16, #tpu.memory_space<hbm>> -> memref<128x64xbf16, #tpu.memory_space<hbm>>
      %dma_start3A_267 = arith.constant 0 : i32
      %dma_start3A_268 = tpu.memref_slice %arg8[%add3A_256, %dma_start3A_267] : memref<20480x64xbf16, #tpu.memory_space<hbm>> -> memref<128x64xbf16, #tpu.memory_space<hbm>>
      tpu.enqueue_dma source(%arg14 : memref<128x64xbf16, #tpu.memory_space<vmem>>) target(%dma_start3A_268 : memref<128x64xbf16, #tpu.memory_space<hbm>>) target_semaphore(%run_scoped3A : memref<!tpu.dma_semaphore, #tpu.memory_space<semaphore_mem>>)
      %dma_wait3A_269 = arith.constant 0 : i32
      %dma_wait3A_270 = tpu.memref_slice %arg8[%add3A_256, %dma_wait3A_269] : memref<20480x64xbf16, #tpu.memory_space<hbm>> -> memref<128x64xbf16, #tpu.memory_space<hbm>>
      %dma_wait3A_271 = arith.constant 0 : i32
      %dma_wait3A_272 = tpu.memref_slice %arg8[%add3A_256, %dma_wait3A_271] : memref<20480x64xbf16, #tpu.memory_space<hbm>> -> memref<128x64xbf16, #tpu.memory_space<hbm>>
      tpu.wait_dma2 semaphore(%run_scoped3A : memref<!tpu.dma_semaphore, #tpu.memory_space<semaphore_mem>>) src(%arg14 : memref<128x64xbf16, #tpu.memory_space<vmem>>) dst(%dma_wait3A_272 : memref<128x64xbf16, #tpu.memory_space<hbm>>)
      tpu.yield
    }) : () -> ()
    %mul3A_257 = arith.constant 640 : i32
    %mul3A_258 = arith.muli %arg1, %mul3A_257 : i32
    %add3A_259 = arith.constant 512 : i32
    %add3A_260 = arith.addi %mul3A_258, %add3A_259 : i32
    "tpu.region"() ({
      %run_scoped3A = tpu.sem_alloc : memref<!tpu.dma_semaphore, #tpu.memory_space<semaphore_mem>>
      %dma_start3A_265 = arith.constant 0 : i32
      %dma_start3A_266 = tpu.memref_slice %arg16[%add3A_260, %dma_start3A_265] : memref<10240x64xbf16, #tpu.memory_space<vmem_shared>> -> memref<128x64xbf16, #tpu.memory_space<vmem_shared>>
      %dma_start3A_267 = arith.constant 0 : i32
      %dma_start3A_268 = tpu.memref_slice %arg16[%add3A_260, %dma_start3A_267] : memref<10240x64xbf16, #tpu.memory_space<vmem_shared>> -> memref<128x64xbf16, #tpu.memory_space<vmem_shared>>
      tpu.enqueue_dma source(%dma_start3A_268 : memref<128x64xbf16, #tpu.memory_space<vmem_shared>>) target(%arg14 : memref<128x64xbf16, #tpu.memory_space<vmem>>) target_semaphore(%run_scoped3A : memref<!tpu.dma_semaphore, #tpu.memory_space<semaphore_mem>>)
      %dma_wait3A_269 = arith.constant 0 : i32
      %dma_wait3A_270 = tpu.memref_slice %arg16[%add3A_260, %dma_wait3A_269] : memref<10240x64xbf16, #tpu.memory_space<vmem_shared>> -> memref<128x64xbf16, #tpu.memory_space<vmem_shared>>
      %dma_wait3A_271 = arith.constant 0 : i32
      %dma_wait3A_272 = tpu.memref_slice %arg16[%add3A_260, %dma_wait3A_271] : memref<10240x64xbf16, #tpu.memory_space<vmem_shared>> -> memref<128x64xbf16, #tpu.memory_space<vmem_shared>>
      tpu.wait_dma2 semaphore(%run_scoped3A : memref<!tpu.dma_semaphore, #tpu.memory_space<semaphore_mem>>) src(%dma_wait3A_272 : memref<128x64xbf16, #tpu.memory_space<vmem_shared>>) dst(%arg14 : memref<128x64xbf16, #tpu.memory_space<vmem>>)
      tpu.yield
    }) : () -> ()
    %add3A_261 = arith.constant 512 : i32
    %add3A_262 = arith.addi %add3A_232, %add3A_261 : i32
    "tpu.region"() ({
      %run_scoped3A = tpu.sem_alloc : memref<!tpu.dma_semaphore, #tpu.memory_space<semaphore_mem>>
      %dma_start3A_265 = arith.constant 0 : i32
      %dma_start3A_266 = tpu.memref_slice %arg8[%add3A_262, %dma_start3A_265] : memref<20480x64xbf16, #tpu.memory_space<hbm>> -> memref<128x64xbf16, #tpu.memory_space<hbm>>
      %dma_start3A_267 = arith.constant 0 : i32
      %dma_start3A_268 = tpu.memref_slice %arg8[%add3A_262, %dma_start3A_267] : memref<20480x64xbf16, #tpu.memory_space<hbm>> -> memref<128x64xbf16, #tpu.memory_space<hbm>>
      tpu.enqueue_dma source(%arg14 : memref<128x64xbf16, #tpu.memory_space<vmem>>) target(%dma_start3A_268 : memref<128x64xbf16, #tpu.memory_space<hbm>>) target_semaphore(%run_scoped3A : memref<!tpu.dma_semaphore, #tpu.memory_space<semaphore_mem>>)
      %dma_wait3A_269 = arith.constant 0 : i32
      %dma_wait3A_270 = tpu.memref_slice %arg8[%add3A_262, %dma_wait3A_269] : memref<20480x64xbf16, #tpu.memory_space<hbm>> -> memref<128x64xbf16, #tpu.memory_space<hbm>>
      %dma_wait3A_271 = arith.constant 0 : i32
      %dma_wait3A_272 = tpu.memref_slice %arg8[%add3A_262, %dma_wait3A_271] : memref<20480x64xbf16, #tpu.memory_space<hbm>> -> memref<128x64xbf16, #tpu.memory_space<hbm>>
      tpu.wait_dma2 semaphore(%run_scoped3A : memref<!tpu.dma_semaphore, #tpu.memory_space<semaphore_mem>>) src(%arg14 : memref<128x64xbf16, #tpu.memory_space<vmem>>) dst(%dma_wait3A_272 : memref<128x64xbf16, #tpu.memory_space<hbm>>)
      tpu.yield
    }) : () -> ()
    %mul3A_263 = arith.constant 640 : i32
    %mul3A_264 = arith.muli %arg1, %mul3A_263 : i32
    "tpu.region"() ({
      %run_scoped3A = tpu.sem_alloc : memref<!tpu.dma_semaphore, #tpu.memory_space<semaphore_mem>>
      %dma_start3A_265 = arith.constant 0 : i32
      %dma_start3A_266 = tpu.memref_slice %arg17[%mul3A_264, %dma_start3A_265] : memref<10240x8xf32, #tpu.memory_space<vmem_shared>> -> memref<640x8xf32, #tpu.memory_space<vmem_shared>>
      %dma_start3A_267 = arith.constant 0 : i32
      %dma_start3A_268 = tpu.memref_slice %arg17[%mul3A_264, %dma_start3A_267] : memref<10240x8xf32, #tpu.memory_space<vmem_shared>> -> memref<640x8xf32, #tpu.memory_space<vmem_shared>>
      tpu.enqueue_dma source(%dma_start3A_268 : memref<640x8xf32, #tpu.memory_space<vmem_shared>>) target(%arg15 : memref<640x8xf32, #tpu.memory_space<vmem>>) target_semaphore(%run_scoped3A : memref<!tpu.dma_semaphore, #tpu.memory_space<semaphore_mem>>)
      %dma_wait3A_269 = arith.constant 0 : i32
      %dma_wait3A_270 = tpu.memref_slice %arg17[%mul3A_264, %dma_wait3A_269] : memref<10240x8xf32, #tpu.memory_space<vmem_shared>> -> memref<640x8xf32, #tpu.memory_space<vmem_shared>>
      %dma_wait3A_271 = arith.constant 0 : i32
      %dma_wait3A_272 = tpu.memref_slice %arg17[%mul3A_264, %dma_wait3A_271] : memref<10240x8xf32, #tpu.memory_space<vmem_shared>> -> memref<640x8xf32, #tpu.memory_space<vmem_shared>>
      tpu.wait_dma2 semaphore(%run_scoped3A : memref<!tpu.dma_semaphore, #tpu.memory_space<semaphore_mem>>) src(%dma_wait3A_272 : memref<640x8xf32, #tpu.memory_space<vmem_shared>>) dst(%arg15 : memref<640x8xf32, #tpu.memory_space<vmem>>)
      tpu.yield
    }) : () -> ()
    "tpu.region"() ({
      %run_scoped3A = tpu.sem_alloc : memref<!tpu.dma_semaphore, #tpu.memory_space<semaphore_mem>>
      %dma_start3A_265 = arith.constant 0 : i32
      %dma_start3A_266 = tpu.memref_slice %arg9[%add3A_232, %dma_start3A_265] : memref<20480x8xf32, #tpu.memory_space<hbm>> -> memref<640x8xf32, #tpu.memory_space<hbm>>
      %dma_start3A_267 = arith.constant 0 : i32
      %dma_start3A_268 = tpu.memref_slice %arg9[%add3A_232, %dma_start3A_267] : memref<20480x8xf32, #tpu.memory_space<hbm>> -> memref<640x8xf32, #tpu.memory_space<hbm>>
      tpu.enqueue_dma source(%arg15 : memref<640x8xf32, #tpu.memory_space<vmem>>) target(%dma_start3A_268 : memref<640x8xf32, #tpu.memory_space<hbm>>) target_semaphore(%run_scoped3A : memref<!tpu.dma_semaphore, #tpu.memory_space<semaphore_mem>>)
      %dma_wait3A_269 = arith.constant 0 : i32
      %dma_wait3A_270 = tpu.memref_slice %arg9[%add3A_232, %dma_wait3A_269] : memref<20480x8xf32, #tpu.memory_space<hbm>> -> memref<640x8xf32, #tpu.memory_space<hbm>>
      %dma_wait3A_271 = arith.constant 0 : i32
      %dma_wait3A_272 = tpu.memref_slice %arg9[%add3A_232, %dma_wait3A_271] : memref<20480x8xf32, #tpu.memory_space<hbm>> -> memref<640x8xf32, #tpu.memory_space<hbm>>
      tpu.wait_dma2 semaphore(%run_scoped3A : memref<!tpu.dma_semaphore, #tpu.memory_space<semaphore_mem>>) src(%arg15 : memref<640x8xf32, #tpu.memory_space<vmem>>) dst(%dma_wait3A_272 : memref<640x8xf32, #tpu.memory_space<hbm>>)
      tpu.yield
    }) : () -> ()
    return
  }
}

#map = affine_map<(d0, d1) -> (0, 0)>
#map1 = affine_map<(d0, d1) -> (0, 0, 0, 0)>
#map2 = affine_map<(d0, d1) -> (0, 0, 0)>
module attributes {stable_mosaic.version = 14 : i64} {
  func.func @sc_segment_mean(%arg0: i32, %arg1: i32, %arg2: memref<20000x64xbf16, #tpu.memory_space<hbm>>, %arg3: memref<2x16x160x125xi32, #tpu.memory_space<hbm>>, %arg4: memref<16x160x125xi32, #tpu.memory_space<hbm>>, %arg5: memref<128x64xbf16, #tpu.memory_space<hbm>>, %arg6: memref<640x8xf32, #tpu.memory_space<hbm>>, %arg7: memref<125x8xf32, #tpu.memory_space<hbm>>, %arg8: memref<20480x64xbf16, #tpu.memory_space<hbm>>, %arg9: memref<160x125xi32, #tpu.memory_space<vmem>>, %arg10: memref<160x125xi32, #tpu.memory_space<vmem>>, %arg11: memref<5x125x64xbf16, #tpu.memory_space<vmem>>, %arg12: memref<125x8xf32, #tpu.memory_space<vmem>>, %arg13: memref<128x64xbf16, #tpu.memory_space<vmem>>, %arg14: memref<640x8xf32, #tpu.memory_space<vmem>>, %arg15: memref<10240x64xbf16, #tpu.memory_space<vmem_shared>>, %arg16: memref<10240x8xf32, #tpu.memory_space<vmem_shared>>, %arg17: memref<5x!tpu.dma_semaphore, #tpu.memory_space<semaphore_mem>>, %arg18: memref<5x!tpu.dma_semaphore, #tpu.memory_space<semaphore_mem>>, %arg19: memref<5x!tpu.dma_semaphore, #tpu.memory_space<semaphore_mem>>, %arg20: memref<!tpu.dma_semaphore, #tpu.memory_space<semaphore_mem>>) attributes {dimension_semantics = [#tpu.dimension_semantics<core_parallel>, #tpu.dimension_semantics<subcore_parallel>], iteration_bounds = array<i64: 2, 16>, scalar_prefetch = 0 : i64, scratch_operands = 12 : i64, tpu.core_type = #tpu.core_type<sc_vector_subcore>, window_params = [{transform_indices = #map}, {transform_indices = #map1}, {transform_indices = #map2}, {transform_indices = #map}, {transform_indices = #map}, {transform_indices = #map}, {transform_indices = #map}]} {
    %dma_start3A = arith.constant 0 : i32
    %dma_start3A_0 = arith.constant 0 : i32
    %dma_start3A_1 = tpu.memref_slice %arg3[%arg0, %arg1, %dma_start3A, %dma_start3A_0] : memref<2x16x160x125xi32, #tpu.memory_space<hbm>> -> memref<1x1x160x125xi32, #tpu.memory_space<hbm>>
    %dma_start3A_2 = tpu.memref_squeeze %dma_start3A_1 : memref<1x1x160x125xi32, #tpu.memory_space<hbm>> -> memref<160x125xi32, #tpu.memory_space<hbm>>
    %dma_start3A_3 = arith.constant 0 : i32
    %dma_start3A_4 = arith.constant 0 : i32
    %dma_start3A_5 = tpu.memref_slice %arg3[%arg0, %arg1, %dma_start3A_3, %dma_start3A_4] : memref<2x16x160x125xi32, #tpu.memory_space<hbm>> -> memref<1x1x160x125xi32, #tpu.memory_space<hbm>>
    %dma_start3A_6 = tpu.memref_squeeze %dma_start3A_5 : memref<1x1x160x125xi32, #tpu.memory_space<hbm>> -> memref<160x125xi32, #tpu.memory_space<hbm>>
    tpu.enqueue_dma source(%dma_start3A_6 : memref<160x125xi32, #tpu.memory_space<hbm>>) target(%arg9 : memref<160x125xi32, #tpu.memory_space<vmem>>) target_semaphore(%arg20 : memref<!tpu.dma_semaphore, #tpu.memory_space<semaphore_mem>>)
    %dma_start3A_7 = arith.constant 0 : i32
    %dma_start3A_8 = arith.constant 0 : i32
    %dma_start3A_9 = tpu.memref_slice %arg4[%arg1, %dma_start3A_7, %dma_start3A_8] : memref<16x160x125xi32, #tpu.memory_space<hbm>> -> memref<1x160x125xi32, #tpu.memory_space<hbm>>
    %dma_start3A_10 = tpu.memref_squeeze %dma_start3A_9 : memref<1x160x125xi32, #tpu.memory_space<hbm>> -> memref<160x125xi32, #tpu.memory_space<hbm>>
    %dma_start3A_11 = arith.constant 0 : i32
    %dma_start3A_12 = arith.constant 0 : i32
    %dma_start3A_13 = tpu.memref_slice %arg4[%arg1, %dma_start3A_11, %dma_start3A_12] : memref<16x160x125xi32, #tpu.memory_space<hbm>> -> memref<1x160x125xi32, #tpu.memory_space<hbm>>
    %dma_start3A_14 = tpu.memref_squeeze %dma_start3A_13 : memref<1x160x125xi32, #tpu.memory_space<hbm>> -> memref<160x125xi32, #tpu.memory_space<hbm>>
    tpu.enqueue_dma source(%dma_start3A_14 : memref<160x125xi32, #tpu.memory_space<hbm>>) target(%arg10 : memref<160x125xi32, #tpu.memory_space<vmem>>) target_semaphore(%arg20 : memref<!tpu.dma_semaphore, #tpu.memory_space<semaphore_mem>>)
    "tpu.region"() ({
      %run_scoped3A = tpu.sem_alloc : memref<!tpu.dma_semaphore, #tpu.memory_space<semaphore_mem>>
      tpu.enqueue_dma source(%arg5 : memref<128x64xbf16, #tpu.memory_space<hbm>>) target(%arg13 : memref<128x64xbf16, #tpu.memory_space<vmem>>) target_semaphore(%run_scoped3A : memref<!tpu.dma_semaphore, #tpu.memory_space<semaphore_mem>>)
      tpu.wait_dma2 semaphore(%run_scoped3A : memref<!tpu.dma_semaphore, #tpu.memory_space<semaphore_mem>>) src(%arg5 : memref<128x64xbf16, #tpu.memory_space<hbm>>) dst(%arg13 : memref<128x64xbf16, #tpu.memory_space<vmem>>)
      tpu.yield
    }) : () -> ()
    %mul3A = arith.constant 640 : i32
    %mul3A_15 = arith.muli %arg1, %mul3A : i32
    %add3A = arith.constant 0 : i32
    %add3A_16 = arith.addi %mul3A_15, %add3A : i32
    "tpu.region"() ({
      %run_scoped3A = tpu.sem_alloc : memref<!tpu.dma_semaphore, #tpu.memory_space<semaphore_mem>>
      %dma_start3A_239 = arith.constant 0 : i32
      %dma_start3A_240 = tpu.memref_slice %arg15[%add3A_16, %dma_start3A_239] : memref<10240x64xbf16, #tpu.memory_space<vmem_shared>> -> memref<128x64xbf16, #tpu.memory_space<vmem_shared>>
      %dma_start3A_241 = arith.constant 0 : i32
      %dma_start3A_242 = tpu.memref_slice %arg15[%add3A_16, %dma_start3A_241] : memref<10240x64xbf16, #tpu.memory_space<vmem_shared>> -> memref<128x64xbf16, #tpu.memory_space<vmem_shared>>
      tpu.enqueue_dma source(%arg13 : memref<128x64xbf16, #tpu.memory_space<vmem>>) target(%dma_start3A_242 : memref<128x64xbf16, #tpu.memory_space<vmem_shared>>) target_semaphore(%run_scoped3A : memref<!tpu.dma_semaphore, #tpu.memory_space<semaphore_mem>>)
      %dma_wait3A_243 = arith.constant 0 : i32
      %dma_wait3A_244 = tpu.memref_slice %arg15[%add3A_16, %dma_wait3A_243] : memref<10240x64xbf16, #tpu.memory_space<vmem_shared>> -> memref<128x64xbf16, #tpu.memory_space<vmem_shared>>
      %dma_wait3A_245 = arith.constant 0 : i32
      %dma_wait3A_246 = tpu.memref_slice %arg15[%add3A_16, %dma_wait3A_245] : memref<10240x64xbf16, #tpu.memory_space<vmem_shared>> -> memref<128x64xbf16, #tpu.memory_space<vmem_shared>>
      tpu.wait_dma2 semaphore(%run_scoped3A : memref<!tpu.dma_semaphore, #tpu.memory_space<semaphore_mem>>) src(%arg13 : memref<128x64xbf16, #tpu.memory_space<vmem>>) dst(%dma_wait3A_246 : memref<128x64xbf16, #tpu.memory_space<vmem_shared>>)
      tpu.yield
    }) : () -> ()
    %mul3A_17 = arith.constant 640 : i32
    %mul3A_18 = arith.muli %arg1, %mul3A_17 : i32
    %add3A_19 = arith.constant 128 : i32
    %add3A_20 = arith.addi %mul3A_18, %add3A_19 : i32
    "tpu.region"() ({
      %run_scoped3A = tpu.sem_alloc : memref<!tpu.dma_semaphore, #tpu.memory_space<semaphore_mem>>
      %dma_start3A_239 = arith.constant 0 : i32
      %dma_start3A_240 = tpu.memref_slice %arg15[%add3A_20, %dma_start3A_239] : memref<10240x64xbf16, #tpu.memory_space<vmem_shared>> -> memref<128x64xbf16, #tpu.memory_space<vmem_shared>>
      %dma_start3A_241 = arith.constant 0 : i32
      %dma_start3A_242 = tpu.memref_slice %arg15[%add3A_20, %dma_start3A_241] : memref<10240x64xbf16, #tpu.memory_space<vmem_shared>> -> memref<128x64xbf16, #tpu.memory_space<vmem_shared>>
      tpu.enqueue_dma source(%arg13 : memref<128x64xbf16, #tpu.memory_space<vmem>>) target(%dma_start3A_242 : memref<128x64xbf16, #tpu.memory_space<vmem_shared>>) target_semaphore(%run_scoped3A : memref<!tpu.dma_semaphore, #tpu.memory_space<semaphore_mem>>)
      %dma_wait3A_243 = arith.constant 0 : i32
      %dma_wait3A_244 = tpu.memref_slice %arg15[%add3A_20, %dma_wait3A_243] : memref<10240x64xbf16, #tpu.memory_space<vmem_shared>> -> memref<128x64xbf16, #tpu.memory_space<vmem_shared>>
      %dma_wait3A_245 = arith.constant 0 : i32
      %dma_wait3A_246 = tpu.memref_slice %arg15[%add3A_20, %dma_wait3A_245] : memref<10240x64xbf16, #tpu.memory_space<vmem_shared>> -> memref<128x64xbf16, #tpu.memory_space<vmem_shared>>
      tpu.wait_dma2 semaphore(%run_scoped3A : memref<!tpu.dma_semaphore, #tpu.memory_space<semaphore_mem>>) src(%arg13 : memref<128x64xbf16, #tpu.memory_space<vmem>>) dst(%dma_wait3A_246 : memref<128x64xbf16, #tpu.memory_space<vmem_shared>>)
      tpu.yield
    }) : () -> ()
    %mul3A_21 = arith.constant 640 : i32
    %mul3A_22 = arith.muli %arg1, %mul3A_21 : i32
    %add3A_23 = arith.constant 256 : i32
    %add3A_24 = arith.addi %mul3A_22, %add3A_23 : i32
    "tpu.region"() ({
      %run_scoped3A = tpu.sem_alloc : memref<!tpu.dma_semaphore, #tpu.memory_space<semaphore_mem>>
      %dma_start3A_239 = arith.constant 0 : i32
      %dma_start3A_240 = tpu.memref_slice %arg15[%add3A_24, %dma_start3A_239] : memref<10240x64xbf16, #tpu.memory_space<vmem_shared>> -> memref<128x64xbf16, #tpu.memory_space<vmem_shared>>
      %dma_start3A_241 = arith.constant 0 : i32
      %dma_start3A_242 = tpu.memref_slice %arg15[%add3A_24, %dma_start3A_241] : memref<10240x64xbf16, #tpu.memory_space<vmem_shared>> -> memref<128x64xbf16, #tpu.memory_space<vmem_shared>>
      tpu.enqueue_dma source(%arg13 : memref<128x64xbf16, #tpu.memory_space<vmem>>) target(%dma_start3A_242 : memref<128x64xbf16, #tpu.memory_space<vmem_shared>>) target_semaphore(%run_scoped3A : memref<!tpu.dma_semaphore, #tpu.memory_space<semaphore_mem>>)
      %dma_wait3A_243 = arith.constant 0 : i32
      %dma_wait3A_244 = tpu.memref_slice %arg15[%add3A_24, %dma_wait3A_243] : memref<10240x64xbf16, #tpu.memory_space<vmem_shared>> -> memref<128x64xbf16, #tpu.memory_space<vmem_shared>>
      %dma_wait3A_245 = arith.constant 0 : i32
      %dma_wait3A_246 = tpu.memref_slice %arg15[%add3A_24, %dma_wait3A_245] : memref<10240x64xbf16, #tpu.memory_space<vmem_shared>> -> memref<128x64xbf16, #tpu.memory_space<vmem_shared>>
      tpu.wait_dma2 semaphore(%run_scoped3A : memref<!tpu.dma_semaphore, #tpu.memory_space<semaphore_mem>>) src(%arg13 : memref<128x64xbf16, #tpu.memory_space<vmem>>) dst(%dma_wait3A_246 : memref<128x64xbf16, #tpu.memory_space<vmem_shared>>)
      tpu.yield
    }) : () -> ()
    %mul3A_25 = arith.constant 640 : i32
    %mul3A_26 = arith.muli %arg1, %mul3A_25 : i32
    %add3A_27 = arith.constant 384 : i32
    %add3A_28 = arith.addi %mul3A_26, %add3A_27 : i32
    "tpu.region"() ({
      %run_scoped3A = tpu.sem_alloc : memref<!tpu.dma_semaphore, #tpu.memory_space<semaphore_mem>>
      %dma_start3A_239 = arith.constant 0 : i32
      %dma_start3A_240 = tpu.memref_slice %arg15[%add3A_28, %dma_start3A_239] : memref<10240x64xbf16, #tpu.memory_space<vmem_shared>> -> memref<128x64xbf16, #tpu.memory_space<vmem_shared>>
      %dma_start3A_241 = arith.constant 0 : i32
      %dma_start3A_242 = tpu.memref_slice %arg15[%add3A_28, %dma_start3A_241] : memref<10240x64xbf16, #tpu.memory_space<vmem_shared>> -> memref<128x64xbf16, #tpu.memory_space<vmem_shared>>
      tpu.enqueue_dma source(%arg13 : memref<128x64xbf16, #tpu.memory_space<vmem>>) target(%dma_start3A_242 : memref<128x64xbf16, #tpu.memory_space<vmem_shared>>) target_semaphore(%run_scoped3A : memref<!tpu.dma_semaphore, #tpu.memory_space<semaphore_mem>>)
      %dma_wait3A_243 = arith.constant 0 : i32
      %dma_wait3A_244 = tpu.memref_slice %arg15[%add3A_28, %dma_wait3A_243] : memref<10240x64xbf16, #tpu.memory_space<vmem_shared>> -> memref<128x64xbf16, #tpu.memory_space<vmem_shared>>
      %dma_wait3A_245 = arith.constant 0 : i32
      %dma_wait3A_246 = tpu.memref_slice %arg15[%add3A_28, %dma_wait3A_245] : memref<10240x64xbf16, #tpu.memory_space<vmem_shared>> -> memref<128x64xbf16, #tpu.memory_space<vmem_shared>>
      tpu.wait_dma2 semaphore(%run_scoped3A : memref<!tpu.dma_semaphore, #tpu.memory_space<semaphore_mem>>) src(%arg13 : memref<128x64xbf16, #tpu.memory_space<vmem>>) dst(%dma_wait3A_246 : memref<128x64xbf16, #tpu.memory_space<vmem_shared>>)
      tpu.yield
    }) : () -> ()
    %mul3A_29 = arith.constant 640 : i32
    %mul3A_30 = arith.muli %arg1, %mul3A_29 : i32
    %add3A_31 = arith.constant 512 : i32
    %add3A_32 = arith.addi %mul3A_30, %add3A_31 : i32
    "tpu.region"() ({
      %run_scoped3A = tpu.sem_alloc : memref<!tpu.dma_semaphore, #tpu.memory_space<semaphore_mem>>
      %dma_start3A_239 = arith.constant 0 : i32
      %dma_start3A_240 = tpu.memref_slice %arg15[%add3A_32, %dma_start3A_239] : memref<10240x64xbf16, #tpu.memory_space<vmem_shared>> -> memref<128x64xbf16, #tpu.memory_space<vmem_shared>>
      %dma_start3A_241 = arith.constant 0 : i32
      %dma_start3A_242 = tpu.memref_slice %arg15[%add3A_32, %dma_start3A_241] : memref<10240x64xbf16, #tpu.memory_space<vmem_shared>> -> memref<128x64xbf16, #tpu.memory_space<vmem_shared>>
      tpu.enqueue_dma source(%arg13 : memref<128x64xbf16, #tpu.memory_space<vmem>>) target(%dma_start3A_242 : memref<128x64xbf16, #tpu.memory_space<vmem_shared>>) target_semaphore(%run_scoped3A : memref<!tpu.dma_semaphore, #tpu.memory_space<semaphore_mem>>)
      %dma_wait3A_243 = arith.constant 0 : i32
      %dma_wait3A_244 = tpu.memref_slice %arg15[%add3A_32, %dma_wait3A_243] : memref<10240x64xbf16, #tpu.memory_space<vmem_shared>> -> memref<128x64xbf16, #tpu.memory_space<vmem_shared>>
      %dma_wait3A_245 = arith.constant 0 : i32
      %dma_wait3A_246 = tpu.memref_slice %arg15[%add3A_32, %dma_wait3A_245] : memref<10240x64xbf16, #tpu.memory_space<vmem_shared>> -> memref<128x64xbf16, #tpu.memory_space<vmem_shared>>
      tpu.wait_dma2 semaphore(%run_scoped3A : memref<!tpu.dma_semaphore, #tpu.memory_space<semaphore_mem>>) src(%arg13 : memref<128x64xbf16, #tpu.memory_space<vmem>>) dst(%dma_wait3A_246 : memref<128x64xbf16, #tpu.memory_space<vmem_shared>>)
      tpu.yield
    }) : () -> ()
    %dma_wait3A = arith.constant 0 : i32
    %dma_wait3A_33 = arith.constant 0 : i32
    %dma_wait3A_34 = tpu.memref_slice %arg3[%arg0, %arg1, %dma_wait3A, %dma_wait3A_33] : memref<2x16x160x125xi32, #tpu.memory_space<hbm>> -> memref<1x1x160x125xi32, #tpu.memory_space<hbm>>
    %dma_wait3A_35 = tpu.memref_squeeze %dma_wait3A_34 : memref<1x1x160x125xi32, #tpu.memory_space<hbm>> -> memref<160x125xi32, #tpu.memory_space<hbm>>
    %dma_wait3A_36 = arith.constant 0 : i32
    %dma_wait3A_37 = arith.constant 0 : i32
    %dma_wait3A_38 = tpu.memref_slice %arg3[%arg0, %arg1, %dma_wait3A_36, %dma_wait3A_37] : memref<2x16x160x125xi32, #tpu.memory_space<hbm>> -> memref<1x1x160x125xi32, #tpu.memory_space<hbm>>
    %dma_wait3A_39 = tpu.memref_squeeze %dma_wait3A_38 : memref<1x1x160x125xi32, #tpu.memory_space<hbm>> -> memref<160x125xi32, #tpu.memory_space<hbm>>
    tpu.wait_dma2 semaphore(%arg20 : memref<!tpu.dma_semaphore, #tpu.memory_space<semaphore_mem>>) src(%dma_wait3A_39 : memref<160x125xi32, #tpu.memory_space<hbm>>) dst(%arg9 : memref<160x125xi32, #tpu.memory_space<vmem>>)
    %dma_wait3A_40 = arith.constant 0 : i32
    %dma_wait3A_41 = arith.constant 0 : i32
    %dma_wait3A_42 = tpu.memref_slice %arg4[%arg1, %dma_wait3A_40, %dma_wait3A_41] : memref<16x160x125xi32, #tpu.memory_space<hbm>> -> memref<1x160x125xi32, #tpu.memory_space<hbm>>
    %dma_wait3A_43 = tpu.memref_squeeze %dma_wait3A_42 : memref<1x160x125xi32, #tpu.memory_space<hbm>> -> memref<160x125xi32, #tpu.memory_space<hbm>>
    %dma_wait3A_44 = arith.constant 0 : i32
    %dma_wait3A_45 = arith.constant 0 : i32
    %dma_wait3A_46 = tpu.memref_slice %arg4[%arg1, %dma_wait3A_44, %dma_wait3A_45] : memref<16x160x125xi32, #tpu.memory_space<hbm>> -> memref<1x160x125xi32, #tpu.memory_space<hbm>>
    %dma_wait3A_47 = tpu.memref_squeeze %dma_wait3A_46 : memref<1x160x125xi32, #tpu.memory_space<hbm>> -> memref<160x125xi32, #tpu.memory_space<hbm>>
    tpu.wait_dma2 semaphore(%arg20 : memref<!tpu.dma_semaphore, #tpu.memory_space<semaphore_mem>>) src(%dma_wait3A_47 : memref<160x125xi32, #tpu.memory_space<hbm>>) dst(%arg10 : memref<160x125xi32, #tpu.memory_space<vmem>>)
    %dma_start3A_48 = arith.constant 0 : i32
    %dma_start3A_49 = arith.constant 0 : i32
    %dma_start3A_50 = arith.constant 0 : i32
    %dma_start3A_51 = arith.constant 0 : i32
    %dma_start3A_52 = arith.constant 0 : i32
    %dma_start3A_53 = tpu.memref_slice %arg11[%dma_start3A_49, %dma_start3A_51, %dma_start3A_52] : memref<5x125x64xbf16, #tpu.memory_space<vmem>> -> memref<1x125x64xbf16, #tpu.memory_space<vmem>>
    %dma_start3A_54 = tpu.memref_squeeze %dma_start3A_53 : memref<1x125x64xbf16, #tpu.memory_space<vmem>> -> memref<125x64xbf16, #tpu.memory_space<vmem>>
    %dma_start3A_55 = arith.constant 0 : i32
    %dma_start3A_56 = tpu.memref_slice %arg9[%dma_start3A_48, %dma_start3A_55] : memref<160x125xi32, #tpu.memory_space<vmem>> -> memref<1x125xi32, #tpu.memory_space<vmem>>
    %dma_start3A_57 = tpu.memref_squeeze %dma_start3A_56 : memref<1x125xi32, #tpu.memory_space<vmem>> -> memref<125xi32, #tpu.memory_space<vmem>>
    %dma_start3A_58 = arith.constant 0 : i32
    %dma_start3A_59 = arith.constant 0 : i32
    %dma_start3A_60 = tpu.memref_slice %arg2[%dma_start3A_58, %dma_start3A_59] : memref<20000x64xbf16, #tpu.memory_space<hbm>> -> memref<20000x64xbf16, #tpu.memory_space<hbm>>
    %dma_start3A_61 = tpu.memref_slice %arg17[%dma_start3A_50] : memref<5x!tpu.dma_semaphore, #tpu.memory_space<semaphore_mem>> -> memref<1x!tpu.dma_semaphore, #tpu.memory_space<semaphore_mem>>
    %dma_start3A_62 = tpu.memref_squeeze %dma_start3A_61 : memref<1x!tpu.dma_semaphore, #tpu.memory_space<semaphore_mem>> -> memref<!tpu.dma_semaphore, #tpu.memory_space<semaphore_mem>>
    tpu.enqueue_indirect_dma source(%dma_start3A_60 : memref<20000x64xbf16, #tpu.memory_space<hbm>>) target(%dma_start3A_54 : memref<125x64xbf16, #tpu.memory_space<vmem>>) offsets(%dma_start3A_57 : memref<125xi32, #tpu.memory_space<vmem>>) semaphore(%dma_start3A_62 : memref<!tpu.dma_semaphore, #tpu.memory_space<semaphore_mem>>)
    %dma_start3A_63 = arith.constant 1 : i32
    %dma_start3A_64 = arith.constant 1 : i32
    %dma_start3A_65 = arith.constant 1 : i32
    %dma_start3A_66 = arith.constant 0 : i32
    %dma_start3A_67 = arith.constant 0 : i32
    %dma_start3A_68 = tpu.memref_slice %arg11[%dma_start3A_64, %dma_start3A_66, %dma_start3A_67] : memref<5x125x64xbf16, #tpu.memory_space<vmem>> -> memref<1x125x64xbf16, #tpu.memory_space<vmem>>
    %dma_start3A_69 = tpu.memref_squeeze %dma_start3A_68 : memref<1x125x64xbf16, #tpu.memory_space<vmem>> -> memref<125x64xbf16, #tpu.memory_space<vmem>>
    %dma_start3A_70 = arith.constant 0 : i32
    %dma_start3A_71 = tpu.memref_slice %arg9[%dma_start3A_63, %dma_start3A_70] : memref<160x125xi32, #tpu.memory_space<vmem>> -> memref<1x125xi32, #tpu.memory_space<vmem>>
    %dma_start3A_72 = tpu.memref_squeeze %dma_start3A_71 : memref<1x125xi32, #tpu.memory_space<vmem>> -> memref<125xi32, #tpu.memory_space<vmem>>
    %dma_start3A_73 = arith.constant 0 : i32
    %dma_start3A_74 = arith.constant 0 : i32
    %dma_start3A_75 = tpu.memref_slice %arg2[%dma_start3A_73, %dma_start3A_74] : memref<20000x64xbf16, #tpu.memory_space<hbm>> -> memref<20000x64xbf16, #tpu.memory_space<hbm>>
    %dma_start3A_76 = tpu.memref_slice %arg17[%dma_start3A_65] : memref<5x!tpu.dma_semaphore, #tpu.memory_space<semaphore_mem>> -> memref<1x!tpu.dma_semaphore, #tpu.memory_space<semaphore_mem>>
    %dma_start3A_77 = tpu.memref_squeeze %dma_start3A_76 : memref<1x!tpu.dma_semaphore, #tpu.memory_space<semaphore_mem>> -> memref<!tpu.dma_semaphore, #tpu.memory_space<semaphore_mem>>
    tpu.enqueue_indirect_dma source(%dma_start3A_75 : memref<20000x64xbf16, #tpu.memory_space<hbm>>) target(%dma_start3A_69 : memref<125x64xbf16, #tpu.memory_space<vmem>>) offsets(%dma_start3A_72 : memref<125xi32, #tpu.memory_space<vmem>>) semaphore(%dma_start3A_77 : memref<!tpu.dma_semaphore, #tpu.memory_space<semaphore_mem>>)
    %dma_start3A_78 = arith.constant 2 : i32
    %dma_start3A_79 = arith.constant 2 : i32
    %dma_start3A_80 = arith.constant 2 : i32
    %dma_start3A_81 = arith.constant 0 : i32
    %dma_start3A_82 = arith.constant 0 : i32
    %dma_start3A_83 = tpu.memref_slice %arg11[%dma_start3A_79, %dma_start3A_81, %dma_start3A_82] : memref<5x125x64xbf16, #tpu.memory_space<vmem>> -> memref<1x125x64xbf16, #tpu.memory_space<vmem>>
    %dma_start3A_84 = tpu.memref_squeeze %dma_start3A_83 : memref<1x125x64xbf16, #tpu.memory_space<vmem>> -> memref<125x64xbf16, #tpu.memory_space<vmem>>
    %dma_start3A_85 = arith.constant 0 : i32
    %dma_start3A_86 = tpu.memref_slice %arg9[%dma_start3A_78, %dma_start3A_85] : memref<160x125xi32, #tpu.memory_space<vmem>> -> memref<1x125xi32, #tpu.memory_space<vmem>>
    %dma_start3A_87 = tpu.memref_squeeze %dma_start3A_86 : memref<1x125xi32, #tpu.memory_space<vmem>> -> memref<125xi32, #tpu.memory_space<vmem>>
    %dma_start3A_88 = arith.constant 0 : i32
    %dma_start3A_89 = arith.constant 0 : i32
    %dma_start3A_90 = tpu.memref_slice %arg2[%dma_start3A_88, %dma_start3A_89] : memref<20000x64xbf16, #tpu.memory_space<hbm>> -> memref<20000x64xbf16, #tpu.memory_space<hbm>>
    %dma_start3A_91 = tpu.memref_slice %arg17[%dma_start3A_80] : memref<5x!tpu.dma_semaphore, #tpu.memory_space<semaphore_mem>> -> memref<1x!tpu.dma_semaphore, #tpu.memory_space<semaphore_mem>>
    %dma_start3A_92 = tpu.memref_squeeze %dma_start3A_91 : memref<1x!tpu.dma_semaphore, #tpu.memory_space<semaphore_mem>> -> memref<!tpu.dma_semaphore, #tpu.memory_space<semaphore_mem>>
    tpu.enqueue_indirect_dma source(%dma_start3A_90 : memref<20000x64xbf16, #tpu.memory_space<hbm>>) target(%dma_start3A_84 : memref<125x64xbf16, #tpu.memory_space<vmem>>) offsets(%dma_start3A_87 : memref<125xi32, #tpu.memory_space<vmem>>) semaphore(%dma_start3A_92 : memref<!tpu.dma_semaphore, #tpu.memory_space<semaphore_mem>>)
    %dma_start3A_93 = arith.constant 3 : i32
    %dma_start3A_94 = arith.constant 3 : i32
    %dma_start3A_95 = arith.constant 3 : i32
    %dma_start3A_96 = arith.constant 0 : i32
    %dma_start3A_97 = arith.constant 0 : i32
    %dma_start3A_98 = tpu.memref_slice %arg11[%dma_start3A_94, %dma_start3A_96, %dma_start3A_97] : memref<5x125x64xbf16, #tpu.memory_space<vmem>> -> memref<1x125x64xbf16, #tpu.memory_space<vmem>>
    %dma_start3A_99 = tpu.memref_squeeze %dma_start3A_98 : memref<1x125x64xbf16, #tpu.memory_space<vmem>> -> memref<125x64xbf16, #tpu.memory_space<vmem>>
    %dma_start3A_100 = arith.constant 0 : i32
    %dma_start3A_101 = tpu.memref_slice %arg9[%dma_start3A_93, %dma_start3A_100] : memref<160x125xi32, #tpu.memory_space<vmem>> -> memref<1x125xi32, #tpu.memory_space<vmem>>
    %dma_start3A_102 = tpu.memref_squeeze %dma_start3A_101 : memref<1x125xi32, #tpu.memory_space<vmem>> -> memref<125xi32, #tpu.memory_space<vmem>>
    %dma_start3A_103 = arith.constant 0 : i32
    %dma_start3A_104 = arith.constant 0 : i32
    %dma_start3A_105 = tpu.memref_slice %arg2[%dma_start3A_103, %dma_start3A_104] : memref<20000x64xbf16, #tpu.memory_space<hbm>> -> memref<20000x64xbf16, #tpu.memory_space<hbm>>
    %dma_start3A_106 = tpu.memref_slice %arg17[%dma_start3A_95] : memref<5x!tpu.dma_semaphore, #tpu.memory_space<semaphore_mem>> -> memref<1x!tpu.dma_semaphore, #tpu.memory_space<semaphore_mem>>
    %dma_start3A_107 = tpu.memref_squeeze %dma_start3A_106 : memref<1x!tpu.dma_semaphore, #tpu.memory_space<semaphore_mem>> -> memref<!tpu.dma_semaphore, #tpu.memory_space<semaphore_mem>>
    tpu.enqueue_indirect_dma source(%dma_start3A_105 : memref<20000x64xbf16, #tpu.memory_space<hbm>>) target(%dma_start3A_99 : memref<125x64xbf16, #tpu.memory_space<vmem>>) offsets(%dma_start3A_102 : memref<125xi32, #tpu.memory_space<vmem>>) semaphore(%dma_start3A_107 : memref<!tpu.dma_semaphore, #tpu.memory_space<semaphore_mem>>)
    %dma_start3A_108 = arith.constant 4 : i32
    %dma_start3A_109 = arith.constant 4 : i32
    %dma_start3A_110 = arith.constant 4 : i32
    %dma_start3A_111 = arith.constant 0 : i32
    %dma_start3A_112 = arith.constant 0 : i32
    %dma_start3A_113 = tpu.memref_slice %arg11[%dma_start3A_109, %dma_start3A_111, %dma_start3A_112] : memref<5x125x64xbf16, #tpu.memory_space<vmem>> -> memref<1x125x64xbf16, #tpu.memory_space<vmem>>
    %dma_start3A_114 = tpu.memref_squeeze %dma_start3A_113 : memref<1x125x64xbf16, #tpu.memory_space<vmem>> -> memref<125x64xbf16, #tpu.memory_space<vmem>>
    %dma_start3A_115 = arith.constant 0 : i32
    %dma_start3A_116 = tpu.memref_slice %arg9[%dma_start3A_108, %dma_start3A_115] : memref<160x125xi32, #tpu.memory_space<vmem>> -> memref<1x125xi32, #tpu.memory_space<vmem>>
    %dma_start3A_117 = tpu.memref_squeeze %dma_start3A_116 : memref<1x125xi32, #tpu.memory_space<vmem>> -> memref<125xi32, #tpu.memory_space<vmem>>
    %dma_start3A_118 = arith.constant 0 : i32
    %dma_start3A_119 = arith.constant 0 : i32
    %dma_start3A_120 = tpu.memref_slice %arg2[%dma_start3A_118, %dma_start3A_119] : memref<20000x64xbf16, #tpu.memory_space<hbm>> -> memref<20000x64xbf16, #tpu.memory_space<hbm>>
    %dma_start3A_121 = tpu.memref_slice %arg17[%dma_start3A_110] : memref<5x!tpu.dma_semaphore, #tpu.memory_space<semaphore_mem>> -> memref<1x!tpu.dma_semaphore, #tpu.memory_space<semaphore_mem>>
    %dma_start3A_122 = tpu.memref_squeeze %dma_start3A_121 : memref<1x!tpu.dma_semaphore, #tpu.memory_space<semaphore_mem>> -> memref<!tpu.dma_semaphore, #tpu.memory_space<semaphore_mem>>
    tpu.enqueue_indirect_dma source(%dma_start3A_120 : memref<20000x64xbf16, #tpu.memory_space<hbm>>) target(%dma_start3A_114 : memref<125x64xbf16, #tpu.memory_space<vmem>>) offsets(%dma_start3A_117 : memref<125xi32, #tpu.memory_space<vmem>>) semaphore(%dma_start3A_122 : memref<!tpu.dma_semaphore, #tpu.memory_space<semaphore_mem>>)
    %barrier3A = arith.constant 0 : index
    tpu.barrier barrier_id(%barrier3A)
    %scan3A = arith.constant 0 : i32
    %scan3A_123 = arith.constant 0 : i32
    %scan3A_124 = arith.constant 32 : i32
    %scan3A_125 = arith.addi %scan3A_123, %scan3A_124 : i32
    %scan3A_126 = arith.constant 1 : i32
    scf.for %scan3A_239 = %scan3A_123 to %scan3A_125 step %scan3A_126  : i32 {
      %mul3A_240 = arith.constant 5 : i32
      %mul3A_241 = arith.muli %scan3A_239, %mul3A_240 : i32
      %add3A_242 = arith.constant 0 : i32
      %add3A_243 = arith.addi %mul3A_241, %add3A_242 : i32
      %dma_wait3A_244 = arith.constant 0 : i32
      %dma_wait3A_245 = arith.constant 0 : i32
      %dma_wait3A_246 = arith.constant 0 : i32
      %dma_wait3A_247 = arith.constant 0 : i32
      %dma_wait3A_248 = arith.constant 0 : i32
      %dma_wait3A_249 = tpu.memref_slice %arg11[%dma_wait3A_245, %dma_wait3A_247, %dma_wait3A_248] : memref<5x125x64xbf16, #tpu.memory_space<vmem>> -> memref<1x125x64xbf16, #tpu.memory_space<vmem>>
      %dma_wait3A_250 = tpu.memref_squeeze %dma_wait3A_249 : memref<1x125x64xbf16, #tpu.memory_space<vmem>> -> memref<125x64xbf16, #tpu.memory_space<vmem>>
      %dma_wait3A_251 = arith.constant 0 : i32
      %dma_wait3A_252 = tpu.memref_slice %arg9[%dma_wait3A_244, %dma_wait3A_251] : memref<160x125xi32, #tpu.memory_space<vmem>> -> memref<1x125xi32, #tpu.memory_space<vmem>>
      %dma_wait3A_253 = tpu.memref_squeeze %dma_wait3A_252 : memref<1x125xi32, #tpu.memory_space<vmem>> -> memref<125xi32, #tpu.memory_space<vmem>>
      %dma_wait3A_254 = arith.constant 0 : i32
      %dma_wait3A_255 = arith.constant 0 : i32
      %dma_wait3A_256 = tpu.memref_slice %arg2[%dma_wait3A_254, %dma_wait3A_255] : memref<20000x64xbf16, #tpu.memory_space<hbm>> -> memref<20000x64xbf16, #tpu.memory_space<hbm>>
      %dma_wait3A_257 = tpu.memref_slice %arg17[%dma_wait3A_246] : memref<5x!tpu.dma_semaphore, #tpu.memory_space<semaphore_mem>> -> memref<1x!tpu.dma_semaphore, #tpu.memory_space<semaphore_mem>>
      %dma_wait3A_258 = tpu.memref_squeeze %dma_wait3A_257 : memref<1x!tpu.dma_semaphore, #tpu.memory_space<semaphore_mem>> -> memref<!tpu.dma_semaphore, #tpu.memory_space<semaphore_mem>>
      tpu.wait_indirect_dma semaphore(%dma_wait3A_258 : memref<!tpu.dma_semaphore, #tpu.memory_space<semaphore_mem>>) src(%dma_wait3A_256 : memref<20000x64xbf16, #tpu.memory_space<hbm>>) dst(%dma_wait3A_250 : memref<125x64xbf16, #tpu.memory_space<vmem>>)
      %dma_start3A_259 = arith.constant 0 : i32
      %dma_start3A_260 = arith.constant 0 : i32
      %dma_start3A_261 = arith.constant 0 : i32
      %dma_start3A_262 = arith.constant 0 : i32
      %dma_start3A_263 = tpu.memref_slice %arg11[%dma_start3A_259, %dma_start3A_261, %dma_start3A_262] : memref<5x125x64xbf16, #tpu.memory_space<vmem>> -> memref<1x125x64xbf16, #tpu.memory_space<vmem>>
      %dma_start3A_264 = tpu.memref_squeeze %dma_start3A_263 : memref<1x125x64xbf16, #tpu.memory_space<vmem>> -> memref<125x64xbf16, #tpu.memory_space<vmem>>
      %dma_start3A_265 = arith.constant 0 : i32
      %dma_start3A_266 = tpu.memref_slice %arg10[%add3A_243, %dma_start3A_265] : memref<160x125xi32, #tpu.memory_space<vmem>> -> memref<1x125xi32, #tpu.memory_space<vmem>>
      %dma_start3A_267 = tpu.memref_squeeze %dma_start3A_266 : memref<1x125xi32, #tpu.memory_space<vmem>> -> memref<125xi32, #tpu.memory_space<vmem>>
      %dma_start3A_268 = arith.constant 0 : i32
      %dma_start3A_269 = arith.constant 0 : i32
      %dma_start3A_270 = tpu.memref_slice %arg15[%dma_start3A_268, %dma_start3A_269] : memref<10240x64xbf16, #tpu.memory_space<vmem_shared>> -> memref<10240x64xbf16, #tpu.memory_space<vmem_shared>>
      %dma_start3A_271 = tpu.memref_slice %arg18[%dma_start3A_260] : memref<5x!tpu.dma_semaphore, #tpu.memory_space<semaphore_mem>> -> memref<1x!tpu.dma_semaphore, #tpu.memory_space<semaphore_mem>>
      %dma_start3A_272 = tpu.memref_squeeze %dma_start3A_271 : memref<1x!tpu.dma_semaphore, #tpu.memory_space<semaphore_mem>> -> memref<!tpu.dma_semaphore, #tpu.memory_space<semaphore_mem>>
      tpu.enqueue_indirect_dma source(%dma_start3A_264 : memref<125x64xbf16, #tpu.memory_space<vmem>>) target(%dma_start3A_270 : memref<10240x64xbf16, #tpu.memory_space<vmem_shared>>) offsets(%dma_start3A_267 : memref<125xi32, #tpu.memory_space<vmem>>) semaphore(%dma_start3A_272 : memref<!tpu.dma_semaphore, #tpu.memory_space<semaphore_mem>>) {add = true}
      %lt3A = arith.constant 31 : i32
      %lt3A_273 = arith.cmpi slt, %scan3A_239, %lt3A : i32
      %convert_element_type3A = arith.extui %lt3A_273 : i1 to i32
      %cond3A = arith.constant 0 : i32
      %cond3A_274 = arith.cmpi ne, %convert_element_type3A, %cond3A : i32
      scf.if %cond3A_274 {
        %dma_wait3A_427 = arith.constant 0 : i32
        %dma_wait3A_428 = arith.constant 0 : i32
        %dma_wait3A_429 = arith.constant 0 : i32
        %dma_wait3A_430 = arith.constant 0 : i32
        %dma_wait3A_431 = tpu.memref_slice %arg11[%dma_wait3A_427, %dma_wait3A_429, %dma_wait3A_430] : memref<5x125x64xbf16, #tpu.memory_space<vmem>> -> memref<1x125x64xbf16, #tpu.memory_space<vmem>>
        %dma_wait3A_432 = tpu.memref_squeeze %dma_wait3A_431 : memref<1x125x64xbf16, #tpu.memory_space<vmem>> -> memref<125x64xbf16, #tpu.memory_space<vmem>>
        %dma_wait3A_433 = arith.constant 0 : i32
        %dma_wait3A_434 = tpu.memref_slice %arg10[%add3A_243, %dma_wait3A_433] : memref<160x125xi32, #tpu.memory_space<vmem>> -> memref<1x125xi32, #tpu.memory_space<vmem>>
        %dma_wait3A_435 = tpu.memref_squeeze %dma_wait3A_434 : memref<1x125xi32, #tpu.memory_space<vmem>> -> memref<125xi32, #tpu.memory_space<vmem>>
        %dma_wait3A_436 = arith.constant 0 : i32
        %dma_wait3A_437 = arith.constant 0 : i32
        %dma_wait3A_438 = tpu.memref_slice %arg15[%dma_wait3A_436, %dma_wait3A_437] : memref<10240x64xbf16, #tpu.memory_space<vmem_shared>> -> memref<10240x64xbf16, #tpu.memory_space<vmem_shared>>
        %dma_wait3A_439 = tpu.memref_slice %arg18[%dma_wait3A_428] : memref<5x!tpu.dma_semaphore, #tpu.memory_space<semaphore_mem>> -> memref<1x!tpu.dma_semaphore, #tpu.memory_space<semaphore_mem>>
        %dma_wait3A_440 = tpu.memref_squeeze %dma_wait3A_439 : memref<1x!tpu.dma_semaphore, #tpu.memory_space<semaphore_mem>> -> memref<!tpu.dma_semaphore, #tpu.memory_space<semaphore_mem>>
        tpu.wait_indirect_dma semaphore(%dma_wait3A_440 : memref<!tpu.dma_semaphore, #tpu.memory_space<semaphore_mem>>) src(%dma_wait3A_432 : memref<125x64xbf16, #tpu.memory_space<vmem>>) dst(%dma_wait3A_438 : memref<10240x64xbf16, #tpu.memory_space<vmem_shared>>)
        %add3A_441 = arith.constant 5 : i32
        %add3A_442 = arith.addi %add3A_243, %add3A_441 : i32
        %dma_start3A_443 = arith.constant 0 : i32
        %dma_start3A_444 = arith.constant 0 : i32
        %dma_start3A_445 = arith.constant 0 : i32
        %dma_start3A_446 = arith.constant 0 : i32
        %dma_start3A_447 = tpu.memref_slice %arg11[%dma_start3A_443, %dma_start3A_445, %dma_start3A_446] : memref<5x125x64xbf16, #tpu.memory_space<vmem>> -> memref<1x125x64xbf16, #tpu.memory_space<vmem>>
        %dma_start3A_448 = tpu.memref_squeeze %dma_start3A_447 : memref<1x125x64xbf16, #tpu.memory_space<vmem>> -> memref<125x64xbf16, #tpu.memory_space<vmem>>
        %dma_start3A_449 = arith.constant 0 : i32
        %dma_start3A_450 = tpu.memref_slice %arg9[%add3A_442, %dma_start3A_449] : memref<160x125xi32, #tpu.memory_space<vmem>> -> memref<1x125xi32, #tpu.memory_space<vmem>>
        %dma_start3A_451 = tpu.memref_squeeze %dma_start3A_450 : memref<1x125xi32, #tpu.memory_space<vmem>> -> memref<125xi32, #tpu.memory_space<vmem>>
        %dma_start3A_452 = arith.constant 0 : i32
        %dma_start3A_453 = arith.constant 0 : i32
        %dma_start3A_454 = tpu.memref_slice %arg2[%dma_start3A_452, %dma_start3A_453] : memref<20000x64xbf16, #tpu.memory_space<hbm>> -> memref<20000x64xbf16, #tpu.memory_space<hbm>>
        %dma_start3A_455 = tpu.memref_slice %arg17[%dma_start3A_444] : memref<5x!tpu.dma_semaphore, #tpu.memory_space<semaphore_mem>> -> memref<1x!tpu.dma_semaphore, #tpu.memory_space<semaphore_mem>>
        %dma_start3A_456 = tpu.memref_squeeze %dma_start3A_455 : memref<1x!tpu.dma_semaphore, #tpu.memory_space<semaphore_mem>> -> memref<!tpu.dma_semaphore, #tpu.memory_space<semaphore_mem>>
        tpu.enqueue_indirect_dma source(%dma_start3A_454 : memref<20000x64xbf16, #tpu.memory_space<hbm>>) target(%dma_start3A_448 : memref<125x64xbf16, #tpu.memory_space<vmem>>) offsets(%dma_start3A_451 : memref<125xi32, #tpu.memory_space<vmem>>) semaphore(%dma_start3A_456 : memref<!tpu.dma_semaphore, #tpu.memory_space<semaphore_mem>>)
      } else {
      }
      %mul3A_275 = arith.constant 5 : i32
      %mul3A_276 = arith.muli %scan3A_239, %mul3A_275 : i32
      %add3A_277 = arith.constant 1 : i32
      %add3A_278 = arith.addi %mul3A_276, %add3A_277 : i32
      %dma_wait3A_279 = arith.constant 1 : i32
      %dma_wait3A_280 = arith.constant 1 : i32
      %dma_wait3A_281 = arith.constant 1 : i32
      %dma_wait3A_282 = arith.constant 0 : i32
      %dma_wait3A_283 = arith.constant 0 : i32
      %dma_wait3A_284 = tpu.memref_slice %arg11[%dma_wait3A_280, %dma_wait3A_282, %dma_wait3A_283] : memref<5x125x64xbf16, #tpu.memory_space<vmem>> -> memref<1x125x64xbf16, #tpu.memory_space<vmem>>
      %dma_wait3A_285 = tpu.memref_squeeze %dma_wait3A_284 : memref<1x125x64xbf16, #tpu.memory_space<vmem>> -> memref<125x64xbf16, #tpu.memory_space<vmem>>
      %dma_wait3A_286 = arith.constant 0 : i32
      %dma_wait3A_287 = tpu.memref_slice %arg9[%dma_wait3A_279, %dma_wait3A_286] : memref<160x125xi32, #tpu.memory_space<vmem>> -> memref<1x125xi32, #tpu.memory_space<vmem>>
      %dma_wait3A_288 = tpu.memref_squeeze %dma_wait3A_287 : memref<1x125xi32, #tpu.memory_space<vmem>> -> memref<125xi32, #tpu.memory_space<vmem>>
      %dma_wait3A_289 = arith.constant 0 : i32
      %dma_wait3A_290 = arith.constant 0 : i32
      %dma_wait3A_291 = tpu.memref_slice %arg2[%dma_wait3A_289, %dma_wait3A_290] : memref<20000x64xbf16, #tpu.memory_space<hbm>> -> memref<20000x64xbf16, #tpu.memory_space<hbm>>
      %dma_wait3A_292 = tpu.memref_slice %arg17[%dma_wait3A_281] : memref<5x!tpu.dma_semaphore, #tpu.memory_space<semaphore_mem>> -> memref<1x!tpu.dma_semaphore, #tpu.memory_space<semaphore_mem>>
      %dma_wait3A_293 = tpu.memref_squeeze %dma_wait3A_292 : memref<1x!tpu.dma_semaphore, #tpu.memory_space<semaphore_mem>> -> memref<!tpu.dma_semaphore, #tpu.memory_space<semaphore_mem>>
      tpu.wait_indirect_dma semaphore(%dma_wait3A_293 : memref<!tpu.dma_semaphore, #tpu.memory_space<semaphore_mem>>) src(%dma_wait3A_291 : memref<20000x64xbf16, #tpu.memory_space<hbm>>) dst(%dma_wait3A_285 : memref<125x64xbf16, #tpu.memory_space<vmem>>)
      %dma_start3A_294 = arith.constant 1 : i32
      %dma_start3A_295 = arith.constant 1 : i32
      %dma_start3A_296 = arith.constant 0 : i32
      %dma_start3A_297 = arith.constant 0 : i32
      %dma_start3A_298 = tpu.memref_slice %arg11[%dma_start3A_294, %dma_start3A_296, %dma_start3A_297] : memref<5x125x64xbf16, #tpu.memory_space<vmem>> -> memref<1x125x64xbf16, #tpu.memory_space<vmem>>
      %dma_start3A_299 = tpu.memref_squeeze %dma_start3A_298 : memref<1x125x64xbf16, #tpu.memory_space<vmem>> -> memref<125x64xbf16, #tpu.memory_space<vmem>>
      %dma_start3A_300 = arith.constant 0 : i32
      %dma_start3A_301 = tpu.memref_slice %arg10[%add3A_278, %dma_start3A_300] : memref<160x125xi32, #tpu.memory_space<vmem>> -> memref<1x125xi32, #tpu.memory_space<vmem>>
      %dma_start3A_302 = tpu.memref_squeeze %dma_start3A_301 : memref<1x125xi32, #tpu.memory_space<vmem>> -> memref<125xi32, #tpu.memory_space<vmem>>
      %dma_start3A_303 = arith.constant 0 : i32
      %dma_start3A_304 = arith.constant 0 : i32
      %dma_start3A_305 = tpu.memref_slice %arg15[%dma_start3A_303, %dma_start3A_304] : memref<10240x64xbf16, #tpu.memory_space<vmem_shared>> -> memref<10240x64xbf16, #tpu.memory_space<vmem_shared>>
      %dma_start3A_306 = tpu.memref_slice %arg18[%dma_start3A_295] : memref<5x!tpu.dma_semaphore, #tpu.memory_space<semaphore_mem>> -> memref<1x!tpu.dma_semaphore, #tpu.memory_space<semaphore_mem>>
      %dma_start3A_307 = tpu.memref_squeeze %dma_start3A_306 : memref<1x!tpu.dma_semaphore, #tpu.memory_space<semaphore_mem>> -> memref<!tpu.dma_semaphore, #tpu.memory_space<semaphore_mem>>
      tpu.enqueue_indirect_dma source(%dma_start3A_299 : memref<125x64xbf16, #tpu.memory_space<vmem>>) target(%dma_start3A_305 : memref<10240x64xbf16, #tpu.memory_space<vmem_shared>>) offsets(%dma_start3A_302 : memref<125xi32, #tpu.memory_space<vmem>>) semaphore(%dma_start3A_307 : memref<!tpu.dma_semaphore, #tpu.memory_space<semaphore_mem>>) {add = true}
      %lt3A_308 = arith.constant 31 : i32
      %lt3A_309 = arith.cmpi slt, %scan3A_239, %lt3A_308 : i32
      %convert_element_type3A_310 = arith.extui %lt3A_309 : i1 to i32
      %cond3A_311 = arith.constant 0 : i32
      %cond3A_312 = arith.cmpi ne, %convert_element_type3A_310, %cond3A_311 : i32
      scf.if %cond3A_312 {
        %dma_wait3A_427 = arith.constant 1 : i32
        %dma_wait3A_428 = arith.constant 1 : i32
        %dma_wait3A_429 = arith.constant 0 : i32
        %dma_wait3A_430 = arith.constant 0 : i32
        %dma_wait3A_431 = tpu.memref_slice %arg11[%dma_wait3A_427, %dma_wait3A_429, %dma_wait3A_430] : memref<5x125x64xbf16, #tpu.memory_space<vmem>> -> memref<1x125x64xbf16, #tpu.memory_space<vmem>>
        %dma_wait3A_432 = tpu.memref_squeeze %dma_wait3A_431 : memref<1x125x64xbf16, #tpu.memory_space<vmem>> -> memref<125x64xbf16, #tpu.memory_space<vmem>>
        %dma_wait3A_433 = arith.constant 0 : i32
        %dma_wait3A_434 = tpu.memref_slice %arg10[%add3A_278, %dma_wait3A_433] : memref<160x125xi32, #tpu.memory_space<vmem>> -> memref<1x125xi32, #tpu.memory_space<vmem>>
        %dma_wait3A_435 = tpu.memref_squeeze %dma_wait3A_434 : memref<1x125xi32, #tpu.memory_space<vmem>> -> memref<125xi32, #tpu.memory_space<vmem>>
        %dma_wait3A_436 = arith.constant 0 : i32
        %dma_wait3A_437 = arith.constant 0 : i32
        %dma_wait3A_438 = tpu.memref_slice %arg15[%dma_wait3A_436, %dma_wait3A_437] : memref<10240x64xbf16, #tpu.memory_space<vmem_shared>> -> memref<10240x64xbf16, #tpu.memory_space<vmem_shared>>
        %dma_wait3A_439 = tpu.memref_slice %arg18[%dma_wait3A_428] : memref<5x!tpu.dma_semaphore, #tpu.memory_space<semaphore_mem>> -> memref<1x!tpu.dma_semaphore, #tpu.memory_space<semaphore_mem>>
        %dma_wait3A_440 = tpu.memref_squeeze %dma_wait3A_439 : memref<1x!tpu.dma_semaphore, #tpu.memory_space<semaphore_mem>> -> memref<!tpu.dma_semaphore, #tpu.memory_space<semaphore_mem>>
        tpu.wait_indirect_dma semaphore(%dma_wait3A_440 : memref<!tpu.dma_semaphore, #tpu.memory_space<semaphore_mem>>) src(%dma_wait3A_432 : memref<125x64xbf16, #tpu.memory_space<vmem>>) dst(%dma_wait3A_438 : memref<10240x64xbf16, #tpu.memory_space<vmem_shared>>)
        %add3A_441 = arith.constant 5 : i32
        %add3A_442 = arith.addi %add3A_278, %add3A_441 : i32
        %dma_start3A_443 = arith.constant 1 : i32
        %dma_start3A_444 = arith.constant 1 : i32
        %dma_start3A_445 = arith.constant 0 : i32
        %dma_start3A_446 = arith.constant 0 : i32
        %dma_start3A_447 = tpu.memref_slice %arg11[%dma_start3A_443, %dma_start3A_445, %dma_start3A_446] : memref<5x125x64xbf16, #tpu.memory_space<vmem>> -> memref<1x125x64xbf16, #tpu.memory_space<vmem>>
        %dma_start3A_448 = tpu.memref_squeeze %dma_start3A_447 : memref<1x125x64xbf16, #tpu.memory_space<vmem>> -> memref<125x64xbf16, #tpu.memory_space<vmem>>
        %dma_start3A_449 = arith.constant 0 : i32
        %dma_start3A_450 = tpu.memref_slice %arg9[%add3A_442, %dma_start3A_449] : memref<160x125xi32, #tpu.memory_space<vmem>> -> memref<1x125xi32, #tpu.memory_space<vmem>>
        %dma_start3A_451 = tpu.memref_squeeze %dma_start3A_450 : memref<1x125xi32, #tpu.memory_space<vmem>> -> memref<125xi32, #tpu.memory_space<vmem>>
        %dma_start3A_452 = arith.constant 0 : i32
        %dma_start3A_453 = arith.constant 0 : i32
        %dma_start3A_454 = tpu.memref_slice %arg2[%dma_start3A_452, %dma_start3A_453] : memref<20000x64xbf16, #tpu.memory_space<hbm>> -> memref<20000x64xbf16, #tpu.memory_space<hbm>>
        %dma_start3A_455 = tpu.memref_slice %arg17[%dma_start3A_444] : memref<5x!tpu.dma_semaphore, #tpu.memory_space<semaphore_mem>> -> memref<1x!tpu.dma_semaphore, #tpu.memory_space<semaphore_mem>>
        %dma_start3A_456 = tpu.memref_squeeze %dma_start3A_455 : memref<1x!tpu.dma_semaphore, #tpu.memory_space<semaphore_mem>> -> memref<!tpu.dma_semaphore, #tpu.memory_space<semaphore_mem>>
        tpu.enqueue_indirect_dma source(%dma_start3A_454 : memref<20000x64xbf16, #tpu.memory_space<hbm>>) target(%dma_start3A_448 : memref<125x64xbf16, #tpu.memory_space<vmem>>) offsets(%dma_start3A_451 : memref<125xi32, #tpu.memory_space<vmem>>) semaphore(%dma_start3A_456 : memref<!tpu.dma_semaphore, #tpu.memory_space<semaphore_mem>>)
      } else {
      }
      %mul3A_313 = arith.constant 5 : i32
      %mul3A_314 = arith.muli %scan3A_239, %mul3A_313 : i32
      %add3A_315 = arith.constant 2 : i32
      %add3A_316 = arith.addi %mul3A_314, %add3A_315 : i32
      %dma_wait3A_317 = arith.constant 2 : i32
      %dma_wait3A_318 = arith.constant 2 : i32
      %dma_wait3A_319 = arith.constant 2 : i32
      %dma_wait3A_320 = arith.constant 0 : i32
      %dma_wait3A_321 = arith.constant 0 : i32
      %dma_wait3A_322 = tpu.memref_slice %arg11[%dma_wait3A_318, %dma_wait3A_320, %dma_wait3A_321] : memref<5x125x64xbf16, #tpu.memory_space<vmem>> -> memref<1x125x64xbf16, #tpu.memory_space<vmem>>
      %dma_wait3A_323 = tpu.memref_squeeze %dma_wait3A_322 : memref<1x125x64xbf16, #tpu.memory_space<vmem>> -> memref<125x64xbf16, #tpu.memory_space<vmem>>
      %dma_wait3A_324 = arith.constant 0 : i32
      %dma_wait3A_325 = tpu.memref_slice %arg9[%dma_wait3A_317, %dma_wait3A_324] : memref<160x125xi32, #tpu.memory_space<vmem>> -> memref<1x125xi32, #tpu.memory_space<vmem>>
      %dma_wait3A_326 = tpu.memref_squeeze %dma_wait3A_325 : memref<1x125xi32, #tpu.memory_space<vmem>> -> memref<125xi32, #tpu.memory_space<vmem>>
      %dma_wait3A_327 = arith.constant 0 : i32
      %dma_wait3A_328 = arith.constant 0 : i32
      %dma_wait3A_329 = tpu.memref_slice %arg2[%dma_wait3A_327, %dma_wait3A_328] : memref<20000x64xbf16, #tpu.memory_space<hbm>> -> memref<20000x64xbf16, #tpu.memory_space<hbm>>
      %dma_wait3A_330 = tpu.memref_slice %arg17[%dma_wait3A_319] : memref<5x!tpu.dma_semaphore, #tpu.memory_space<semaphore_mem>> -> memref<1x!tpu.dma_semaphore, #tpu.memory_space<semaphore_mem>>
      %dma_wait3A_331 = tpu.memref_squeeze %dma_wait3A_330 : memref<1x!tpu.dma_semaphore, #tpu.memory_space<semaphore_mem>> -> memref<!tpu.dma_semaphore, #tpu.memory_space<semaphore_mem>>
      tpu.wait_indirect_dma semaphore(%dma_wait3A_331 : memref<!tpu.dma_semaphore, #tpu.memory_space<semaphore_mem>>) src(%dma_wait3A_329 : memref<20000x64xbf16, #tpu.memory_space<hbm>>) dst(%dma_wait3A_323 : memref<125x64xbf16, #tpu.memory_space<vmem>>)
      %dma_start3A_332 = arith.constant 2 : i32
      %dma_start3A_333 = arith.constant 2 : i32
      %dma_start3A_334 = arith.constant 0 : i32
      %dma_start3A_335 = arith.constant 0 : i32
      %dma_start3A_336 = tpu.memref_slice %arg11[%dma_start3A_332, %dma_start3A_334, %dma_start3A_335] : memref<5x125x64xbf16, #tpu.memory_space<vmem>> -> memref<1x125x64xbf16, #tpu.memory_space<vmem>>
      %dma_start3A_337 = tpu.memref_squeeze %dma_start3A_336 : memref<1x125x64xbf16, #tpu.memory_space<vmem>> -> memref<125x64xbf16, #tpu.memory_space<vmem>>
      %dma_start3A_338 = arith.constant 0 : i32
      %dma_start3A_339 = tpu.memref_slice %arg10[%add3A_316, %dma_start3A_338] : memref<160x125xi32, #tpu.memory_space<vmem>> -> memref<1x125xi32, #tpu.memory_space<vmem>>
      %dma_start3A_340 = tpu.memref_squeeze %dma_start3A_339 : memref<1x125xi32, #tpu.memory_space<vmem>> -> memref<125xi32, #tpu.memory_space<vmem>>
      %dma_start3A_341 = arith.constant 0 : i32
      %dma_start3A_342 = arith.constant 0 : i32
      %dma_start3A_343 = tpu.memref_slice %arg15[%dma_start3A_341, %dma_start3A_342] : memref<10240x64xbf16, #tpu.memory_space<vmem_shared>> -> memref<10240x64xbf16, #tpu.memory_space<vmem_shared>>
      %dma_start3A_344 = tpu.memref_slice %arg18[%dma_start3A_333] : memref<5x!tpu.dma_semaphore, #tpu.memory_space<semaphore_mem>> -> memref<1x!tpu.dma_semaphore, #tpu.memory_space<semaphore_mem>>
      %dma_start3A_345 = tpu.memref_squeeze %dma_start3A_344 : memref<1x!tpu.dma_semaphore, #tpu.memory_space<semaphore_mem>> -> memref<!tpu.dma_semaphore, #tpu.memory_space<semaphore_mem>>
      tpu.enqueue_indirect_dma source(%dma_start3A_337 : memref<125x64xbf16, #tpu.memory_space<vmem>>) target(%dma_start3A_343 : memref<10240x64xbf16, #tpu.memory_space<vmem_shared>>) offsets(%dma_start3A_340 : memref<125xi32, #tpu.memory_space<vmem>>) semaphore(%dma_start3A_345 : memref<!tpu.dma_semaphore, #tpu.memory_space<semaphore_mem>>) {add = true}
      %lt3A_346 = arith.constant 31 : i32
      %lt3A_347 = arith.cmpi slt, %scan3A_239, %lt3A_346 : i32
      %convert_element_type3A_348 = arith.extui %lt3A_347 : i1 to i32
      %cond3A_349 = arith.constant 0 : i32
      %cond3A_350 = arith.cmpi ne, %convert_element_type3A_348, %cond3A_349 : i32
      scf.if %cond3A_350 {
        %dma_wait3A_427 = arith.constant 2 : i32
        %dma_wait3A_428 = arith.constant 2 : i32
        %dma_wait3A_429 = arith.constant 0 : i32
        %dma_wait3A_430 = arith.constant 0 : i32
        %dma_wait3A_431 = tpu.memref_slice %arg11[%dma_wait3A_427, %dma_wait3A_429, %dma_wait3A_430] : memref<5x125x64xbf16, #tpu.memory_space<vmem>> -> memref<1x125x64xbf16, #tpu.memory_space<vmem>>
        %dma_wait3A_432 = tpu.memref_squeeze %dma_wait3A_431 : memref<1x125x64xbf16, #tpu.memory_space<vmem>> -> memref<125x64xbf16, #tpu.memory_space<vmem>>
        %dma_wait3A_433 = arith.constant 0 : i32
        %dma_wait3A_434 = tpu.memref_slice %arg10[%add3A_316, %dma_wait3A_433] : memref<160x125xi32, #tpu.memory_space<vmem>> -> memref<1x125xi32, #tpu.memory_space<vmem>>
        %dma_wait3A_435 = tpu.memref_squeeze %dma_wait3A_434 : memref<1x125xi32, #tpu.memory_space<vmem>> -> memref<125xi32, #tpu.memory_space<vmem>>
        %dma_wait3A_436 = arith.constant 0 : i32
        %dma_wait3A_437 = arith.constant 0 : i32
        %dma_wait3A_438 = tpu.memref_slice %arg15[%dma_wait3A_436, %dma_wait3A_437] : memref<10240x64xbf16, #tpu.memory_space<vmem_shared>> -> memref<10240x64xbf16, #tpu.memory_space<vmem_shared>>
        %dma_wait3A_439 = tpu.memref_slice %arg18[%dma_wait3A_428] : memref<5x!tpu.dma_semaphore, #tpu.memory_space<semaphore_mem>> -> memref<1x!tpu.dma_semaphore, #tpu.memory_space<semaphore_mem>>
        %dma_wait3A_440 = tpu.memref_squeeze %dma_wait3A_439 : memref<1x!tpu.dma_semaphore, #tpu.memory_space<semaphore_mem>> -> memref<!tpu.dma_semaphore, #tpu.memory_space<semaphore_mem>>
        tpu.wait_indirect_dma semaphore(%dma_wait3A_440 : memref<!tpu.dma_semaphore, #tpu.memory_space<semaphore_mem>>) src(%dma_wait3A_432 : memref<125x64xbf16, #tpu.memory_space<vmem>>) dst(%dma_wait3A_438 : memref<10240x64xbf16, #tpu.memory_space<vmem_shared>>)
        %add3A_441 = arith.constant 5 : i32
        %add3A_442 = arith.addi %add3A_316, %add3A_441 : i32
        %dma_start3A_443 = arith.constant 2 : i32
        %dma_start3A_444 = arith.constant 2 : i32
        %dma_start3A_445 = arith.constant 0 : i32
        %dma_start3A_446 = arith.constant 0 : i32
        %dma_start3A_447 = tpu.memref_slice %arg11[%dma_start3A_443, %dma_start3A_445, %dma_start3A_446] : memref<5x125x64xbf16, #tpu.memory_space<vmem>> -> memref<1x125x64xbf16, #tpu.memory_space<vmem>>
        %dma_start3A_448 = tpu.memref_squeeze %dma_start3A_447 : memref<1x125x64xbf16, #tpu.memory_space<vmem>> -> memref<125x64xbf16, #tpu.memory_space<vmem>>
        %dma_start3A_449 = arith.constant 0 : i32
        %dma_start3A_450 = tpu.memref_slice %arg9[%add3A_442, %dma_start3A_449] : memref<160x125xi32, #tpu.memory_space<vmem>> -> memref<1x125xi32, #tpu.memory_space<vmem>>
        %dma_start3A_451 = tpu.memref_squeeze %dma_start3A_450 : memref<1x125xi32, #tpu.memory_space<vmem>> -> memref<125xi32, #tpu.memory_space<vmem>>
        %dma_start3A_452 = arith.constant 0 : i32
        %dma_start3A_453 = arith.constant 0 : i32
        %dma_start3A_454 = tpu.memref_slice %arg2[%dma_start3A_452, %dma_start3A_453] : memref<20000x64xbf16, #tpu.memory_space<hbm>> -> memref<20000x64xbf16, #tpu.memory_space<hbm>>
        %dma_start3A_455 = tpu.memref_slice %arg17[%dma_start3A_444] : memref<5x!tpu.dma_semaphore, #tpu.memory_space<semaphore_mem>> -> memref<1x!tpu.dma_semaphore, #tpu.memory_space<semaphore_mem>>
        %dma_start3A_456 = tpu.memref_squeeze %dma_start3A_455 : memref<1x!tpu.dma_semaphore, #tpu.memory_space<semaphore_mem>> -> memref<!tpu.dma_semaphore, #tpu.memory_space<semaphore_mem>>
        tpu.enqueue_indirect_dma source(%dma_start3A_454 : memref<20000x64xbf16, #tpu.memory_space<hbm>>) target(%dma_start3A_448 : memref<125x64xbf16, #tpu.memory_space<vmem>>) offsets(%dma_start3A_451 : memref<125xi32, #tpu.memory_space<vmem>>) semaphore(%dma_start3A_456 : memref<!tpu.dma_semaphore, #tpu.memory_space<semaphore_mem>>)
      } else {
      }
      %mul3A_351 = arith.constant 5 : i32
      %mul3A_352 = arith.muli %scan3A_239, %mul3A_351 : i32
      %add3A_353 = arith.constant 3 : i32
      %add3A_354 = arith.addi %mul3A_352, %add3A_353 : i32
      %dma_wait3A_355 = arith.constant 3 : i32
      %dma_wait3A_356 = arith.constant 3 : i32
      %dma_wait3A_357 = arith.constant 3 : i32
      %dma_wait3A_358 = arith.constant 0 : i32
      %dma_wait3A_359 = arith.constant 0 : i32
      %dma_wait3A_360 = tpu.memref_slice %arg11[%dma_wait3A_356, %dma_wait3A_358, %dma_wait3A_359] : memref<5x125x64xbf16, #tpu.memory_space<vmem>> -> memref<1x125x64xbf16, #tpu.memory_space<vmem>>
      %dma_wait3A_361 = tpu.memref_squeeze %dma_wait3A_360 : memref<1x125x64xbf16, #tpu.memory_space<vmem>> -> memref<125x64xbf16, #tpu.memory_space<vmem>>
      %dma_wait3A_362 = arith.constant 0 : i32
      %dma_wait3A_363 = tpu.memref_slice %arg9[%dma_wait3A_355, %dma_wait3A_362] : memref<160x125xi32, #tpu.memory_space<vmem>> -> memref<1x125xi32, #tpu.memory_space<vmem>>
      %dma_wait3A_364 = tpu.memref_squeeze %dma_wait3A_363 : memref<1x125xi32, #tpu.memory_space<vmem>> -> memref<125xi32, #tpu.memory_space<vmem>>
      %dma_wait3A_365 = arith.constant 0 : i32
      %dma_wait3A_366 = arith.constant 0 : i32
      %dma_wait3A_367 = tpu.memref_slice %arg2[%dma_wait3A_365, %dma_wait3A_366] : memref<20000x64xbf16, #tpu.memory_space<hbm>> -> memref<20000x64xbf16, #tpu.memory_space<hbm>>
      %dma_wait3A_368 = tpu.memref_slice %arg17[%dma_wait3A_357] : memref<5x!tpu.dma_semaphore, #tpu.memory_space<semaphore_mem>> -> memref<1x!tpu.dma_semaphore, #tpu.memory_space<semaphore_mem>>
      %dma_wait3A_369 = tpu.memref_squeeze %dma_wait3A_368 : memref<1x!tpu.dma_semaphore, #tpu.memory_space<semaphore_mem>> -> memref<!tpu.dma_semaphore, #tpu.memory_space<semaphore_mem>>
      tpu.wait_indirect_dma semaphore(%dma_wait3A_369 : memref<!tpu.dma_semaphore, #tpu.memory_space<semaphore_mem>>) src(%dma_wait3A_367 : memref<20000x64xbf16, #tpu.memory_space<hbm>>) dst(%dma_wait3A_361 : memref<125x64xbf16, #tpu.memory_space<vmem>>)
      %dma_start3A_370 = arith.constant 3 : i32
      %dma_start3A_371 = arith.constant 3 : i32
      %dma_start3A_372 = arith.constant 0 : i32
      %dma_start3A_373 = arith.constant 0 : i32
      %dma_start3A_374 = tpu.memref_slice %arg11[%dma_start3A_370, %dma_start3A_372, %dma_start3A_373] : memref<5x125x64xbf16, #tpu.memory_space<vmem>> -> memref<1x125x64xbf16, #tpu.memory_space<vmem>>
      %dma_start3A_375 = tpu.memref_squeeze %dma_start3A_374 : memref<1x125x64xbf16, #tpu.memory_space<vmem>> -> memref<125x64xbf16, #tpu.memory_space<vmem>>
      %dma_start3A_376 = arith.constant 0 : i32
      %dma_start3A_377 = tpu.memref_slice %arg10[%add3A_354, %dma_start3A_376] : memref<160x125xi32, #tpu.memory_space<vmem>> -> memref<1x125xi32, #tpu.memory_space<vmem>>
      %dma_start3A_378 = tpu.memref_squeeze %dma_start3A_377 : memref<1x125xi32, #tpu.memory_space<vmem>> -> memref<125xi32, #tpu.memory_space<vmem>>
      %dma_start3A_379 = arith.constant 0 : i32
      %dma_start3A_380 = arith.constant 0 : i32
      %dma_start3A_381 = tpu.memref_slice %arg15[%dma_start3A_379, %dma_start3A_380] : memref<10240x64xbf16, #tpu.memory_space<vmem_shared>> -> memref<10240x64xbf16, #tpu.memory_space<vmem_shared>>
      %dma_start3A_382 = tpu.memref_slice %arg18[%dma_start3A_371] : memref<5x!tpu.dma_semaphore, #tpu.memory_space<semaphore_mem>> -> memref<1x!tpu.dma_semaphore, #tpu.memory_space<semaphore_mem>>
      %dma_start3A_383 = tpu.memref_squeeze %dma_start3A_382 : memref<1x!tpu.dma_semaphore, #tpu.memory_space<semaphore_mem>> -> memref<!tpu.dma_semaphore, #tpu.memory_space<semaphore_mem>>
      tpu.enqueue_indirect_dma source(%dma_start3A_375 : memref<125x64xbf16, #tpu.memory_space<vmem>>) target(%dma_start3A_381 : memref<10240x64xbf16, #tpu.memory_space<vmem_shared>>) offsets(%dma_start3A_378 : memref<125xi32, #tpu.memory_space<vmem>>) semaphore(%dma_start3A_383 : memref<!tpu.dma_semaphore, #tpu.memory_space<semaphore_mem>>) {add = true}
      %lt3A_384 = arith.constant 31 : i32
      %lt3A_385 = arith.cmpi slt, %scan3A_239, %lt3A_384 : i32
      %convert_element_type3A_386 = arith.extui %lt3A_385 : i1 to i32
      %cond3A_387 = arith.constant 0 : i32
      %cond3A_388 = arith.cmpi ne, %convert_element_type3A_386, %cond3A_387 : i32
      scf.if %cond3A_388 {
        %dma_wait3A_427 = arith.constant 3 : i32
        %dma_wait3A_428 = arith.constant 3 : i32
        %dma_wait3A_429 = arith.constant 0 : i32
        %dma_wait3A_430 = arith.constant 0 : i32
        %dma_wait3A_431 = tpu.memref_slice %arg11[%dma_wait3A_427, %dma_wait3A_429, %dma_wait3A_430] : memref<5x125x64xbf16, #tpu.memory_space<vmem>> -> memref<1x125x64xbf16, #tpu.memory_space<vmem>>
        %dma_wait3A_432 = tpu.memref_squeeze %dma_wait3A_431 : memref<1x125x64xbf16, #tpu.memory_space<vmem>> -> memref<125x64xbf16, #tpu.memory_space<vmem>>
        %dma_wait3A_433 = arith.constant 0 : i32
        %dma_wait3A_434 = tpu.memref_slice %arg10[%add3A_354, %dma_wait3A_433] : memref<160x125xi32, #tpu.memory_space<vmem>> -> memref<1x125xi32, #tpu.memory_space<vmem>>
        %dma_wait3A_435 = tpu.memref_squeeze %dma_wait3A_434 : memref<1x125xi32, #tpu.memory_space<vmem>> -> memref<125xi32, #tpu.memory_space<vmem>>
        %dma_wait3A_436 = arith.constant 0 : i32
        %dma_wait3A_437 = arith.constant 0 : i32
        %dma_wait3A_438 = tpu.memref_slice %arg15[%dma_wait3A_436, %dma_wait3A_437] : memref<10240x64xbf16, #tpu.memory_space<vmem_shared>> -> memref<10240x64xbf16, #tpu.memory_space<vmem_shared>>
        %dma_wait3A_439 = tpu.memref_slice %arg18[%dma_wait3A_428] : memref<5x!tpu.dma_semaphore, #tpu.memory_space<semaphore_mem>> -> memref<1x!tpu.dma_semaphore, #tpu.memory_space<semaphore_mem>>
        %dma_wait3A_440 = tpu.memref_squeeze %dma_wait3A_439 : memref<1x!tpu.dma_semaphore, #tpu.memory_space<semaphore_mem>> -> memref<!tpu.dma_semaphore, #tpu.memory_space<semaphore_mem>>
        tpu.wait_indirect_dma semaphore(%dma_wait3A_440 : memref<!tpu.dma_semaphore, #tpu.memory_space<semaphore_mem>>) src(%dma_wait3A_432 : memref<125x64xbf16, #tpu.memory_space<vmem>>) dst(%dma_wait3A_438 : memref<10240x64xbf16, #tpu.memory_space<vmem_shared>>)
        %add3A_441 = arith.constant 5 : i32
        %add3A_442 = arith.addi %add3A_354, %add3A_441 : i32
        %dma_start3A_443 = arith.constant 3 : i32
        %dma_start3A_444 = arith.constant 3 : i32
        %dma_start3A_445 = arith.constant 0 : i32
        %dma_start3A_446 = arith.constant 0 : i32
        %dma_start3A_447 = tpu.memref_slice %arg11[%dma_start3A_443, %dma_start3A_445, %dma_start3A_446] : memref<5x125x64xbf16, #tpu.memory_space<vmem>> -> memref<1x125x64xbf16, #tpu.memory_space<vmem>>
        %dma_start3A_448 = tpu.memref_squeeze %dma_start3A_447 : memref<1x125x64xbf16, #tpu.memory_space<vmem>> -> memref<125x64xbf16, #tpu.memory_space<vmem>>
        %dma_start3A_449 = arith.constant 0 : i32
        %dma_start3A_450 = tpu.memref_slice %arg9[%add3A_442, %dma_start3A_449] : memref<160x125xi32, #tpu.memory_space<vmem>> -> memref<1x125xi32, #tpu.memory_space<vmem>>
        %dma_start3A_451 = tpu.memref_squeeze %dma_start3A_450 : memref<1x125xi32, #tpu.memory_space<vmem>> -> memref<125xi32, #tpu.memory_space<vmem>>
        %dma_start3A_452 = arith.constant 0 : i32
        %dma_start3A_453 = arith.constant 0 : i32
        %dma_start3A_454 = tpu.memref_slice %arg2[%dma_start3A_452, %dma_start3A_453] : memref<20000x64xbf16, #tpu.memory_space<hbm>> -> memref<20000x64xbf16, #tpu.memory_space<hbm>>
        %dma_start3A_455 = tpu.memref_slice %arg17[%dma_start3A_444] : memref<5x!tpu.dma_semaphore, #tpu.memory_space<semaphore_mem>> -> memref<1x!tpu.dma_semaphore, #tpu.memory_space<semaphore_mem>>
        %dma_start3A_456 = tpu.memref_squeeze %dma_start3A_455 : memref<1x!tpu.dma_semaphore, #tpu.memory_space<semaphore_mem>> -> memref<!tpu.dma_semaphore, #tpu.memory_space<semaphore_mem>>
        tpu.enqueue_indirect_dma source(%dma_start3A_454 : memref<20000x64xbf16, #tpu.memory_space<hbm>>) target(%dma_start3A_448 : memref<125x64xbf16, #tpu.memory_space<vmem>>) offsets(%dma_start3A_451 : memref<125xi32, #tpu.memory_space<vmem>>) semaphore(%dma_start3A_456 : memref<!tpu.dma_semaphore, #tpu.memory_space<semaphore_mem>>)
      } else {
      }
      %mul3A_389 = arith.constant 5 : i32
      %mul3A_390 = arith.muli %scan3A_239, %mul3A_389 : i32
      %add3A_391 = arith.constant 4 : i32
      %add3A_392 = arith.addi %mul3A_390, %add3A_391 : i32
      %dma_wait3A_393 = arith.constant 4 : i32
      %dma_wait3A_394 = arith.constant 4 : i32
      %dma_wait3A_395 = arith.constant 4 : i32
      %dma_wait3A_396 = arith.constant 0 : i32
      %dma_wait3A_397 = arith.constant 0 : i32
      %dma_wait3A_398 = tpu.memref_slice %arg11[%dma_wait3A_394, %dma_wait3A_396, %dma_wait3A_397] : memref<5x125x64xbf16, #tpu.memory_space<vmem>> -> memref<1x125x64xbf16, #tpu.memory_space<vmem>>
      %dma_wait3A_399 = tpu.memref_squeeze %dma_wait3A_398 : memref<1x125x64xbf16, #tpu.memory_space<vmem>> -> memref<125x64xbf16, #tpu.memory_space<vmem>>
      %dma_wait3A_400 = arith.constant 0 : i32
      %dma_wait3A_401 = tpu.memref_slice %arg9[%dma_wait3A_393, %dma_wait3A_400] : memref<160x125xi32, #tpu.memory_space<vmem>> -> memref<1x125xi32, #tpu.memory_space<vmem>>
      %dma_wait3A_402 = tpu.memref_squeeze %dma_wait3A_401 : memref<1x125xi32, #tpu.memory_space<vmem>> -> memref<125xi32, #tpu.memory_space<vmem>>
      %dma_wait3A_403 = arith.constant 0 : i32
      %dma_wait3A_404 = arith.constant 0 : i32
      %dma_wait3A_405 = tpu.memref_slice %arg2[%dma_wait3A_403, %dma_wait3A_404] : memref<20000x64xbf16, #tpu.memory_space<hbm>> -> memref<20000x64xbf16, #tpu.memory_space<hbm>>
      %dma_wait3A_406 = tpu.memref_slice %arg17[%dma_wait3A_395] : memref<5x!tpu.dma_semaphore, #tpu.memory_space<semaphore_mem>> -> memref<1x!tpu.dma_semaphore, #tpu.memory_space<semaphore_mem>>
      %dma_wait3A_407 = tpu.memref_squeeze %dma_wait3A_406 : memref<1x!tpu.dma_semaphore, #tpu.memory_space<semaphore_mem>> -> memref<!tpu.dma_semaphore, #tpu.memory_space<semaphore_mem>>
      tpu.wait_indirect_dma semaphore(%dma_wait3A_407 : memref<!tpu.dma_semaphore, #tpu.memory_space<semaphore_mem>>) src(%dma_wait3A_405 : memref<20000x64xbf16, #tpu.memory_space<hbm>>) dst(%dma_wait3A_399 : memref<125x64xbf16, #tpu.memory_space<vmem>>)
      %dma_start3A_408 = arith.constant 4 : i32
      %dma_start3A_409 = arith.constant 4 : i32
      %dma_start3A_410 = arith.constant 0 : i32
      %dma_start3A_411 = arith.constant 0 : i32
      %dma_start3A_412 = tpu.memref_slice %arg11[%dma_start3A_408, %dma_start3A_410, %dma_start3A_411] : memref<5x125x64xbf16, #tpu.memory_space<vmem>> -> memref<1x125x64xbf16, #tpu.memory_space<vmem>>
      %dma_start3A_413 = tpu.memref_squeeze %dma_start3A_412 : memref<1x125x64xbf16, #tpu.memory_space<vmem>> -> memref<125x64xbf16, #tpu.memory_space<vmem>>
      %dma_start3A_414 = arith.constant 0 : i32
      %dma_start3A_415 = tpu.memref_slice %arg10[%add3A_392, %dma_start3A_414] : memref<160x125xi32, #tpu.memory_space<vmem>> -> memref<1x125xi32, #tpu.memory_space<vmem>>
      %dma_start3A_416 = tpu.memref_squeeze %dma_start3A_415 : memref<1x125xi32, #tpu.memory_space<vmem>> -> memref<125xi32, #tpu.memory_space<vmem>>
      %dma_start3A_417 = arith.constant 0 : i32
      %dma_start3A_418 = arith.constant 0 : i32
      %dma_start3A_419 = tpu.memref_slice %arg15[%dma_start3A_417, %dma_start3A_418] : memref<10240x64xbf16, #tpu.memory_space<vmem_shared>> -> memref<10240x64xbf16, #tpu.memory_space<vmem_shared>>
      %dma_start3A_420 = tpu.memref_slice %arg18[%dma_start3A_409] : memref<5x!tpu.dma_semaphore, #tpu.memory_space<semaphore_mem>> -> memref<1x!tpu.dma_semaphore, #tpu.memory_space<semaphore_mem>>
      %dma_start3A_421 = tpu.memref_squeeze %dma_start3A_420 : memref<1x!tpu.dma_semaphore, #tpu.memory_space<semaphore_mem>> -> memref<!tpu.dma_semaphore, #tpu.memory_space<semaphore_mem>>
      tpu.enqueue_indirect_dma source(%dma_start3A_413 : memref<125x64xbf16, #tpu.memory_space<vmem>>) target(%dma_start3A_419 : memref<10240x64xbf16, #tpu.memory_space<vmem_shared>>) offsets(%dma_start3A_416 : memref<125xi32, #tpu.memory_space<vmem>>) semaphore(%dma_start3A_421 : memref<!tpu.dma_semaphore, #tpu.memory_space<semaphore_mem>>) {add = true}
      %lt3A_422 = arith.constant 31 : i32
      %lt3A_423 = arith.cmpi slt, %scan3A_239, %lt3A_422 : i32
      %convert_element_type3A_424 = arith.extui %lt3A_423 : i1 to i32
      %cond3A_425 = arith.constant 0 : i32
      %cond3A_426 = arith.cmpi ne, %convert_element_type3A_424, %cond3A_425 : i32
      scf.if %cond3A_426 {
        %dma_wait3A_427 = arith.constant 4 : i32
        %dma_wait3A_428 = arith.constant 4 : i32
        %dma_wait3A_429 = arith.constant 0 : i32
        %dma_wait3A_430 = arith.constant 0 : i32
        %dma_wait3A_431 = tpu.memref_slice %arg11[%dma_wait3A_427, %dma_wait3A_429, %dma_wait3A_430] : memref<5x125x64xbf16, #tpu.memory_space<vmem>> -> memref<1x125x64xbf16, #tpu.memory_space<vmem>>
        %dma_wait3A_432 = tpu.memref_squeeze %dma_wait3A_431 : memref<1x125x64xbf16, #tpu.memory_space<vmem>> -> memref<125x64xbf16, #tpu.memory_space<vmem>>
        %dma_wait3A_433 = arith.constant 0 : i32
        %dma_wait3A_434 = tpu.memref_slice %arg10[%add3A_392, %dma_wait3A_433] : memref<160x125xi32, #tpu.memory_space<vmem>> -> memref<1x125xi32, #tpu.memory_space<vmem>>
        %dma_wait3A_435 = tpu.memref_squeeze %dma_wait3A_434 : memref<1x125xi32, #tpu.memory_space<vmem>> -> memref<125xi32, #tpu.memory_space<vmem>>
        %dma_wait3A_436 = arith.constant 0 : i32
        %dma_wait3A_437 = arith.constant 0 : i32
        %dma_wait3A_438 = tpu.memref_slice %arg15[%dma_wait3A_436, %dma_wait3A_437] : memref<10240x64xbf16, #tpu.memory_space<vmem_shared>> -> memref<10240x64xbf16, #tpu.memory_space<vmem_shared>>
        %dma_wait3A_439 = tpu.memref_slice %arg18[%dma_wait3A_428] : memref<5x!tpu.dma_semaphore, #tpu.memory_space<semaphore_mem>> -> memref<1x!tpu.dma_semaphore, #tpu.memory_space<semaphore_mem>>
        %dma_wait3A_440 = tpu.memref_squeeze %dma_wait3A_439 : memref<1x!tpu.dma_semaphore, #tpu.memory_space<semaphore_mem>> -> memref<!tpu.dma_semaphore, #tpu.memory_space<semaphore_mem>>
        tpu.wait_indirect_dma semaphore(%dma_wait3A_440 : memref<!tpu.dma_semaphore, #tpu.memory_space<semaphore_mem>>) src(%dma_wait3A_432 : memref<125x64xbf16, #tpu.memory_space<vmem>>) dst(%dma_wait3A_438 : memref<10240x64xbf16, #tpu.memory_space<vmem_shared>>)
        %add3A_441 = arith.constant 5 : i32
        %add3A_442 = arith.addi %add3A_392, %add3A_441 : i32
        %dma_start3A_443 = arith.constant 4 : i32
        %dma_start3A_444 = arith.constant 4 : i32
        %dma_start3A_445 = arith.constant 0 : i32
        %dma_start3A_446 = arith.constant 0 : i32
        %dma_start3A_447 = tpu.memref_slice %arg11[%dma_start3A_443, %dma_start3A_445, %dma_start3A_446] : memref<5x125x64xbf16, #tpu.memory_space<vmem>> -> memref<1x125x64xbf16, #tpu.memory_space<vmem>>
        %dma_start3A_448 = tpu.memref_squeeze %dma_start3A_447 : memref<1x125x64xbf16, #tpu.memory_space<vmem>> -> memref<125x64xbf16, #tpu.memory_space<vmem>>
        %dma_start3A_449 = arith.constant 0 : i32
        %dma_start3A_450 = tpu.memref_slice %arg9[%add3A_442, %dma_start3A_449] : memref<160x125xi32, #tpu.memory_space<vmem>> -> memref<1x125xi32, #tpu.memory_space<vmem>>
        %dma_start3A_451 = tpu.memref_squeeze %dma_start3A_450 : memref<1x125xi32, #tpu.memory_space<vmem>> -> memref<125xi32, #tpu.memory_space<vmem>>
        %dma_start3A_452 = arith.constant 0 : i32
        %dma_start3A_453 = arith.constant 0 : i32
        %dma_start3A_454 = tpu.memref_slice %arg2[%dma_start3A_452, %dma_start3A_453] : memref<20000x64xbf16, #tpu.memory_space<hbm>> -> memref<20000x64xbf16, #tpu.memory_space<hbm>>
        %dma_start3A_455 = tpu.memref_slice %arg17[%dma_start3A_444] : memref<5x!tpu.dma_semaphore, #tpu.memory_space<semaphore_mem>> -> memref<1x!tpu.dma_semaphore, #tpu.memory_space<semaphore_mem>>
        %dma_start3A_456 = tpu.memref_squeeze %dma_start3A_455 : memref<1x!tpu.dma_semaphore, #tpu.memory_space<semaphore_mem>> -> memref<!tpu.dma_semaphore, #tpu.memory_space<semaphore_mem>>
        tpu.enqueue_indirect_dma source(%dma_start3A_454 : memref<20000x64xbf16, #tpu.memory_space<hbm>>) target(%dma_start3A_448 : memref<125x64xbf16, #tpu.memory_space<vmem>>) offsets(%dma_start3A_451 : memref<125xi32, #tpu.memory_space<vmem>>) semaphore(%dma_start3A_456 : memref<!tpu.dma_semaphore, #tpu.memory_space<semaphore_mem>>)
      } else {
      }
    }
    %scan3A_127 = arith.constant 32 : i32
    %dma_wait3A_128 = arith.constant 0 : i32
    %dma_wait3A_129 = arith.constant 155 : i32
    %dma_wait3A_130 = arith.constant 0 : i32
    %dma_wait3A_131 = arith.constant 0 : i32
    %dma_wait3A_132 = arith.constant 0 : i32
    %dma_wait3A_133 = tpu.memref_slice %arg11[%dma_wait3A_128, %dma_wait3A_131, %dma_wait3A_132] : memref<5x125x64xbf16, #tpu.memory_space<vmem>> -> memref<1x125x64xbf16, #tpu.memory_space<vmem>>
    %dma_wait3A_134 = tpu.memref_squeeze %dma_wait3A_133 : memref<1x125x64xbf16, #tpu.memory_space<vmem>> -> memref<125x64xbf16, #tpu.memory_space<vmem>>
    %dma_wait3A_135 = arith.constant 0 : i32
    %dma_wait3A_136 = tpu.memref_slice %arg10[%dma_wait3A_129, %dma_wait3A_135] : memref<160x125xi32, #tpu.memory_space<vmem>> -> memref<1x125xi32, #tpu.memory_space<vmem>>
    %dma_wait3A_137 = tpu.memref_squeeze %dma_wait3A_136 : memref<1x125xi32, #tpu.memory_space<vmem>> -> memref<125xi32, #tpu.memory_space<vmem>>
    %dma_wait3A_138 = arith.constant 0 : i32
    %dma_wait3A_139 = arith.constant 0 : i32
    %dma_wait3A_140 = tpu.memref_slice %arg15[%dma_wait3A_138, %dma_wait3A_139] : memref<10240x64xbf16, #tpu.memory_space<vmem_shared>> -> memref<10240x64xbf16, #tpu.memory_space<vmem_shared>>
    %dma_wait3A_141 = tpu.memref_slice %arg18[%dma_wait3A_130] : memref<5x!tpu.dma_semaphore, #tpu.memory_space<semaphore_mem>> -> memref<1x!tpu.dma_semaphore, #tpu.memory_space<semaphore_mem>>
    %dma_wait3A_142 = tpu.memref_squeeze %dma_wait3A_141 : memref<1x!tpu.dma_semaphore, #tpu.memory_space<semaphore_mem>> -> memref<!tpu.dma_semaphore, #tpu.memory_space<semaphore_mem>>
    tpu.wait_indirect_dma semaphore(%dma_wait3A_142 : memref<!tpu.dma_semaphore, #tpu.memory_space<semaphore_mem>>) src(%dma_wait3A_134 : memref<125x64xbf16, #tpu.memory_space<vmem>>) dst(%dma_wait3A_140 : memref<10240x64xbf16, #tpu.memory_space<vmem_shared>>)
    %dma_wait3A_143 = arith.constant 1 : i32
    %dma_wait3A_144 = arith.constant 156 : i32
    %dma_wait3A_145 = arith.constant 1 : i32
    %dma_wait3A_146 = arith.constant 0 : i32
    %dma_wait3A_147 = arith.constant 0 : i32
    %dma_wait3A_148 = tpu.memref_slice %arg11[%dma_wait3A_143, %dma_wait3A_146, %dma_wait3A_147] : memref<5x125x64xbf16, #tpu.memory_space<vmem>> -> memref<1x125x64xbf16, #tpu.memory_space<vmem>>
    %dma_wait3A_149 = tpu.memref_squeeze %dma_wait3A_148 : memref<1x125x64xbf16, #tpu.memory_space<vmem>> -> memref<125x64xbf16, #tpu.memory_space<vmem>>
    %dma_wait3A_150 = arith.constant 0 : i32
    %dma_wait3A_151 = tpu.memref_slice %arg10[%dma_wait3A_144, %dma_wait3A_150] : memref<160x125xi32, #tpu.memory_space<vmem>> -> memref<1x125xi32, #tpu.memory_space<vmem>>
    %dma_wait3A_152 = tpu.memref_squeeze %dma_wait3A_151 : memref<1x125xi32, #tpu.memory_space<vmem>> -> memref<125xi32, #tpu.memory_space<vmem>>
    %dma_wait3A_153 = arith.constant 0 : i32
    %dma_wait3A_154 = arith.constant 0 : i32
    %dma_wait3A_155 = tpu.memref_slice %arg15[%dma_wait3A_153, %dma_wait3A_154] : memref<10240x64xbf16, #tpu.memory_space<vmem_shared>> -> memref<10240x64xbf16, #tpu.memory_space<vmem_shared>>
    %dma_wait3A_156 = tpu.memref_slice %arg18[%dma_wait3A_145] : memref<5x!tpu.dma_semaphore, #tpu.memory_space<semaphore_mem>> -> memref<1x!tpu.dma_semaphore, #tpu.memory_space<semaphore_mem>>
    %dma_wait3A_157 = tpu.memref_squeeze %dma_wait3A_156 : memref<1x!tpu.dma_semaphore, #tpu.memory_space<semaphore_mem>> -> memref<!tpu.dma_semaphore, #tpu.memory_space<semaphore_mem>>
    tpu.wait_indirect_dma semaphore(%dma_wait3A_157 : memref<!tpu.dma_semaphore, #tpu.memory_space<semaphore_mem>>) src(%dma_wait3A_149 : memref<125x64xbf16, #tpu.memory_space<vmem>>) dst(%dma_wait3A_155 : memref<10240x64xbf16, #tpu.memory_space<vmem_shared>>)
    %dma_wait3A_158 = arith.constant 2 : i32
    %dma_wait3A_159 = arith.constant 157 : i32
    %dma_wait3A_160 = arith.constant 2 : i32
    %dma_wait3A_161 = arith.constant 0 : i32
    %dma_wait3A_162 = arith.constant 0 : i32
    %dma_wait3A_163 = tpu.memref_slice %arg11[%dma_wait3A_158, %dma_wait3A_161, %dma_wait3A_162] : memref<5x125x64xbf16, #tpu.memory_space<vmem>> -> memref<1x125x64xbf16, #tpu.memory_space<vmem>>
    %dma_wait3A_164 = tpu.memref_squeeze %dma_wait3A_163 : memref<1x125x64xbf16, #tpu.memory_space<vmem>> -> memref<125x64xbf16, #tpu.memory_space<vmem>>
    %dma_wait3A_165 = arith.constant 0 : i32
    %dma_wait3A_166 = tpu.memref_slice %arg10[%dma_wait3A_159, %dma_wait3A_165] : memref<160x125xi32, #tpu.memory_space<vmem>> -> memref<1x125xi32, #tpu.memory_space<vmem>>
    %dma_wait3A_167 = tpu.memref_squeeze %dma_wait3A_166 : memref<1x125xi32, #tpu.memory_space<vmem>> -> memref<125xi32, #tpu.memory_space<vmem>>
    %dma_wait3A_168 = arith.constant 0 : i32
    %dma_wait3A_169 = arith.constant 0 : i32
    %dma_wait3A_170 = tpu.memref_slice %arg15[%dma_wait3A_168, %dma_wait3A_169] : memref<10240x64xbf16, #tpu.memory_space<vmem_shared>> -> memref<10240x64xbf16, #tpu.memory_space<vmem_shared>>
    %dma_wait3A_171 = tpu.memref_slice %arg18[%dma_wait3A_160] : memref<5x!tpu.dma_semaphore, #tpu.memory_space<semaphore_mem>> -> memref<1x!tpu.dma_semaphore, #tpu.memory_space<semaphore_mem>>
    %dma_wait3A_172 = tpu.memref_squeeze %dma_wait3A_171 : memref<1x!tpu.dma_semaphore, #tpu.memory_space<semaphore_mem>> -> memref<!tpu.dma_semaphore, #tpu.memory_space<semaphore_mem>>
    tpu.wait_indirect_dma semaphore(%dma_wait3A_172 : memref<!tpu.dma_semaphore, #tpu.memory_space<semaphore_mem>>) src(%dma_wait3A_164 : memref<125x64xbf16, #tpu.memory_space<vmem>>) dst(%dma_wait3A_170 : memref<10240x64xbf16, #tpu.memory_space<vmem_shared>>)
    %dma_wait3A_173 = arith.constant 3 : i32
    %dma_wait3A_174 = arith.constant 158 : i32
    %dma_wait3A_175 = arith.constant 3 : i32
    %dma_wait3A_176 = arith.constant 0 : i32
    %dma_wait3A_177 = arith.constant 0 : i32
    %dma_wait3A_178 = tpu.memref_slice %arg11[%dma_wait3A_173, %dma_wait3A_176, %dma_wait3A_177] : memref<5x125x64xbf16, #tpu.memory_space<vmem>> -> memref<1x125x64xbf16, #tpu.memory_space<vmem>>
    %dma_wait3A_179 = tpu.memref_squeeze %dma_wait3A_178 : memref<1x125x64xbf16, #tpu.memory_space<vmem>> -> memref<125x64xbf16, #tpu.memory_space<vmem>>
    %dma_wait3A_180 = arith.constant 0 : i32
    %dma_wait3A_181 = tpu.memref_slice %arg10[%dma_wait3A_174, %dma_wait3A_180] : memref<160x125xi32, #tpu.memory_space<vmem>> -> memref<1x125xi32, #tpu.memory_space<vmem>>
    %dma_wait3A_182 = tpu.memref_squeeze %dma_wait3A_181 : memref<1x125xi32, #tpu.memory_space<vmem>> -> memref<125xi32, #tpu.memory_space<vmem>>
    %dma_wait3A_183 = arith.constant 0 : i32
    %dma_wait3A_184 = arith.constant 0 : i32
    %dma_wait3A_185 = tpu.memref_slice %arg15[%dma_wait3A_183, %dma_wait3A_184] : memref<10240x64xbf16, #tpu.memory_space<vmem_shared>> -> memref<10240x64xbf16, #tpu.memory_space<vmem_shared>>
    %dma_wait3A_186 = tpu.memref_slice %arg18[%dma_wait3A_175] : memref<5x!tpu.dma_semaphore, #tpu.memory_space<semaphore_mem>> -> memref<1x!tpu.dma_semaphore, #tpu.memory_space<semaphore_mem>>
    %dma_wait3A_187 = tpu.memref_squeeze %dma_wait3A_186 : memref<1x!tpu.dma_semaphore, #tpu.memory_space<semaphore_mem>> -> memref<!tpu.dma_semaphore, #tpu.memory_space<semaphore_mem>>
    tpu.wait_indirect_dma semaphore(%dma_wait3A_187 : memref<!tpu.dma_semaphore, #tpu.memory_space<semaphore_mem>>) src(%dma_wait3A_179 : memref<125x64xbf16, #tpu.memory_space<vmem>>) dst(%dma_wait3A_185 : memref<10240x64xbf16, #tpu.memory_space<vmem_shared>>)
    %dma_wait3A_188 = arith.constant 4 : i32
    %dma_wait3A_189 = arith.constant 159 : i32
    %dma_wait3A_190 = arith.constant 4 : i32
    %dma_wait3A_191 = arith.constant 0 : i32
    %dma_wait3A_192 = arith.constant 0 : i32
    %dma_wait3A_193 = tpu.memref_slice %arg11[%dma_wait3A_188, %dma_wait3A_191, %dma_wait3A_192] : memref<5x125x64xbf16, #tpu.memory_space<vmem>> -> memref<1x125x64xbf16, #tpu.memory_space<vmem>>
    %dma_wait3A_194 = tpu.memref_squeeze %dma_wait3A_193 : memref<1x125x64xbf16, #tpu.memory_space<vmem>> -> memref<125x64xbf16, #tpu.memory_space<vmem>>
    %dma_wait3A_195 = arith.constant 0 : i32
    %dma_wait3A_196 = tpu.memref_slice %arg10[%dma_wait3A_189, %dma_wait3A_195] : memref<160x125xi32, #tpu.memory_space<vmem>> -> memref<1x125xi32, #tpu.memory_space<vmem>>
    %dma_wait3A_197 = tpu.memref_squeeze %dma_wait3A_196 : memref<1x125xi32, #tpu.memory_space<vmem>> -> memref<125xi32, #tpu.memory_space<vmem>>
    %dma_wait3A_198 = arith.constant 0 : i32
    %dma_wait3A_199 = arith.constant 0 : i32
    %dma_wait3A_200 = tpu.memref_slice %arg15[%dma_wait3A_198, %dma_wait3A_199] : memref<10240x64xbf16, #tpu.memory_space<vmem_shared>> -> memref<10240x64xbf16, #tpu.memory_space<vmem_shared>>
    %dma_wait3A_201 = tpu.memref_slice %arg18[%dma_wait3A_190] : memref<5x!tpu.dma_semaphore, #tpu.memory_space<semaphore_mem>> -> memref<1x!tpu.dma_semaphore, #tpu.memory_space<semaphore_mem>>
    %dma_wait3A_202 = tpu.memref_squeeze %dma_wait3A_201 : memref<1x!tpu.dma_semaphore, #tpu.memory_space<semaphore_mem>> -> memref<!tpu.dma_semaphore, #tpu.memory_space<semaphore_mem>>
    tpu.wait_indirect_dma semaphore(%dma_wait3A_202 : memref<!tpu.dma_semaphore, #tpu.memory_space<semaphore_mem>>) src(%dma_wait3A_194 : memref<125x64xbf16, #tpu.memory_space<vmem>>) dst(%dma_wait3A_200 : memref<10240x64xbf16, #tpu.memory_space<vmem_shared>>)
    %barrier3A_203 = arith.constant 0 : index
    tpu.barrier barrier_id(%barrier3A_203)
    %mul3A_204 = arith.constant 10240 : i32
    %mul3A_205 = arith.muli %arg0, %mul3A_204 : i32
    %mul3A_206 = arith.constant 640 : i32
    %mul3A_207 = arith.muli %arg1, %mul3A_206 : i32
    %add3A_208 = arith.addi %mul3A_205, %mul3A_207 : i32
    %mul3A_209 = arith.constant 640 : i32
    %mul3A_210 = arith.muli %arg1, %mul3A_209 : i32
    %add3A_211 = arith.constant 0 : i32
    %add3A_212 = arith.addi %mul3A_210, %add3A_211 : i32
    "tpu.region"() ({
      %run_scoped3A = tpu.sem_alloc : memref<!tpu.dma_semaphore, #tpu.memory_space<semaphore_mem>>
      %dma_start3A_239 = arith.constant 0 : i32
      %dma_start3A_240 = tpu.memref_slice %arg15[%add3A_212, %dma_start3A_239] : memref<10240x64xbf16, #tpu.memory_space<vmem_shared>> -> memref<128x64xbf16, #tpu.memory_space<vmem_shared>>
      %dma_start3A_241 = arith.constant 0 : i32
      %dma_start3A_242 = tpu.memref_slice %arg15[%add3A_212, %dma_start3A_241] : memref<10240x64xbf16, #tpu.memory_space<vmem_shared>> -> memref<128x64xbf16, #tpu.memory_space<vmem_shared>>
      tpu.enqueue_dma source(%dma_start3A_242 : memref<128x64xbf16, #tpu.memory_space<vmem_shared>>) target(%arg13 : memref<128x64xbf16, #tpu.memory_space<vmem>>) target_semaphore(%run_scoped3A : memref<!tpu.dma_semaphore, #tpu.memory_space<semaphore_mem>>)
      %dma_wait3A_243 = arith.constant 0 : i32
      %dma_wait3A_244 = tpu.memref_slice %arg15[%add3A_212, %dma_wait3A_243] : memref<10240x64xbf16, #tpu.memory_space<vmem_shared>> -> memref<128x64xbf16, #tpu.memory_space<vmem_shared>>
      %dma_wait3A_245 = arith.constant 0 : i32
      %dma_wait3A_246 = tpu.memref_slice %arg15[%add3A_212, %dma_wait3A_245] : memref<10240x64xbf16, #tpu.memory_space<vmem_shared>> -> memref<128x64xbf16, #tpu.memory_space<vmem_shared>>
      tpu.wait_dma2 semaphore(%run_scoped3A : memref<!tpu.dma_semaphore, #tpu.memory_space<semaphore_mem>>) src(%dma_wait3A_246 : memref<128x64xbf16, #tpu.memory_space<vmem_shared>>) dst(%arg13 : memref<128x64xbf16, #tpu.memory_space<vmem>>)
      tpu.yield
    }) : () -> ()
    %add3A_213 = arith.constant 0 : i32
    %add3A_214 = arith.addi %add3A_208, %add3A_213 : i32
    "tpu.region"() ({
      %run_scoped3A = tpu.sem_alloc : memref<!tpu.dma_semaphore, #tpu.memory_space<semaphore_mem>>
      %dma_start3A_239 = arith.constant 0 : i32
      %dma_start3A_240 = tpu.memref_slice %arg8[%add3A_214, %dma_start3A_239] : memref<20480x64xbf16, #tpu.memory_space<hbm>> -> memref<128x64xbf16, #tpu.memory_space<hbm>>
      %dma_start3A_241 = arith.constant 0 : i32
      %dma_start3A_242 = tpu.memref_slice %arg8[%add3A_214, %dma_start3A_241] : memref<20480x64xbf16, #tpu.memory_space<hbm>> -> memref<128x64xbf16, #tpu.memory_space<hbm>>
      tpu.enqueue_dma source(%arg13 : memref<128x64xbf16, #tpu.memory_space<vmem>>) target(%dma_start3A_242 : memref<128x64xbf16, #tpu.memory_space<hbm>>) target_semaphore(%run_scoped3A : memref<!tpu.dma_semaphore, #tpu.memory_space<semaphore_mem>>)
      %dma_wait3A_243 = arith.constant 0 : i32
      %dma_wait3A_244 = tpu.memref_slice %arg8[%add3A_214, %dma_wait3A_243] : memref<20480x64xbf16, #tpu.memory_space<hbm>> -> memref<128x64xbf16, #tpu.memory_space<hbm>>
      %dma_wait3A_245 = arith.constant 0 : i32
      %dma_wait3A_246 = tpu.memref_slice %arg8[%add3A_214, %dma_wait3A_245] : memref<20480x64xbf16, #tpu.memory_space<hbm>> -> memref<128x64xbf16, #tpu.memory_space<hbm>>
      tpu.wait_dma2 semaphore(%run_scoped3A : memref<!tpu.dma_semaphore, #tpu.memory_space<semaphore_mem>>) src(%arg13 : memref<128x64xbf16, #tpu.memory_space<vmem>>) dst(%dma_wait3A_246 : memref<128x64xbf16, #tpu.memory_space<hbm>>)
      tpu.yield
    }) : () -> ()
    %mul3A_215 = arith.constant 640 : i32
    %mul3A_216 = arith.muli %arg1, %mul3A_215 : i32
    %add3A_217 = arith.constant 128 : i32
    %add3A_218 = arith.addi %mul3A_216, %add3A_217 : i32
    "tpu.region"() ({
      %run_scoped3A = tpu.sem_alloc : memref<!tpu.dma_semaphore, #tpu.memory_space<semaphore_mem>>
      %dma_start3A_239 = arith.constant 0 : i32
      %dma_start3A_240 = tpu.memref_slice %arg15[%add3A_218, %dma_start3A_239] : memref<10240x64xbf16, #tpu.memory_space<vmem_shared>> -> memref<128x64xbf16, #tpu.memory_space<vmem_shared>>
      %dma_start3A_241 = arith.constant 0 : i32
      %dma_start3A_242 = tpu.memref_slice %arg15[%add3A_218, %dma_start3A_241] : memref<10240x64xbf16, #tpu.memory_space<vmem_shared>> -> memref<128x64xbf16, #tpu.memory_space<vmem_shared>>
      tpu.enqueue_dma source(%dma_start3A_242 : memref<128x64xbf16, #tpu.memory_space<vmem_shared>>) target(%arg13 : memref<128x64xbf16, #tpu.memory_space<vmem>>) target_semaphore(%run_scoped3A : memref<!tpu.dma_semaphore, #tpu.memory_space<semaphore_mem>>)
      %dma_wait3A_243 = arith.constant 0 : i32
      %dma_wait3A_244 = tpu.memref_slice %arg15[%add3A_218, %dma_wait3A_243] : memref<10240x64xbf16, #tpu.memory_space<vmem_shared>> -> memref<128x64xbf16, #tpu.memory_space<vmem_shared>>
      %dma_wait3A_245 = arith.constant 0 : i32
      %dma_wait3A_246 = tpu.memref_slice %arg15[%add3A_218, %dma_wait3A_245] : memref<10240x64xbf16, #tpu.memory_space<vmem_shared>> -> memref<128x64xbf16, #tpu.memory_space<vmem_shared>>
      tpu.wait_dma2 semaphore(%run_scoped3A : memref<!tpu.dma_semaphore, #tpu.memory_space<semaphore_mem>>) src(%dma_wait3A_246 : memref<128x64xbf16, #tpu.memory_space<vmem_shared>>) dst(%arg13 : memref<128x64xbf16, #tpu.memory_space<vmem>>)
      tpu.yield
    }) : () -> ()
    %add3A_219 = arith.constant 128 : i32
    %add3A_220 = arith.addi %add3A_208, %add3A_219 : i32
    "tpu.region"() ({
      %run_scoped3A = tpu.sem_alloc : memref<!tpu.dma_semaphore, #tpu.memory_space<semaphore_mem>>
      %dma_start3A_239 = arith.constant 0 : i32
      %dma_start3A_240 = tpu.memref_slice %arg8[%add3A_220, %dma_start3A_239] : memref<20480x64xbf16, #tpu.memory_space<hbm>> -> memref<128x64xbf16, #tpu.memory_space<hbm>>
      %dma_start3A_241 = arith.constant 0 : i32
      %dma_start3A_242 = tpu.memref_slice %arg8[%add3A_220, %dma_start3A_241] : memref<20480x64xbf16, #tpu.memory_space<hbm>> -> memref<128x64xbf16, #tpu.memory_space<hbm>>
      tpu.enqueue_dma source(%arg13 : memref<128x64xbf16, #tpu.memory_space<vmem>>) target(%dma_start3A_242 : memref<128x64xbf16, #tpu.memory_space<hbm>>) target_semaphore(%run_scoped3A : memref<!tpu.dma_semaphore, #tpu.memory_space<semaphore_mem>>)
      %dma_wait3A_243 = arith.constant 0 : i32
      %dma_wait3A_244 = tpu.memref_slice %arg8[%add3A_220, %dma_wait3A_243] : memref<20480x64xbf16, #tpu.memory_space<hbm>> -> memref<128x64xbf16, #tpu.memory_space<hbm>>
      %dma_wait3A_245 = arith.constant 0 : i32
      %dma_wait3A_246 = tpu.memref_slice %arg8[%add3A_220, %dma_wait3A_245] : memref<20480x64xbf16, #tpu.memory_space<hbm>> -> memref<128x64xbf16, #tpu.memory_space<hbm>>
      tpu.wait_dma2 semaphore(%run_scoped3A : memref<!tpu.dma_semaphore, #tpu.memory_space<semaphore_mem>>) src(%arg13 : memref<128x64xbf16, #tpu.memory_space<vmem>>) dst(%dma_wait3A_246 : memref<128x64xbf16, #tpu.memory_space<hbm>>)
      tpu.yield
    }) : () -> ()
    %mul3A_221 = arith.constant 640 : i32
    %mul3A_222 = arith.muli %arg1, %mul3A_221 : i32
    %add3A_223 = arith.constant 256 : i32
    %add3A_224 = arith.addi %mul3A_222, %add3A_223 : i32
    "tpu.region"() ({
      %run_scoped3A = tpu.sem_alloc : memref<!tpu.dma_semaphore, #tpu.memory_space<semaphore_mem>>
      %dma_start3A_239 = arith.constant 0 : i32
      %dma_start3A_240 = tpu.memref_slice %arg15[%add3A_224, %dma_start3A_239] : memref<10240x64xbf16, #tpu.memory_space<vmem_shared>> -> memref<128x64xbf16, #tpu.memory_space<vmem_shared>>
      %dma_start3A_241 = arith.constant 0 : i32
      %dma_start3A_242 = tpu.memref_slice %arg15[%add3A_224, %dma_start3A_241] : memref<10240x64xbf16, #tpu.memory_space<vmem_shared>> -> memref<128x64xbf16, #tpu.memory_space<vmem_shared>>
      tpu.enqueue_dma source(%dma_start3A_242 : memref<128x64xbf16, #tpu.memory_space<vmem_shared>>) target(%arg13 : memref<128x64xbf16, #tpu.memory_space<vmem>>) target_semaphore(%run_scoped3A : memref<!tpu.dma_semaphore, #tpu.memory_space<semaphore_mem>>)
      %dma_wait3A_243 = arith.constant 0 : i32
      %dma_wait3A_244 = tpu.memref_slice %arg15[%add3A_224, %dma_wait3A_243] : memref<10240x64xbf16, #tpu.memory_space<vmem_shared>> -> memref<128x64xbf16, #tpu.memory_space<vmem_shared>>
      %dma_wait3A_245 = arith.constant 0 : i32
      %dma_wait3A_246 = tpu.memref_slice %arg15[%add3A_224, %dma_wait3A_245] : memref<10240x64xbf16, #tpu.memory_space<vmem_shared>> -> memref<128x64xbf16, #tpu.memory_space<vmem_shared>>
      tpu.wait_dma2 semaphore(%run_scoped3A : memref<!tpu.dma_semaphore, #tpu.memory_space<semaphore_mem>>) src(%dma_wait3A_246 : memref<128x64xbf16, #tpu.memory_space<vmem_shared>>) dst(%arg13 : memref<128x64xbf16, #tpu.memory_space<vmem>>)
      tpu.yield
    }) : () -> ()
    %add3A_225 = arith.constant 256 : i32
    %add3A_226 = arith.addi %add3A_208, %add3A_225 : i32
    "tpu.region"() ({
      %run_scoped3A = tpu.sem_alloc : memref<!tpu.dma_semaphore, #tpu.memory_space<semaphore_mem>>
      %dma_start3A_239 = arith.constant 0 : i32
      %dma_start3A_240 = tpu.memref_slice %arg8[%add3A_226, %dma_start3A_239] : memref<20480x64xbf16, #tpu.memory_space<hbm>> -> memref<128x64xbf16, #tpu.memory_space<hbm>>
      %dma_start3A_241 = arith.constant 0 : i32
      %dma_start3A_242 = tpu.memref_slice %arg8[%add3A_226, %dma_start3A_241] : memref<20480x64xbf16, #tpu.memory_space<hbm>> -> memref<128x64xbf16, #tpu.memory_space<hbm>>
      tpu.enqueue_dma source(%arg13 : memref<128x64xbf16, #tpu.memory_space<vmem>>) target(%dma_start3A_242 : memref<128x64xbf16, #tpu.memory_space<hbm>>) target_semaphore(%run_scoped3A : memref<!tpu.dma_semaphore, #tpu.memory_space<semaphore_mem>>)
      %dma_wait3A_243 = arith.constant 0 : i32
      %dma_wait3A_244 = tpu.memref_slice %arg8[%add3A_226, %dma_wait3A_243] : memref<20480x64xbf16, #tpu.memory_space<hbm>> -> memref<128x64xbf16, #tpu.memory_space<hbm>>
      %dma_wait3A_245 = arith.constant 0 : i32
      %dma_wait3A_246 = tpu.memref_slice %arg8[%add3A_226, %dma_wait3A_245] : memref<20480x64xbf16, #tpu.memory_space<hbm>> -> memref<128x64xbf16, #tpu.memory_space<hbm>>
      tpu.wait_dma2 semaphore(%run_scoped3A : memref<!tpu.dma_semaphore, #tpu.memory_space<semaphore_mem>>) src(%arg13 : memref<128x64xbf16, #tpu.memory_space<vmem>>) dst(%dma_wait3A_246 : memref<128x64xbf16, #tpu.memory_space<hbm>>)
      tpu.yield
    }) : () -> ()
    %mul3A_227 = arith.constant 640 : i32
    %mul3A_228 = arith.muli %arg1, %mul3A_227 : i32
    %add3A_229 = arith.constant 384 : i32
    %add3A_230 = arith.addi %mul3A_228, %add3A_229 : i32
    "tpu.region"() ({
      %run_scoped3A = tpu.sem_alloc : memref<!tpu.dma_semaphore, #tpu.memory_space<semaphore_mem>>
      %dma_start3A_239 = arith.constant 0 : i32
      %dma_start3A_240 = tpu.memref_slice %arg15[%add3A_230, %dma_start3A_239] : memref<10240x64xbf16, #tpu.memory_space<vmem_shared>> -> memref<128x64xbf16, #tpu.memory_space<vmem_shared>>
      %dma_start3A_241 = arith.constant 0 : i32
      %dma_start3A_242 = tpu.memref_slice %arg15[%add3A_230, %dma_start3A_241] : memref<10240x64xbf16, #tpu.memory_space<vmem_shared>> -> memref<128x64xbf16, #tpu.memory_space<vmem_shared>>
      tpu.enqueue_dma source(%dma_start3A_242 : memref<128x64xbf16, #tpu.memory_space<vmem_shared>>) target(%arg13 : memref<128x64xbf16, #tpu.memory_space<vmem>>) target_semaphore(%run_scoped3A : memref<!tpu.dma_semaphore, #tpu.memory_space<semaphore_mem>>)
      %dma_wait3A_243 = arith.constant 0 : i32
      %dma_wait3A_244 = tpu.memref_slice %arg15[%add3A_230, %dma_wait3A_243] : memref<10240x64xbf16, #tpu.memory_space<vmem_shared>> -> memref<128x64xbf16, #tpu.memory_space<vmem_shared>>
      %dma_wait3A_245 = arith.constant 0 : i32
      %dma_wait3A_246 = tpu.memref_slice %arg15[%add3A_230, %dma_wait3A_245] : memref<10240x64xbf16, #tpu.memory_space<vmem_shared>> -> memref<128x64xbf16, #tpu.memory_space<vmem_shared>>
      tpu.wait_dma2 semaphore(%run_scoped3A : memref<!tpu.dma_semaphore, #tpu.memory_space<semaphore_mem>>) src(%dma_wait3A_246 : memref<128x64xbf16, #tpu.memory_space<vmem_shared>>) dst(%arg13 : memref<128x64xbf16, #tpu.memory_space<vmem>>)
      tpu.yield
    }) : () -> ()
    %add3A_231 = arith.constant 384 : i32
    %add3A_232 = arith.addi %add3A_208, %add3A_231 : i32
    "tpu.region"() ({
      %run_scoped3A = tpu.sem_alloc : memref<!tpu.dma_semaphore, #tpu.memory_space<semaphore_mem>>
      %dma_start3A_239 = arith.constant 0 : i32
      %dma_start3A_240 = tpu.memref_slice %arg8[%add3A_232, %dma_start3A_239] : memref<20480x64xbf16, #tpu.memory_space<hbm>> -> memref<128x64xbf16, #tpu.memory_space<hbm>>
      %dma_start3A_241 = arith.constant 0 : i32
      %dma_start3A_242 = tpu.memref_slice %arg8[%add3A_232, %dma_start3A_241] : memref<20480x64xbf16, #tpu.memory_space<hbm>> -> memref<128x64xbf16, #tpu.memory_space<hbm>>
      tpu.enqueue_dma source(%arg13 : memref<128x64xbf16, #tpu.memory_space<vmem>>) target(%dma_start3A_242 : memref<128x64xbf16, #tpu.memory_space<hbm>>) target_semaphore(%run_scoped3A : memref<!tpu.dma_semaphore, #tpu.memory_space<semaphore_mem>>)
      %dma_wait3A_243 = arith.constant 0 : i32
      %dma_wait3A_244 = tpu.memref_slice %arg8[%add3A_232, %dma_wait3A_243] : memref<20480x64xbf16, #tpu.memory_space<hbm>> -> memref<128x64xbf16, #tpu.memory_space<hbm>>
      %dma_wait3A_245 = arith.constant 0 : i32
      %dma_wait3A_246 = tpu.memref_slice %arg8[%add3A_232, %dma_wait3A_245] : memref<20480x64xbf16, #tpu.memory_space<hbm>> -> memref<128x64xbf16, #tpu.memory_space<hbm>>
      tpu.wait_dma2 semaphore(%run_scoped3A : memref<!tpu.dma_semaphore, #tpu.memory_space<semaphore_mem>>) src(%arg13 : memref<128x64xbf16, #tpu.memory_space<vmem>>) dst(%dma_wait3A_246 : memref<128x64xbf16, #tpu.memory_space<hbm>>)
      tpu.yield
    }) : () -> ()
    %mul3A_233 = arith.constant 640 : i32
    %mul3A_234 = arith.muli %arg1, %mul3A_233 : i32
    %add3A_235 = arith.constant 512 : i32
    %add3A_236 = arith.addi %mul3A_234, %add3A_235 : i32
    "tpu.region"() ({
      %run_scoped3A = tpu.sem_alloc : memref<!tpu.dma_semaphore, #tpu.memory_space<semaphore_mem>>
      %dma_start3A_239 = arith.constant 0 : i32
      %dma_start3A_240 = tpu.memref_slice %arg15[%add3A_236, %dma_start3A_239] : memref<10240x64xbf16, #tpu.memory_space<vmem_shared>> -> memref<128x64xbf16, #tpu.memory_space<vmem_shared>>
      %dma_start3A_241 = arith.constant 0 : i32
      %dma_start3A_242 = tpu.memref_slice %arg15[%add3A_236, %dma_start3A_241] : memref<10240x64xbf16, #tpu.memory_space<vmem_shared>> -> memref<128x64xbf16, #tpu.memory_space<vmem_shared>>
      tpu.enqueue_dma source(%dma_start3A_242 : memref<128x64xbf16, #tpu.memory_space<vmem_shared>>) target(%arg13 : memref<128x64xbf16, #tpu.memory_space<vmem>>) target_semaphore(%run_scoped3A : memref<!tpu.dma_semaphore, #tpu.memory_space<semaphore_mem>>)
      %dma_wait3A_243 = arith.constant 0 : i32
      %dma_wait3A_244 = tpu.memref_slice %arg15[%add3A_236, %dma_wait3A_243] : memref<10240x64xbf16, #tpu.memory_space<vmem_shared>> -> memref<128x64xbf16, #tpu.memory_space<vmem_shared>>
      %dma_wait3A_245 = arith.constant 0 : i32
      %dma_wait3A_246 = tpu.memref_slice %arg15[%add3A_236, %dma_wait3A_245] : memref<10240x64xbf16, #tpu.memory_space<vmem_shared>> -> memref<128x64xbf16, #tpu.memory_space<vmem_shared>>
      tpu.wait_dma2 semaphore(%run_scoped3A : memref<!tpu.dma_semaphore, #tpu.memory_space<semaphore_mem>>) src(%dma_wait3A_246 : memref<128x64xbf16, #tpu.memory_space<vmem_shared>>) dst(%arg13 : memref<128x64xbf16, #tpu.memory_space<vmem>>)
      tpu.yield
    }) : () -> ()
    %add3A_237 = arith.constant 512 : i32
    %add3A_238 = arith.addi %add3A_208, %add3A_237 : i32
    "tpu.region"() ({
      %run_scoped3A = tpu.sem_alloc : memref<!tpu.dma_semaphore, #tpu.memory_space<semaphore_mem>>
      %dma_start3A_239 = arith.constant 0 : i32
      %dma_start3A_240 = tpu.memref_slice %arg8[%add3A_238, %dma_start3A_239] : memref<20480x64xbf16, #tpu.memory_space<hbm>> -> memref<128x64xbf16, #tpu.memory_space<hbm>>
      %dma_start3A_241 = arith.constant 0 : i32
      %dma_start3A_242 = tpu.memref_slice %arg8[%add3A_238, %dma_start3A_241] : memref<20480x64xbf16, #tpu.memory_space<hbm>> -> memref<128x64xbf16, #tpu.memory_space<hbm>>
      tpu.enqueue_dma source(%arg13 : memref<128x64xbf16, #tpu.memory_space<vmem>>) target(%dma_start3A_242 : memref<128x64xbf16, #tpu.memory_space<hbm>>) target_semaphore(%run_scoped3A : memref<!tpu.dma_semaphore, #tpu.memory_space<semaphore_mem>>)
      %dma_wait3A_243 = arith.constant 0 : i32
      %dma_wait3A_244 = tpu.memref_slice %arg8[%add3A_238, %dma_wait3A_243] : memref<20480x64xbf16, #tpu.memory_space<hbm>> -> memref<128x64xbf16, #tpu.memory_space<hbm>>
      %dma_wait3A_245 = arith.constant 0 : i32
      %dma_wait3A_246 = tpu.memref_slice %arg8[%add3A_238, %dma_wait3A_245] : memref<20480x64xbf16, #tpu.memory_space<hbm>> -> memref<128x64xbf16, #tpu.memory_space<hbm>>
      tpu.wait_dma2 semaphore(%run_scoped3A : memref<!tpu.dma_semaphore, #tpu.memory_space<semaphore_mem>>) src(%arg13 : memref<128x64xbf16, #tpu.memory_space<vmem>>) dst(%dma_wait3A_246 : memref<128x64xbf16, #tpu.memory_space<hbm>>)
      tpu.yield
    }) : () -> ()
    return
  }
}

module attributes {stable_mosaic.version = 14 : i64} {
  func.func @_combine_body(%arg0: i32, %arg1: memref<2x2000x64xbf16, #tpu.memory_space<vmem>>, %arg2: memref<2x2000x8xf32, #tpu.memory_space<vmem>>, %arg3: memref<2000x128xf32, #tpu.memory_space<vmem>>, %arg4: memref<128x64xf32, #tpu.memory_space<vmem>>, %arg5: memref<128x64xf32, #tpu.memory_space<vmem>>, %arg6: memref<1x128xf32, #tpu.memory_space<vmem>>, %arg7: memref<128x128xf32, #tpu.memory_space<vmem>>, %arg8: memref<2000x128xf32, #tpu.memory_space<vmem>>) attributes {dimension_semantics = [#tpu.dimension_semantics<arbitrary>], iteration_bounds = array<i64: 5>, scalar_prefetch = 0 : i64, scratch_operands = 0 : i64, tpu.core_type = #tpu.core_type<tc>, window_params = [{transform_indices = @transform_0, window_bounds = array<i64: 2, 2000, 64>}, {transform_indices = @transform_1, window_bounds = array<i64: 2, 2000, 8>}, {transform_indices = @transform_2, window_bounds = array<i64: 2000, 128>}, {pipeline_mode = #tpu.pipeline_mode<synchronous>, transform_indices = @transform_3, window_bounds = array<i64: 128, 64>}, {pipeline_mode = #tpu.pipeline_mode<synchronous>, transform_indices = @transform_4, window_bounds = array<i64: 128, 64>}, {pipeline_mode = #tpu.pipeline_mode<synchronous>, transform_indices = @transform_5, window_bounds = array<i64: 1, 128>}, {pipeline_mode = #tpu.pipeline_mode<synchronous>, transform_indices = @transform_6, window_bounds = array<i64: 128, 128>}, {transform_indices = @transform_7, window_bounds = array<i64: 2000, 128>}]} {
    %get3A = arith.constant 0 : index
    %get3A_0 = arith.constant 0 : index
    %get3A_1 = arith.constant 0 : index
    %get3A_2 = vector.load %arg2[%get3A, %get3A_0, %get3A_1] : memref<2x2000x8xf32, #tpu.memory_space<vmem>>, vector<1x2000x8xf32>
    %get3A_3 = vector.shape_cast %get3A_2 : vector<1x2000x8xf32> to vector<2000x8xf32>
    %slice3A = vector.extract_strided_slice %get3A_3 {offsets = [0, 0], sizes = [2000, 1], strides = [1, 1]} : vector<2000x8xf32> to vector<2000x1xf32>
    %get3A_4 = arith.constant 1 : index
    %get3A_5 = arith.constant 0 : index
    %get3A_6 = arith.constant 0 : index
    %get3A_7 = vector.load %arg2[%get3A_4, %get3A_5, %get3A_6] : memref<2x2000x8xf32, #tpu.memory_space<vmem>>, vector<1x2000x8xf32>
    %get3A_8 = vector.shape_cast %get3A_7 : vector<1x2000x8xf32> to vector<2000x8xf32>
    %slice3A_9 = vector.extract_strided_slice %get3A_8 {offsets = [0, 0], sizes = [2000, 1], strides = [1, 1]} : vector<2000x8xf32> to vector<2000x1xf32>
    %add3A = arith.addf %slice3A, %slice3A_9 : vector<2000x1xf32>
    %max3A = arith.constant 1.000000e+00 : f32
    %max3A_10 = vector.broadcast %max3A : f32 to vector<2000x1xf32>
    %max3A_11 = arith.maximumf %add3A, %max3A_10 : vector<2000x1xf32>
    %get3A_12 = arith.constant 0 : index
    %get3A_13 = arith.constant 0 : index
    %get3A_14 = arith.constant 0 : index
    %get3A_15 = vector.load %arg1[%get3A_12, %get3A_13, %get3A_14] : memref<2x2000x64xbf16, #tpu.memory_space<vmem>>, vector<1x2000x64xbf16>
    %get3A_16 = vector.shape_cast %get3A_15 : vector<1x2000x64xbf16> to vector<2000x64xbf16>
    %convert_element_type3A = arith.extf %get3A_16 : vector<2000x64xbf16> to vector<2000x64xf32>
    %div3A = vector.broadcast %max3A_11 : vector<2000x1xf32> to vector<2000x64xf32>
    %div3A_17 = arith.divf %convert_element_type3A, %div3A : vector<2000x64xf32>
    %get3A_18 = arith.constant 1 : index
    %get3A_19 = arith.constant 0 : index
    %get3A_20 = arith.constant 0 : index
    %get3A_21 = vector.load %arg1[%get3A_18, %get3A_19, %get3A_20] : memref<2x2000x64xbf16, #tpu.memory_space<vmem>>, vector<1x2000x64xbf16>
    %get3A_22 = vector.shape_cast %get3A_21 : vector<1x2000x64xbf16> to vector<2000x64xbf16>
    %convert_element_type3A_23 = arith.extf %get3A_22 : vector<2000x64xbf16> to vector<2000x64xf32>
    %div3A_24 = vector.broadcast %max3A_11 : vector<2000x1xf32> to vector<2000x64xf32>
    %div3A_25 = arith.divf %convert_element_type3A_23, %div3A_24 : vector<2000x64xf32>
    %get3A_26 = arith.constant 0 : index
    %get3A_27 = arith.constant 0 : index
    %get3A_28 = vector.load %arg4[%get3A_26, %get3A_27] : memref<128x64xf32, #tpu.memory_space<vmem>>, vector<128x64xf32>
    %dot_general3A = arith.constant dense<0.000000e+00> : vector<2000x128xf32>
    %dot_general3A_29 = tpu.matmul %div3A_17, %get3A_28, %dot_general3A {dimension_numbers = #tpu.dot_dimension_numbers<[1], [1], [0], [0], [0, 0, 1, 0], [], []>, transpose_lhs_hint = false} : vector<2000x64xf32>, vector<128x64xf32>, vector<2000x128xf32> -> vector<2000x128xf32>
    %get3A_30 = arith.constant 0 : index
    %get3A_31 = arith.constant 0 : index
    %get3A_32 = vector.load %arg5[%get3A_30, %get3A_31] : memref<128x64xf32, #tpu.memory_space<vmem>>, vector<128x64xf32>
    %dot_general3A_33 = arith.constant dense<0.000000e+00> : vector<2000x128xf32>
    %dot_general3A_34 = tpu.matmul %div3A_25, %get3A_32, %dot_general3A_33 {dimension_numbers = #tpu.dot_dimension_numbers<[1], [1], [0], [0], [0, 0, 1, 0], [], []>, transpose_lhs_hint = false} : vector<2000x64xf32>, vector<128x64xf32>, vector<2000x128xf32> -> vector<2000x128xf32>
    %add3A_35 = arith.addf %dot_general3A_29, %dot_general3A_34 : vector<2000x128xf32>
    %get3A_36 = arith.constant 0 : index
    %get3A_37 = arith.constant 0 : index
    %get3A_38 = vector.load %arg6[%get3A_36, %get3A_37] : memref<1x128xf32, #tpu.memory_space<vmem>>, vector<1x128xf32>
    %add3A_39 = vector.broadcast %get3A_38 : vector<1x128xf32> to vector<2000x128xf32>
    %add3A_40 = arith.addf %add3A_35, %add3A_39 : vector<2000x128xf32>
    %get3A_41 = arith.constant 0 : index
    %get3A_42 = arith.constant 0 : index
    %get3A_43 = vector.load %arg3[%get3A_41, %get3A_42] : memref<2000x128xf32, #tpu.memory_space<vmem>>, vector<2000x128xf32>
    %get3A_44 = arith.constant 0 : index
    %get3A_45 = arith.constant 0 : index
    %get3A_46 = vector.load %arg7[%get3A_44, %get3A_45] : memref<128x128xf32, #tpu.memory_space<vmem>>, vector<128x128xf32>
    %dot_general3A_47 = arith.constant dense<0.000000e+00> : vector<2000x128xf32>
    %dot_general3A_48 = tpu.matmul %get3A_43, %get3A_46, %dot_general3A_47 {dimension_numbers = #tpu.dot_dimension_numbers<[1], [1], [0], [0], [0, 0, 1, 0], [], []>, transpose_lhs_hint = false} : vector<2000x128xf32>, vector<128x128xf32>, vector<2000x128xf32> -> vector<2000x128xf32>
    %add3A_49 = arith.addf %add3A_40, %dot_general3A_48 : vector<2000x128xf32>
    %mul3A = arith.constant 5.000000e-01 : f32
    %mul3A_50 = vector.broadcast %mul3A : f32 to vector<2000x128xf32>
    %mul3A_51 = arith.mulf %mul3A_50, %add3A_49 : vector<2000x128xf32>
    %mul3A_52 = arith.constant 0.707106769 : f32
    %mul3A_53 = vector.broadcast %mul3A_52 : f32 to vector<2000x128xf32>
    %mul3A_54 = arith.mulf %add3A_49, %mul3A_53 : vector<2000x128xf32>
    %erf3A = math.erf %mul3A_54 : vector<2000x128xf32>
    %add3A_55 = arith.constant 1.000000e+00 : f32
    %add3A_56 = vector.broadcast %add3A_55 : f32 to vector<2000x128xf32>
    %add3A_57 = arith.addf %add3A_56, %erf3A : vector<2000x128xf32>
    %mul3A_58 = arith.mulf %mul3A_51, %add3A_57 : vector<2000x128xf32>
    %swap3A = arith.constant 0 : index
    %swap3A_59 = arith.constant 0 : index
    %swap3A_60 = vector.load %arg8[%swap3A, %swap3A_59] : memref<2000x128xf32, #tpu.memory_space<vmem>>, vector<2000x128xf32>
    tpu.vector_store %arg8[%swap3A, %swap3A_59], %mul3A_58 {strides = array<i32>} : memref<2000x128xf32, #tpu.memory_space<vmem>>, vector<2000x128xf32>,
    return
  }
  func.func @transform_0(%arg0: i32) -> (i32, i32, i32) {
    %c0_i32 = arith.constant 0 : i32
    %c0_i32_0 = arith.constant 0 : i32
    %c0_i32_1 = arith.constant 0 : i32
    return %c0_i32, %arg0, %c0_i32_0 : i32, i32, i32
  }
  func.func @transform_1(%arg0: i32) -> (i32, i32, i32) {
    %c0_i32 = arith.constant 0 : i32
    %c0_i32_0 = arith.constant 0 : i32
    %c0_i32_1 = arith.constant 0 : i32
    return %c0_i32, %arg0, %c0_i32_0 : i32, i32, i32
  }
  func.func @transform_2(%arg0: i32) -> (i32, i32) {
    %c0_i32 = arith.constant 0 : i32
    %c0_i32_0 = arith.constant 0 : i32
    return %arg0, %c0_i32 : i32, i32
  }
  func.func @transform_3(%arg0: i32) -> (i32, i32) {
    %c0_i32 = arith.constant 0 : i32
    %c0_i32_0 = arith.constant 0 : i32
    %c0_i32_1 = arith.constant 0 : i32
    return %c0_i32, %c0_i32_0 : i32, i32
  }
  func.func @transform_4(%arg0: i32) -> (i32, i32) {
    %c0_i32 = arith.constant 0 : i32
    %c0_i32_0 = arith.constant 0 : i32
    %c0_i32_1 = arith.constant 0 : i32
    return %c0_i32, %c0_i32_0 : i32, i32
  }
  func.func @transform_5(%arg0: i32) -> (i32, i32) {
    %c0_i32 = arith.constant 0 : i32
    %c0_i32_0 = arith.constant 0 : i32
    %c0_i32_1 = arith.constant 0 : i32
    return %c0_i32, %c0_i32_0 : i32, i32
  }
  func.func @transform_6(%arg0: i32) -> (i32, i32) {
    %c0_i32 = arith.constant 0 : i32
    %c0_i32_0 = arith.constant 0 : i32
    %c0_i32_1 = arith.constant 0 : i32
    return %c0_i32, %c0_i32_0 : i32, i32
  }
  func.func @transform_7(%arg0: i32) -> (i32, i32) {
    %c0_i32 = arith.constant 0 : i32
    %c0_i32_0 = arith.constant 0 : i32
    return %arg0, %c0_i32 : i32, i32
  }
}

module attributes {stable_mosaic.version = 14 : i64} {
  func.func @_tail_body(%arg0: i32, %arg1: memref<2x2000x64xbf16, #tpu.memory_space<vmem>>, %arg2: memref<2x2000x8xf32, #tpu.memory_space<vmem>>, %arg3: memref<2000x128xf32, #tpu.memory_space<vmem>>, %arg4: memref<128x64xf32, #tpu.memory_space<vmem>>, %arg5: memref<128x64xf32, #tpu.memory_space<vmem>>, %arg6: memref<1x128xf32, #tpu.memory_space<vmem>>, %arg7: memref<128x128xf32, #tpu.memory_space<vmem>>, %arg8: memref<128x128xf32, #tpu.memory_space<vmem>>, %arg9: memref<1x128xf32, #tpu.memory_space<vmem>>, %arg10: memref<8x128xf32, #tpu.memory_space<vmem>>, %arg11: memref<1x8xf32, #tpu.memory_space<vmem>>, %arg12: memref<2000x8xf32, #tpu.memory_space<vmem>>) attributes {dimension_semantics = [#tpu.dimension_semantics<arbitrary>], iteration_bounds = array<i64: 5>, scalar_prefetch = 0 : i64, scratch_operands = 0 : i64, tpu.core_type = #tpu.core_type<tc>, window_params = [{transform_indices = @transform_0, window_bounds = array<i64: 2, 2000, 64>}, {transform_indices = @transform_1, window_bounds = array<i64: 2, 2000, 8>}, {transform_indices = @transform_2, window_bounds = array<i64: 2000, 128>}, {pipeline_mode = #tpu.pipeline_mode<synchronous>, transform_indices = @transform_3, window_bounds = array<i64: 128, 64>}, {pipeline_mode = #tpu.pipeline_mode<synchronous>, transform_indices = @transform_4, window_bounds = array<i64: 128, 64>}, {pipeline_mode = #tpu.pipeline_mode<synchronous>, transform_indices = @transform_5, window_bounds = array<i64: 1, 128>}, {pipeline_mode = #tpu.pipeline_mode<synchronous>, transform_indices = @transform_6, window_bounds = array<i64: 128, 128>}, {pipeline_mode = #tpu.pipeline_mode<synchronous>, transform_indices = @transform_7, window_bounds = array<i64: 128, 128>}, {pipeline_mode = #tpu.pipeline_mode<synchronous>, transform_indices = @transform_8, window_bounds = array<i64: 1, 128>}, {pipeline_mode = #tpu.pipeline_mode<synchronous>, transform_indices = @transform_9, window_bounds = array<i64: 8, 128>}, {pipeline_mode = #tpu.pipeline_mode<synchronous>, transform_indices = @transform_10, window_bounds = array<i64: 1, 8>}, {transform_indices = @transform_11, window_bounds = array<i64: 2000, 8>}]} {
    %get3A = arith.constant 0 : index
    %get3A_0 = arith.constant 0 : index
    %get3A_1 = arith.constant 0 : index
    %get3A_2 = vector.load %arg2[%get3A, %get3A_0, %get3A_1] : memref<2x2000x8xf32, #tpu.memory_space<vmem>>, vector<1x2000x8xf32>
    %get3A_3 = vector.shape_cast %get3A_2 : vector<1x2000x8xf32> to vector<2000x8xf32>
    %slice3A = vector.extract_strided_slice %get3A_3 {offsets = [0, 0], sizes = [2000, 1], strides = [1, 1]} : vector<2000x8xf32> to vector<2000x1xf32>
    %get3A_4 = arith.constant 1 : index
    %get3A_5 = arith.constant 0 : index
    %get3A_6 = arith.constant 0 : index
    %get3A_7 = vector.load %arg2[%get3A_4, %get3A_5, %get3A_6] : memref<2x2000x8xf32, #tpu.memory_space<vmem>>, vector<1x2000x8xf32>
    %get3A_8 = vector.shape_cast %get3A_7 : vector<1x2000x8xf32> to vector<2000x8xf32>
    %slice3A_9 = vector.extract_strided_slice %get3A_8 {offsets = [0, 0], sizes = [2000, 1], strides = [1, 1]} : vector<2000x8xf32> to vector<2000x1xf32>
    %add3A = arith.addf %slice3A, %slice3A_9 : vector<2000x1xf32>
    %max3A = arith.constant 1.000000e+00 : f32
    %max3A_10 = vector.broadcast %max3A : f32 to vector<2000x1xf32>
    %max3A_11 = arith.maximumf %add3A, %max3A_10 : vector<2000x1xf32>
    %get3A_12 = arith.constant 0 : index
    %get3A_13 = arith.constant 0 : index
    %get3A_14 = arith.constant 0 : index
    %get3A_15 = vector.load %arg1[%get3A_12, %get3A_13, %get3A_14] : memref<2x2000x64xbf16, #tpu.memory_space<vmem>>, vector<1x2000x64xbf16>
    %get3A_16 = vector.shape_cast %get3A_15 : vector<1x2000x64xbf16> to vector<2000x64xbf16>
    %convert_element_type3A = arith.extf %get3A_16 : vector<2000x64xbf16> to vector<2000x64xf32>
    %div3A = vector.broadcast %max3A_11 : vector<2000x1xf32> to vector<2000x64xf32>
    %div3A_17 = arith.divf %convert_element_type3A, %div3A : vector<2000x64xf32>
    %get3A_18 = arith.constant 1 : index
    %get3A_19 = arith.constant 0 : index
    %get3A_20 = arith.constant 0 : index
    %get3A_21 = vector.load %arg1[%get3A_18, %get3A_19, %get3A_20] : memref<2x2000x64xbf16, #tpu.memory_space<vmem>>, vector<1x2000x64xbf16>
    %get3A_22 = vector.shape_cast %get3A_21 : vector<1x2000x64xbf16> to vector<2000x64xbf16>
    %convert_element_type3A_23 = arith.extf %get3A_22 : vector<2000x64xbf16> to vector<2000x64xf32>
    %div3A_24 = vector.broadcast %max3A_11 : vector<2000x1xf32> to vector<2000x64xf32>
    %div3A_25 = arith.divf %convert_element_type3A_23, %div3A_24 : vector<2000x64xf32>
    %get3A_26 = arith.constant 0 : index
    %get3A_27 = arith.constant 0 : index
    %get3A_28 = vector.load %arg4[%get3A_26, %get3A_27] : memref<128x64xf32, #tpu.memory_space<vmem>>, vector<128x64xf32>
    %dot_general3A = arith.constant dense<0.000000e+00> : vector<2000x128xf32>
    %dot_general3A_29 = tpu.matmul %div3A_17, %get3A_28, %dot_general3A {dimension_numbers = #tpu.dot_dimension_numbers<[1], [1], [0], [0], [0, 0, 1, 0], [], []>, transpose_lhs_hint = false} : vector<2000x64xf32>, vector<128x64xf32>, vector<2000x128xf32> -> vector<2000x128xf32>
    %get3A_30 = arith.constant 0 : index
    %get3A_31 = arith.constant 0 : index
    %get3A_32 = vector.load %arg5[%get3A_30, %get3A_31] : memref<128x64xf32, #tpu.memory_space<vmem>>, vector<128x64xf32>
    %dot_general3A_33 = arith.constant dense<0.000000e+00> : vector<2000x128xf32>
    %dot_general3A_34 = tpu.matmul %div3A_25, %get3A_32, %dot_general3A_33 {dimension_numbers = #tpu.dot_dimension_numbers<[1], [1], [0], [0], [0, 0, 1, 0], [], []>, transpose_lhs_hint = false} : vector<2000x64xf32>, vector<128x64xf32>, vector<2000x128xf32> -> vector<2000x128xf32>
    %add3A_35 = arith.addf %dot_general3A_29, %dot_general3A_34 : vector<2000x128xf32>
    %get3A_36 = arith.constant 0 : index
    %get3A_37 = arith.constant 0 : index
    %get3A_38 = vector.load %arg6[%get3A_36, %get3A_37] : memref<1x128xf32, #tpu.memory_space<vmem>>, vector<1x128xf32>
    %add3A_39 = vector.broadcast %get3A_38 : vector<1x128xf32> to vector<2000x128xf32>
    %add3A_40 = arith.addf %add3A_35, %add3A_39 : vector<2000x128xf32>
    %get3A_41 = arith.constant 0 : index
    %get3A_42 = arith.constant 0 : index
    %get3A_43 = vector.load %arg3[%get3A_41, %get3A_42] : memref<2000x128xf32, #tpu.memory_space<vmem>>, vector<2000x128xf32>
    %get3A_44 = arith.constant 0 : index
    %get3A_45 = arith.constant 0 : index
    %get3A_46 = vector.load %arg7[%get3A_44, %get3A_45] : memref<128x128xf32, #tpu.memory_space<vmem>>, vector<128x128xf32>
    %dot_general3A_47 = arith.constant dense<0.000000e+00> : vector<2000x128xf32>
    %dot_general3A_48 = tpu.matmul %get3A_43, %get3A_46, %dot_general3A_47 {dimension_numbers = #tpu.dot_dimension_numbers<[1], [1], [0], [0], [0, 0, 1, 0], [], []>, transpose_lhs_hint = false} : vector<2000x128xf32>, vector<128x128xf32>, vector<2000x128xf32> -> vector<2000x128xf32>
    %add3A_49 = arith.addf %add3A_40, %dot_general3A_48 : vector<2000x128xf32>
    %mul3A = arith.constant 5.000000e-01 : f32
    %mul3A_50 = vector.broadcast %mul3A : f32 to vector<2000x128xf32>
    %mul3A_51 = arith.mulf %mul3A_50, %add3A_49 : vector<2000x128xf32>
    %mul3A_52 = arith.constant 0.707106769 : f32
    %mul3A_53 = vector.broadcast %mul3A_52 : f32 to vector<2000x128xf32>
    %mul3A_54 = arith.mulf %add3A_49, %mul3A_53 : vector<2000x128xf32>
    %erf3A = math.erf %mul3A_54 : vector<2000x128xf32>
    %add3A_55 = arith.constant 1.000000e+00 : f32
    %add3A_56 = vector.broadcast %add3A_55 : f32 to vector<2000x128xf32>
    %add3A_57 = arith.addf %add3A_56, %erf3A : vector<2000x128xf32>
    %mul3A_58 = arith.mulf %mul3A_51, %add3A_57 : vector<2000x128xf32>
    %get3A_59 = arith.constant 0 : index
    %get3A_60 = arith.constant 0 : index
    %get3A_61 = vector.load %arg8[%get3A_59, %get3A_60] : memref<128x128xf32, #tpu.memory_space<vmem>>, vector<128x128xf32>
    %dot_general3A_62 = arith.constant dense<0.000000e+00> : vector<2000x128xf32>
    %dot_general3A_63 = tpu.matmul %mul3A_58, %get3A_61, %dot_general3A_62 {dimension_numbers = #tpu.dot_dimension_numbers<[1], [1], [0], [0], [0, 0, 1, 0], [], []>, transpose_lhs_hint = false} : vector<2000x128xf32>, vector<128x128xf32>, vector<2000x128xf32> -> vector<2000x128xf32>
    %get3A_64 = arith.constant 0 : index
    %get3A_65 = arith.constant 0 : index
    %get3A_66 = vector.load %arg9[%get3A_64, %get3A_65] : memref<1x128xf32, #tpu.memory_space<vmem>>, vector<1x128xf32>
    %add3A_67 = vector.broadcast %get3A_66 : vector<1x128xf32> to vector<2000x128xf32>
    %add3A_68 = arith.addf %dot_general3A_63, %add3A_67 : vector<2000x128xf32>
    %mul3A_69 = arith.constant 5.000000e-01 : f32
    %mul3A_70 = vector.broadcast %mul3A_69 : f32 to vector<2000x128xf32>
    %mul3A_71 = arith.mulf %mul3A_70, %add3A_68 : vector<2000x128xf32>
    %mul3A_72 = arith.constant 0.707106769 : f32
    %mul3A_73 = vector.broadcast %mul3A_72 : f32 to vector<2000x128xf32>
    %mul3A_74 = arith.mulf %add3A_68, %mul3A_73 : vector<2000x128xf32>
    %erf3A_75 = math.erf %mul3A_74 : vector<2000x128xf32>
    %add3A_76 = arith.constant 1.000000e+00 : f32
    %add3A_77 = vector.broadcast %add3A_76 : f32 to vector<2000x128xf32>
    %add3A_78 = arith.addf %add3A_77, %erf3A_75 : vector<2000x128xf32>
    %mul3A_79 = arith.mulf %mul3A_71, %add3A_78 : vector<2000x128xf32>
    %get3A_80 = arith.constant 0 : index
    %get3A_81 = arith.constant 0 : index
    %get3A_82 = vector.load %arg10[%get3A_80, %get3A_81] : memref<8x128xf32, #tpu.memory_space<vmem>>, vector<8x128xf32>
    %dot_general3A_83 = arith.constant dense<0.000000e+00> : vector<2000x8xf32>
    %dot_general3A_84 = tpu.matmul %mul3A_79, %get3A_82, %dot_general3A_83 {dimension_numbers = #tpu.dot_dimension_numbers<[1], [1], [0], [0], [0, 0, 1, 0], [], []>, transpose_lhs_hint = false} : vector<2000x128xf32>, vector<8x128xf32>, vector<2000x8xf32> -> vector<2000x8xf32>
    %get3A_85 = arith.constant 0 : index
    %get3A_86 = arith.constant 0 : index
    %get3A_87 = vector.load %arg11[%get3A_85, %get3A_86] : memref<1x8xf32, #tpu.memory_space<vmem>>, vector<1x8xf32>
    %add3A_88 = vector.broadcast %get3A_87 : vector<1x8xf32> to vector<2000x8xf32>
    %add3A_89 = arith.addf %dot_general3A_84, %add3A_88 : vector<2000x8xf32>
    %reduce_max3A = arith.constant dense<0xFF800000> : vector<2000xf32>
    %reduce_max3A_90 = vector.multi_reduction <maximumf>, %add3A_89, %reduce_max3A [1] : vector<2000x8xf32> to vector<2000xf32>
    %broadcast_in_dim3A = vector.shape_cast %reduce_max3A_90 : vector<2000xf32> to vector<2000x1xf32>
    %sub3A = vector.broadcast %broadcast_in_dim3A : vector<2000x1xf32> to vector<2000x8xf32>
    %sub3A_91 = arith.subf %add3A_89, %sub3A : vector<2000x8xf32>
    %exp3A = math.exp %sub3A_91 : vector<2000x8xf32>
    %reduce_sum3A = arith.constant dense<0.000000e+00> : vector<2000xf32>
    %reduce_sum3A_92 = vector.multi_reduction <add>, %exp3A, %reduce_sum3A [1] : vector<2000x8xf32> to vector<2000xf32>
    %broadcast_in_dim3A_93 = vector.shape_cast %reduce_sum3A_92 : vector<2000xf32> to vector<2000x1xf32>
    %div3A_94 = vector.broadcast %broadcast_in_dim3A_93 : vector<2000x1xf32> to vector<2000x8xf32>
    %div3A_95 = arith.divf %exp3A, %div3A_94 : vector<2000x8xf32>
    %swap3A = arith.constant 0 : index
    %swap3A_96 = arith.constant 0 : index
    %swap3A_97 = vector.load %arg12[%swap3A, %swap3A_96] : memref<2000x8xf32, #tpu.memory_space<vmem>>, vector<2000x8xf32>
    tpu.vector_store %arg12[%swap3A, %swap3A_96], %div3A_95 {strides = array<i32>} : memref<2000x8xf32, #tpu.memory_space<vmem>>, vector<2000x8xf32>,
    return
  }
  func.func @transform_0(%arg0: i32) -> (i32, i32, i32) {
    %c0_i32 = arith.constant 0 : i32
    %c0_i32_0 = arith.constant 0 : i32
    %c0_i32_1 = arith.constant 0 : i32
    return %c0_i32, %arg0, %c0_i32_0 : i32, i32, i32
  }
  func.func @transform_1(%arg0: i32) -> (i32, i32, i32) {
    %c0_i32 = arith.constant 0 : i32
    %c0_i32_0 = arith.constant 0 : i32
    %c0_i32_1 = arith.constant 0 : i32
    return %c0_i32, %arg0, %c0_i32_0 : i32, i32, i32
  }
  func.func @transform_2(%arg0: i32) -> (i32, i32) {
    %c0_i32 = arith.constant 0 : i32
    %c0_i32_0 = arith.constant 0 : i32
    return %arg0, %c0_i32 : i32, i32
  }
  func.func @transform_3(%arg0: i32) -> (i32, i32) {
    %c0_i32 = arith.constant 0 : i32
    %c0_i32_0 = arith.constant 0 : i32
    %c0_i32_1 = arith.constant 0 : i32
    return %c0_i32, %c0_i32_0 : i32, i32
  }
  func.func @transform_4(%arg0: i32) -> (i32, i32) {
    %c0_i32 = arith.constant 0 : i32
    %c0_i32_0 = arith.constant 0 : i32
    %c0_i32_1 = arith.constant 0 : i32
    return %c0_i32, %c0_i32_0 : i32, i32
  }
  func.func @transform_5(%arg0: i32) -> (i32, i32) {
    %c0_i32 = arith.constant 0 : i32
    %c0_i32_0 = arith.constant 0 : i32
    %c0_i32_1 = arith.constant 0 : i32
    return %c0_i32, %c0_i32_0 : i32, i32
  }
  func.func @transform_6(%arg0: i32) -> (i32, i32) {
    %c0_i32 = arith.constant 0 : i32
    %c0_i32_0 = arith.constant 0 : i32
    %c0_i32_1 = arith.constant 0 : i32
    return %c0_i32, %c0_i32_0 : i32, i32
  }
  func.func @transform_7(%arg0: i32) -> (i32, i32) {
    %c0_i32 = arith.constant 0 : i32
    %c0_i32_0 = arith.constant 0 : i32
    %c0_i32_1 = arith.constant 0 : i32
    return %c0_i32, %c0_i32_0 : i32, i32
  }
  func.func @transform_8(%arg0: i32) -> (i32, i32) {
    %c0_i32 = arith.constant 0 : i32
    %c0_i32_0 = arith.constant 0 : i32
    %c0_i32_1 = arith.constant 0 : i32
    return %c0_i32, %c0_i32_0 : i32, i32
  }
  func.func @transform_9(%arg0: i32) -> (i32, i32) {
    %c0_i32 = arith.constant 0 : i32
    %c0_i32_0 = arith.constant 0 : i32
    %c0_i32_1 = arith.constant 0 : i32
    return %c0_i32, %c0_i32_0 : i32, i32
  }
  func.func @transform_10(%arg0: i32) -> (i32, i32) {
    %c0_i32 = arith.constant 0 : i32
    %c0_i32_0 = arith.constant 0 : i32
    %c0_i32_1 = arith.constant 0 : i32
    return %c0_i32, %c0_i32_0 : i32, i32
  }
  func.func @transform_11(%arg0: i32) -> (i32, i32) {
    %c0_i32 = arith.constant 0 : i32
    %c0_i32_0 = arith.constant 0 : i32
    return %arg0, %c0_i32 : i32, i32
  }
}

</mosaic_0001>

<sc_bundles>
// kernel: sc_segment_mean.3.cloned.1.call-start
scs
__scs_entry_jumppad:
0x0: {  	(pc) =	sbr.rel $0x88, $3  }
0x1: {  	(tag) =	ssettag $0x0;
	lr =	simm.s32 $0x1  }
0x2: {  	[smem:$0x3F95] =	sst lr;
	_ =	strace $0xD0000000  }
0x3: {  	_ = 	snop  }
0x4: {  	_ = 	snop  }
0x5: {  	_ = 	snop  }
0x6: {  	_ = 	snop  }
0x7: {  	_ = 	snop  }
__scs_overlays_trampoline_lowered:
0x8: {  	[smem:$0x3FA4] =	sst s0  }
0x9: {  	[smem:$0x3FA5] =	sst s1  }
0xa: {  	[smem:$0x3FA6] =	sst s2  }
0xb: {  	[smem:$0x3FA7] =	sst s3  }
0xc: {  	[smem:$0x3FA8] =	sst s4  }
0xd: {  	[smem:$0x3FA9] =	sst s5  }
0xe: {  	[smem:$0x3FAA] =	sst s6  }
0xf: {  	[smem:$0x3FAB] =	sst s7  }
0x10: {  	[smem:$0x3FAC] =	sst s8  }
0x11: {  	[smem:$0x3FAD] =	sst s9;
	s0 =	simm.s32 @!p0 $0x0  }
0x12: {  	s1 =	sld [smem:$0x3F93];
	s0 =	simm.s32 @p0 $0x1  }
0x13: {  	[smem:$0x3FAE] =	sst s0;
	s0 =	simm.s32 @!p1 $0x0  }
0x14: {  	s2 =	sld [smem:$0x3F92];
	s0 =	simm.s32 @p1 $0x1  }
0x15: {  	[smem:$0x3FAF] =	sst s0;
	s0 =	simm.s32 @!p2 $0x0  }
0x16: {  	s3 =	sld [smem:$0x3FDB];
	s0 =	simm.s32 @p2 $0x1  }
0x17: {  	s4 =	simm.s32 $0x1BF5;
	[smem:$0x3FB1] =	sst s0  }
0x18: {  	s0 =	sld [smem:$0x3F94];
	_ =	swait.ge [sflag:s4], $0x0  }
0x19: {  	s7 =	sld [smem:$0x3F95]  }
0x1a: {  	s8 =	sadd.s32 $0xFFFFE003, lr  }
0x1b: {  	s9 =	sadd.s32 $0xFFFFFEF7, lr;
	s5 =	simm.s32 $0xFFFFFFFF;
	p2 =	slt.u32 s8, $0xFFFFF086  }
0x1c: {  	p1 =	slt.u32 s9, $0xF7A;
	s5 =	simm.s32 @!p2 $0x0  }
0x1d: {  	s5 =	simm.s32 @p1 $0x1;
	p0 =	seq.s32 s7, s2  }
0x1e: {  	s7 =	smul.u32 @!p0 $0xF7A, s2;
	p2 =	seq.s32 @!p0 s5, $0x0  }
0x1f: {  	s9 =	smul.u32 $0xF7A, s1;
	s8 =	simm.s32 @!p0 $0x1BF5;
	p2 =	por !p2, p0  }
0x20: {  	[sflag:s8] =	ssyncset.s32 @!p0 $0xFFFFF086;
	s6 =	sadd.s32 @!p0 s3, s7;
	s7 =	simm.s32 @!p0 $0x108  }
0x21: {  	s3 =	sadd.s32 s3, s9;
	s6 =	sadd.s32 @!p0 $0x88, s6;
	s7 =	simm.s32 @p2 $0x1082  }
0x22: {  	[simem:s7], [sflag:s8] =	dma.local @!p0 [hbm:s6], $0xF7A  }
0x23: {  	s9 =	sor.u32 $0xD0000000, s2;
	s6 =	simm.s32 $0x108;
	_ =	swait.ge @!p0 [sflag:s8], $0x0  }
0x24: {  	s3 =	sadd.s32 $0x88, s3;
	s6 =	simm.s32 @!p1 $0x1082;
	[sflag:s4] =	ssyncset.s32 $0xFFFFF086  }
0x25: {  	[simem:s6], [sflag:s4] =	dma.local [hbm:s3], $0xF7A  }
0x26: {  	[smem:$0x3F95] =	sst s1;
	(tag) =	ssettag s2;
	_ =	strace s9  }
0x27: {  	s1 =	sld [smem:$0x3FA5]  }
0x28: {  	s2 =	sld [smem:$0x3FA6]  }
0x29: {  	s4 =	sld [smem:$0x3FA8]  }
0x2a: {  	p0 =	seq.s32 s5, $0x0;
	s5 =	sld [smem:$0x3FA9]  }
0x2b: {  	s6 =	sld [smem:$0x3FAA]  }
0x2c: {  	s7 =	sld [smem:$0x3FAB]  }
0x2d: {  	s3 =	simm.s32 $0x108;
	s8 =	sld [smem:$0x3FAC]  }
0x2e: {  	s3 =	simm.s32 @!p0 $0x1082;
	s9 =	sld [smem:$0x3FAD]  }
0x2f: {  	lr =	sadd.s32 s0, s3;
	s0 =	sld [smem:$0x3FA4]  }
0x30: {  	s3 =	sld [smem:$0x3FA7]  }
0x31: {  	[smem:$0x3FB0] =	sst s10  }
0x32: {  	s10 =	sld [smem:$0x3FAE];
	_ =	sdelay $0x3  }
0x33: {  	p0 =	seq.s32 s10, $0x1;
	s10 =	sld [smem:$0x3FB0];
	_ =	sdelay $0x3  }
0x34: {  	[smem:$0x3FB0] =	sst s10  }
0x35: {  	s10 =	sld [smem:$0x3FAF];
	_ =	sdelay $0x3  }
0x36: {  	p1 =	seq.s32 s10, $0x1;
	s10 =	sld [smem:$0x3FB0];
	_ =	sdelay $0x3  }
0x37: {  	[smem:$0x3FB0] =	sst s10  }
0x38: {  	s10 =	sld [smem:$0x3FB1]  }
0x39: {  	_ = 	snop;
	(pc) =	sbr.ind lr, $3  }
0x3a: {  	_ = 	snop  }
0x3b: {  	_ = 	snop  }
0x3c: {  	p2 =	seq.s32 s10, $0x1;
	s10 =	sld [smem:$0x3FB0]  }
0x3d: {  	_ =	shalt  }
0x3e: {  	_ =	shalt  }
0x3f: {  	_ =	shalt  }
0x40: {  	_ =	shalt  }
0x41: {  	_ =	shalt  }
0x42: {  	_ =	shalt  }
0x43: {  	_ =	shalt  }
0x44: {  	_ =	shalt  }
0x45: {  	_ =	shalt  }
0x46: {  	_ =	shalt  }
0x47: {  	_ =	shalt  }
0x48: {  	_ =	shalt  }
0x49: {  	_ =	shalt  }
0x4a: {  	_ =	shalt  }
0x4b: {  	_ =	shalt  }
0x4c: {  	_ =	shalt  }
0x4d: {  	_ =	shalt  }
0x4e: {  	_ =	shalt  }
0x4f: {  	_ =	shalt  }
0x50: {  	_ =	shalt  }
0x51: {  	_ =	shalt  }
0x52: {  	_ =	shalt  }
0x53: {  	_ =	shalt  }
0x54: {  	_ =	shalt  }
0x55: {  	_ =	shalt  }
0x56: {  	_ =	shalt  }
0x57: {  	_ =	shalt  }
0x58: {  	_ =	shalt  }
0x59: {  	_ =	shalt  }
0x5a: {  	_ =	shalt  }
0x5b: {  	_ =	shalt  }
0x5c: {  	_ =	shalt  }
0x5d: {  	_ =	shalt  }
0x5e: {  	_ =	shalt  }
0x5f: {  	_ =	shalt  }
0x60: {  	_ =	shalt  }
0x61: {  	_ =	shalt  }
0x62: {  	_ =	shalt  }
0x63: {  	_ =	shalt  }
0x64: {  	_ =	shalt  }
0x65: {  	_ =	shalt  }
0x66: {  	_ =	shalt  }
0x67: {  	_ =	shalt  }
0x68: {  	_ =	shalt  }
0x69: {  	_ =	shalt  }
0x6a: {  	_ =	shalt  }
0x6b: {  	_ =	shalt  }
0x6c: {  	_ =	shalt  }
0x6d: {  	_ =	shalt  }
0x6e: {  	_ =	shalt  }
0x6f: {  	_ =	shalt  }
0x70: {  	_ =	shalt  }
0x71: {  	_ =	shalt  }
0x72: {  	_ =	shalt  }
0x73: {  	_ =	shalt  }
0x74: {  	_ =	shalt  }
0x75: {  	_ =	shalt  }
0x76: {  	_ =	shalt  }
0x77: {  	_ =	shalt  }
0x78: {  	_ =	shalt  }
0x79: {  	_ =	shalt  }
0x7a: {  	_ =	shalt  }
0x7b: {  	_ =	shalt  }
0x7c: {  	_ =	shalt  }
0x7d: {  	_ =	shalt  }
0x7e: {  	_ =	shalt  }
0x7f: {  	_ =	shalt  }
0x80: {  	_ =	shalt  }
0x81: {  	_ =	shalt  }
0x82: {  	_ =	shalt  }
0x83: {  	_ =	shalt  }
0x84: {  	_ =	shalt  }
0x85: {  	_ =	shalt  }
0x86: {  	_ =	shalt  }
0x87: {  	_ =	shalt  }
.Lfunc_end0:
.L_simem_size_0:
called_computation.1_lowered:
.L_overlay_start_0:
0x88: {  	s2 =	sld [smem:$0x3FD9]  }
0x89: {  	s3 =	sld [smem:$0x3FFE];
	_ =	sdelay $0x1  }
0x8a: {  	s1 =	srdreg.scid  }
0x8b: {  	s0 =	sand.u32 $0x1, s1  }
0x8c: {  	s16 =	sshll.u32 s0, $0xA;
	s2 =	sadd.s32 s3, s2  }
0x8d: {  	s2 =	sadd.s32 s2, s16  }
0x8e: {  	[smem:$0x3FBC] =	sst s2  }
0x8f: {  	_ = 	snop  }
0x90: {  	(tm) =	ssettm $0x1  }
0x91: {  	s17 =	sld [smem:$0x3FFB];
	_ =	sdelay $0x3  }
0x92: {  	_ =	strace s17  }
0x93: {  	s2 =	sld [smem:$0x3FFC];
	_ =	sdelay $0x3  }
0x94: {  	_ =	strace s2  }
0x95: {  	s2 =	sld [smem:$0x3FFD];
	_ =	sdelay $0x3  }
0x96: {  	_ =	strace s2  }
0x97: {  	_ =	strace $0x8FFFFFFF  }
0x98: {  	s18 =	sld [smem:$0x3FDB];
	_ =	sdelay $0x1  }
0x99: {  	s19 =	simm.s32 $_scs_section_size  }
0x9a: {  	s4 =	simm.s32 $_size__tile_overlayer_lowered;
	s5 =	simm.s32 $_tile_overlayer_lowered  }
0x9b: {  	s22 =	simm.s32 $0x1BFF;
	s21 =	sshll.u32 s5, $0x1;
	s2 =	sadd.s32 s19, s18  }
0x9c: {  	s6 =	simm.s32 $0x0;
	s20 =	sshll.u32 s4, $0x1;
	s4 =	sadd.s32 s21, s2  }
0x9d: {  	[timem:s6], [sflag:s22] =	dma.local [hbm:s4], s20  }
0x9e: {  	_ =	swait.ge [sflag:s22], s20  }
0x9f: {  	s3 =	ssub.s32 $0x0, s20;
	[sflag:s22] =	ssyncset.done $0x0  }
0xa0: {  	[sflag:s22] =	ssyncadd.s32 s3;
	_ =	sdelay $0x1  }
0xa1: {  	s23 =	simm.s32 $0x1B8B  }
0xa2: {  	_ =	swait.ge [sflag:s23], $0x1  }
0xa3: {  	[sflag:s23] =	ssyncset.done $0x0  }
0xa4: {  	s25 =	simm.s32 $0x1B8E;
	s24 =	sld [smem:$0x3FFE];
	[sflag:s23] =	ssyncadd.s32 $0xFFFFFFFF  }
0xa5: {  	s26 =	simm.s32 $execute0_lowered;
	[smem:$0x3FD2] =	sst s25  }
0xa6: {  	s4 =	sshll.u32 s26, $0x1;
	_ =	strace $0x80000049;
	[dreg:$0x1] =	wrdreg $0xFFFFFFFF  }
0xa7: {  	s28 =	simm.s32 $_size_execute0_lowered;
	s2 =	sadd.s32 s2, s4;
	[dreg:$0x0] =	wrdreg $0x0  }
0xa8: {  	s4 =	sshll.u32 s28, $0x1;
	[dreg:$0x2] =	wrdreg s2  }
0xa9: {  	[dreg:$0x3] =	wrdreg s4  }
0xaa: {  	[dreg:$0x4] =	wrdreg $0xC0  }
0xab: {  	_ =	task [dreg:s6], $0x5FFFF  }
0xac: {  	[dreg:$0x1] =	wrdreg $0xFFFFFFFF  }
0xad: {  	[dreg:$0x0] =	wrdreg $0x60  }
0xae: {  	[dreg:$0x2] =	wrdreg s24  }
0xaf: {  	[dreg:$0x3] =	wrdreg $0xFE200  }
0xb0: {  	[dreg:$0x4] =	wrdreg $0x9  }
0xb1: {  	_ =	task.clear_ibuf [dreg:s6], $0x5FFFF;
	_ =	strace $0x90000049  }
0xb2: {  	s29 =	simm.s32 $0x9;
	_ =	strace $0x8000004B  }
0xb3: {  	_ =	swait.ge [sflag:s29], $0x1  }
0xb4: {  	[sflag:s29] =	ssyncadd.s32 $0xFFFFFFFF  }
0xb5: {  	_ =	strace $0x9000004B  }
0xb6: {  	_ =	sfence  }
0xb7: {  	s30 =	sld [smem:$0x0];
	_ =	sdelay $0x2  }
0xb8: {  	s31 =	sshll.u32 s1, $0xD;
	s1 =	sshrl.u32 s1, $0x2  }
0xb9: {  	s3 =	sand.u32 $0x4000, s31;
	s1 =	sadd.s32 s1, s30  }
0xba: {  	s0 =	sor.u32 s3, s0;
	s1 =	sshll.u32 s1, $0x11  }
0xbb: {  	s0 =	sor.u32 s1, s0  }
0xbc: {  	s0 =	sadd.s32 $0x8F2B, s0  }
0xbd: {  	[sflag:s0] =	ssyncadd.remote.s32 $0x1  }
0xbe: {  	_ =	sfence.sel $0xFFFF  }
0xbf: {  	[dreg:$0x0] =	wrdreg $0xFFFFFFFF;
	(pc) =	sbr.abs _section_cstart, $3  }
0xc0: {  	[dreg:$0x1] =	wrdreg $0xFFFFFFFF  }
0xc1: {  	_ =	task.clear_ibuf [dreg:s6], $0x2FFFF;
	_ =	strace $0x9FFFFFFF  }
0xc2: {  	(tm) =	ssettm $0x7FFFFFFF  }
0xc3: {  	_ =	shalt  }
tec
execute0_lowered:
.L_overlay_start_1:
0x0: {  	(tag) =	ssettag $0x1  }
0x1: {  	s0 =	rddreg [dreg:$0x0]  }
0x2: {  	s2 =	rddreg [dreg:$0x1];
	s1 =	srdreg.scid  }
0x3: {  	s10 =	stileid.u32;
	s3 =	simm.s32 $0x0;
	s29 =	simm.s32 $0xBF40  }
0x4: {  	s31 =	simm.s32 $0xCEE0;
	s28 =	simm.s32 $0x2;
	s30 =	simm.s32 $0x7  }
0x5: {  	s13 =	simm.s32 $0x5;
	s14 =	simm.s32 $0xA;
	s5 =	smul.u32 $0x5000, s10  }
0x6: {  	s15 =	simm.s32 $0x0;
	s1 =	sand.u32 $0x1, s1;
	s7 =	smul.u32 $0x280, s10  }
0x7: {  	[smem:$0x7FF] =	sst s3;
	s4 =	sadd.s32 $0x2400, s0;
	s18 =	smul.u32 $0x14000, s10  }
0x8: {  	s19 =	sadd.s32 $0x2200, s0;
	s6 =	smul.u32 $0x50000, s1;
	_ =	strace $0x8000004A  }
0x9: {  	s8 =	smul.u32 $0x2800, s1;
	[dreg:$0x3] =	wrdreg s19;
	s1 =	ssub.s32 $0x2, s1  }
0xa: {  	s19 =	simm.s32 $0x1;
	s20 =	sshrl.u32 s1, $0x1;
	s6 =	sadd.s32 s5, s6  }
0xb: {  	s5 =	sshrl.u32 s5, $0x3;
	s7 =	sadd.s32 s7, s8;
	s1 =	ssub.s32 s1, s20  }
0xc: {  	s20 =	simm.s32 $0xEE20;
	s8 =	simm.s32 $0x9;
	s6 =	sshrl.u32 s6, $0x3  }
0xd: {  	s5 =	sadd.s32 s5, s0;
	s7 =	sshll.u32 s7, $0x2;
	s26 =	smax.u32 s1, $0x1  }
0xe: {  	s1 =	simm.s32 $0xDE80;
	s9 =	sadd.s32 s6, s0;
	s6 =	sshrl.u32 s18, $0x2  }
0xf: {  	s0 =	sadd.s32 s7, s0;
	s5 =	sadd.s32 $0x15E00, s5;
	[dreg:$0xb] =	wrdreg s26  }
0x10: {  	s26 =	simm.s32 $0xAFA0;
	s21 =	sadd.s32 $0x1FE00, s9;
	[dreg:$0x5] =	wrdreg s5  }
0x11: {  	s7 =	simm.s32 $0x4;
	s22 =	sadd.s32 $0x84000, s0;
	[dreg:$0x4] =	wrdreg s21  }
0x12: {  	s6 =	sadd.s32 s6, s2;
	s23 =	sadd.s32 $0x84200, s0;
	[dreg:$0x6] =	wrdreg s22  }
0x13: {  	s24 =	sadd.s32 $0x84400, s0;
	s25 =	sadd.s32 $0x84600, s0;
	[dreg:$0x7] =	wrdreg s23  }
0x14: {  	s0 =	sadd.s32 $0x84800, s0;
	s5 =	simm.s32 $0x8;
	[dreg:$0x8] =	wrdreg s24  }
0x15: {  	s9 =	sadd.s32 $0x1000, s6;
	s10 =	sadd.s32 $0x2000, s6;
	[dreg:$0x9] =	wrdreg s25  }
0x16: {  	s11 =	sadd.s32 $0x3000, s6;
	s12 =	sadd.s32 $0x4000, s6;
	[dreg:$0xa] =	wrdreg s0  }
0x17: {  	s21 =	simm.s32 $0xC;
	s22 =	simm.s32 $0xB;
	s23 =	simm.s32 $0x7D  }
0x18: {  	s24 =	simm.s32 $0xA000;
	s25 =	simm.s32 $0x6;
	s0 =	simm.s32 $0x3  }
.LBB2_1:
0x19: {  	s16 =	rddreg [dreg:$0x4]  }
0x1a: {  	[tilespmem:s3], [sflag:$0xB] =	stream.linear.gather [hbm4b:s16+s3], $0x5000, $0x38;
	[tilespmem:$0x14E20] =	vst v63  }
0x1b: {  	s18 =	rddreg [dreg:$0x5];
	s17 =	simm.s32 $0x5000  }
0x1c: {  	[tilespmem:s17], [sflag:$0xB] =	stream.linear.gather [hbm4b:s18+s3], $0x5000, $0x38;
	[tilespmem:$0x14E20] =	vst v63  }
0x1d: {  	s17 =	rddreg [dreg:$0x3]  }
0x1e: {  	[tilespmem:s20], [sflag:$0xC] =	stream.linear.gather [hbm4b:s17+s3], $0x1000, $0x38;
	[tilespmem:$0x14E20] =	vst v63  }
0x1f: {  	_ =	swait.ge [sflag:s21], $0x1000  }
0x20: {  	[sflag:s21] =	ssyncset.done $0x0  }
0x21: {  	[sflag:s21] =	ssyncadd.s32 $0xFFFFF000  }
0x22: {  	[spmem:s6] =	stream.linear.scatter [tilespmem:s20], [sflag:$0xC], $0x1000, $0x38;
	[tilespmem:$0x14E20] =	vst v63  }
0x23: {  	_ =	swait.ge [sflag:s21], $0x1000  }
0x24: {  	[sflag:s21] =	ssyncset.done $0x0  }
0x25: {  	[sflag:s21] =	ssyncadd.s32 $0xFFFFF000  }
0x26: {  	[spmem:s9] =	stream.linear.scatter [tilespmem:s20], [sflag:$0xC], $0x1000, $0x38;
	[tilespmem:$0x14E20] =	vst v63  }
0x27: {  	_ =	swait.ge [sflag:s21], $0x1000  }
0x28: {  	[sflag:s21] =	ssyncset.done $0x0  }
0x29: {  	[sflag:s21] =	ssyncadd.s32 $0xFFFFF000  }
0x2a: {  	[spmem:s10] =	stream.linear.scatter [tilespmem:s20], [sflag:$0xC], $0x1000, $0x38;
	[tilespmem:$0x14E20] =	vst v63  }
0x2b: {  	_ =	swait.ge [sflag:s21], $0x1000  }
0x2c: {  	[sflag:s21] =	ssyncset.done $0x0  }
0x2d: {  	[sflag:s21] =	ssyncadd.s32 $0xFFFFF000  }
0x2e: {  	[spmem:s11] =	stream.linear.scatter [tilespmem:s20], [sflag:$0xC], $0x1000, $0x38;
	[tilespmem:$0x14E20] =	vst v63  }
0x2f: {  	_ =	swait.ge [sflag:s21], $0x1000  }
0x30: {  	[sflag:s21] =	ssyncset.done $0x0  }
0x31: {  	[sflag:s21] =	ssyncadd.s32 $0xFFFFF000  }
0x32: {  	[spmem:s12] =	stream.linear.scatter [tilespmem:s20], [sflag:$0xC], $0x1000, $0x38;
	[tilespmem:$0x14E20] =	vst v63  }
0x33: {  	_ =	swait.ge [sflag:s21], $0x1000  }
0x34: {  	[sflag:s21] =	ssyncset.done $0x0  }
0x35: {  	[sflag:s21] =	ssyncadd.s32 $0xFFFFF000  }
0x36: {  	_ =	swait.ge [sflag:s22], $0x5000  }
0x37: {  	[sflag:s22] =	ssyncset.done $0x0  }
0x38: {  	[sflag:s22] =	ssyncadd.s32 $0xFFFFB000  }
0x39: {  	_ =	swait.ge [sflag:s22], $0x5000  }
0x3a: {  	[sflag:s22] =	ssyncset.done $0x0  }
0x3b: {  	[sflag:s22] =	ssyncadd.s32 $0xFFFFB000  }
0x3c: {  	[tilespmem:s24], [sflag:$0x1] =	stream.indirect.gather [hbm4b:s4+s23], $0x20, s3, s23, $0xb8;
	[tilespmem:$0x14E20] =	vst v63  }
0x3d: {  	s18 =	simm.s32 $0x80  }
0x3e: {  	[tilespmem:s26], [sflag:$0x2] =	stream.indirect.gather [hbm4b:s4+s23], $0x20, s18, s23, $0xb8;
	[tilespmem:$0x14E20] =	vst v63  }
0x3f: {  	s17 =	simm.s32 $0x100  }
0x40: {  	[tilespmem:s29], [sflag:$0x3] =	stream.indirect.gather [hbm4b:s4+s23], $0x20, s17, s23, $0xb8;
	[tilespmem:$0x14E20] =	vst v63  }
0x41: {  	s18 =	simm.s32 $0x180  }
0x42: {  	[tilespmem:s31], [sflag:$0x4] =	stream.indirect.gather [hbm4b:s4+s23], $0x20, s18, s23, $0xb8;
	[tilespmem:$0x14E20] =	vst v63  }
0x43: {  	s17 =	simm.s32 $0x200  }
0x44: {  	[tilespmem:s1], [sflag:$0x5] =	stream.indirect.gather [hbm4b:s4+s23], $0x20, s17, s23, $0xb8;
	[tilespmem:$0x14E20] =	vst v63  }
0x45: {  	[bflag:$0x0] =	sbarrier.arrive $0xFFFF  }
0x46: {  	_ =	swait.ge [sflag:s19], $0xFA0  }
0x47: {  	[sflag:s19] =	ssyncset.done $0x0  }
0x48: {  	s18 =	simm.s32 $0x5000;
	[sflag:s19] =	ssyncadd.s32 $0xFFFFF060  }
0x49: {  	[spmem:s2] =	stream.indirect.scatter.add.bf16 [tilespmem:s24], [sflag:$0x6], $0x20, s18, s23, $0xb8;
	[tilespmem:$0x14E20] =	vst v63  }
0x4a: {  	_ =	swait.ge [sflag:s25], $0xFA0  }
0x4b: {  	[sflag:s25] =	ssyncset.done $0x0  }
0x4c: {  	s17 =	simm.s32 $0x280;
	[sflag:s25] =	ssyncadd.s32 $0xFFFFF060  }
0x4d: {  	[tilespmem:s24], [sflag:$0x1] =	stream.indirect.gather [hbm4b:s4+s23], $0x20, s17, s23, $0xb8;
	[tilespmem:$0x14E20] =	vst v63  }
0x4e: {  	_ =	swait.ge [sflag:s28], $0xFA0  }
0x4f: {  	[sflag:s28] =	ssyncset.done $0x0  }
0x50: {  	s18 =	simm.s32 $0x5080;
	[sflag:s28] =	ssyncadd.s32 $0xFFFFF060  }
0x51: {  	[spmem:s2] =	stream.indirect.scatter.add.bf16 [tilespmem:s26], [sflag:$0x7], $0x20, s18, s23, $0xb8;
	[tilespmem:$0x14E20] =	vst v63  }
0x52: {  	_ =	swait.ge [sflag:s30], $0xFA0  }
0x53: {  	[sflag:s30] =	ssyncset.done $0x0  }
0x54: {  	s17 =	simm.s32 $0x300;
	[sflag:s30] =	ssyncadd.s32 $0xFFFFF060  }
0x55: {  	[tilespmem:s26], [sflag:$0x2] =	stream.indirect.gather [hbm4b:s4+s23], $0x20, s17, s23, $0xb8;
	[tilespmem:$0x14E20] =	vst v63  }
0x56: {  	_ =	swait.ge [sflag:s0], $0xFA0  }
0x57: {  	[sflag:s0] =	ssyncset.done $0x0  }
0x58: {  	s18 =	simm.s32 $0x5100;
	[sflag:s0] =	ssyncadd.s32 $0xFFFFF060  }
0x59: {  	[spmem:s2] =	stream.indirect.scatter.add.bf16 [tilespmem:s29], [sflag:$0x8], $0x20, s18, s23, $0xb8;
	[tilespmem:$0x14E20] =	vst v63  }
0x5a: {  	_ =	swait.ge [sflag:s5], $0xFA0  }
0x5b: {  	[sflag:s5] =	ssyncset.done $0x0  }
0x5c: {  	s17 =	simm.s32 $0x380;
	[sflag:s5] =	ssyncadd.s32 $0xFFFFF060  }
0x5d: {  	[tilespmem:s29], [sflag:$0x3] =	stream.indirect.gather [hbm4b:s4+s23], $0x20, s17, s23, $0xb8;
	[tilespmem:$0x14E20] =	vst v63  }
0x5e: {  	_ =	swait.ge [sflag:s7], $0xFA0  }
0x5f: {  	[sflag:s7] =	ssyncset.done $0x0  }
0x60: {  	s18 =	simm.s32 $0x5180;
	[sflag:s7] =	ssyncadd.s32 $0xFFFFF060  }
0x61: {  	[spmem:s2] =	stream.indirect.scatter.add.bf16 [tilespmem:s31], [sflag:$0x9], $0x20, s18, s23, $0xb8;
	[tilespmem:$0x14E20] =	vst v63  }
0x62: {  	_ =	swait.ge [sflag:s8], $0xFA0  }
0x63: {  	[sflag:s8] =	ssyncset.done $0x0  }
0x64: {  	s17 =	simm.s32 $0x400;
	[sflag:s8] =	ssyncadd.s32 $0xFFFFF060  }
0x65: {  	[tilespmem:s31], [sflag:$0x4] =	stream.indirect.gather [hbm4b:s4+s23], $0x20, s17, s23, $0xb8;
	[tilespmem:$0x14E20] =	vst v63  }
0x66: {  	_ =	swait.ge [sflag:s13], $0xFA0  }
0x67: {  	[sflag:s13] =	ssyncset.done $0x0  }
0x68: {  	s18 =	simm.s32 $0x5200;
	[sflag:s13] =	ssyncadd.s32 $0xFFFFF060  }
0x69: {  	[spmem:s2] =	stream.indirect.scatter.add.bf16 [tilespmem:s1], [sflag:$0xA], $0x20, s18, s23, $0xb8;
	[tilespmem:$0x14E20] =	vst v63  }
0x6a: {  	_ =	swait.ge [sflag:s14], $0xFA0  }
0x6b: {  	[sflag:s14] =	ssyncset.done $0x0  }
0x6c: {  	s16 =	simm.s32 $0xA00;
	s17 =	simm.s32 $0x480;
	[sflag:s14] =	ssyncadd.s32 $0xFFFFF060  }
.LBB2_2:
0x6d: {  	[tilespmem:s1], [sflag:$0x5] =	stream.indirect.gather [hbm4b:s4+s23], $0x20, s17, s23, $0xb8;
	[tilespmem:$0x14E20] =	vst v63  }
0x6e: {  	s17 =	smov.u32 s16  }
0x6f: {  	p0 =	sne.s32 s16, $0x12C00;
	s16 =	sadd.s32 $0xA00, s16;
	_ =	swait.ge [sflag:s19], $0xFA0  }
0x70: {  	s17 =	sshra.s32 s17, $0x2;
	[sflag:s19] =	ssyncset.done $0x0  }
0x71: {  	s18 =	sadd.s32 $0x5000, s17;
	[sflag:s19] =	ssyncadd.s32 $0xFFFFF060  }
0x72: {  	[spmem:s2] =	stream.indirect.scatter.add.bf16 [tilespmem:s24], [sflag:$0x6], $0x20, s18, s23, $0xb8;
	[tilespmem:$0x14E20] =	vst v63  }
0x73: {  	_ =	swait.ge [sflag:s25], $0xFA0  }
0x74: {  	[sflag:s25] =	ssyncset.done $0x0  }
0x75: {  	s18 =	sadd.s32 $0x280, s17;
	[sflag:s25] =	ssyncadd.s32 $0xFFFFF060  }
0x76: {  	[tilespmem:s24], [sflag:$0x1] =	stream.indirect.gather [hbm4b:s4+s23], $0x20, s18, s23, $0xb8;
	[tilespmem:$0x14E20] =	vst v63  }
0x77: {  	_ =	swait.ge [sflag:s28], $0xFA0  }
0x78: {  	[sflag:s28] =	ssyncset.done $0x0  }
0x79: {  	s18 =	sadd.s32 $0x5080, s17;
	[sflag:s28] =	ssyncadd.s32 $0xFFFFF060  }
0x7a: {  	[spmem:s2] =	stream.indirect.scatter.add.bf16 [tilespmem:s26], [sflag:$0x7], $0x20, s18, s23, $0xb8;
	[tilespmem:$0x14E20] =	vst v63  }
0x7b: {  	_ =	swait.ge [sflag:s30], $0xFA0  }
0x7c: {  	[sflag:s30] =	ssyncset.done $0x0  }
0x7d: {  	s18 =	sadd.s32 $0x300, s17;
	[sflag:s30] =	ssyncadd.s32 $0xFFFFF060  }
0x7e: {  	[tilespmem:s26], [sflag:$0x2] =	stream.indirect.gather [hbm4b:s4+s23], $0x20, s18, s23, $0xb8;
	[tilespmem:$0x14E20] =	vst v63  }
0x7f: {  	_ =	swait.ge [sflag:s0], $0xFA0  }
0x80: {  	[sflag:s0] =	ssyncset.done $0x0  }
0x81: {  	s18 =	sadd.s32 $0x5100, s17;
	[sflag:s0] =	ssyncadd.s32 $0xFFFFF060  }
0x82: {  	[spmem:s2] =	stream.indirect.scatter.add.bf16 [tilespmem:s29], [sflag:$0x8], $0x20, s18, s23, $0xb8;
	[tilespmem:$0x14E20] =	vst v63  }
0x83: {  	_ =	swait.ge [sflag:s5], $0xFA0  }
0x84: {  	[sflag:s5] =	ssyncset.done $0x0  }
0x85: {  	s18 =	sadd.s32 $0x380, s17;
	[sflag:s5] =	ssyncadd.s32 $0xFFFFF060  }
0x86: {  	[tilespmem:s29], [sflag:$0x3] =	stream.indirect.gather [hbm4b:s4+s23], $0x20, s18, s23, $0xb8;
	[tilespmem:$0x14E20] =	vst v63  }
0x87: {  	_ =	swait.ge [sflag:s7], $0xFA0  }
0x88: {  	[sflag:s7] =	ssyncset.done $0x0  }
0x89: {  	s18 =	sadd.s32 $0x5180, s17;
	[sflag:s7] =	ssyncadd.s32 $0xFFFFF060  }
0x8a: {  	[spmem:s2] =	stream.indirect.scatter.add.bf16 [tilespmem:s31], [sflag:$0x9], $0x20, s18, s23, $0xb8;
	[tilespmem:$0x14E20] =	vst v63  }
0x8b: {  	_ =	swait.ge [sflag:s8], $0xFA0  }
0x8c: {  	[sflag:s8] =	ssyncset.done $0x0  }
0x8d: {  	s18 =	sadd.s32 $0x400, s17;
	[sflag:s8] =	ssyncadd.s32 $0xFFFFF060  }
0x8e: {  	[tilespmem:s31], [sflag:$0x4] =	stream.indirect.gather [hbm4b:s4+s23], $0x20, s18, s23, $0xb8;
	[tilespmem:$0x14E20] =	vst v63  }
0x8f: {  	_ =	swait.ge [sflag:s13], $0xFA0  }
0x90: {  	[sflag:s13] =	ssyncset.done $0x0  }
.Ltmp0:
0x91: {  	s18 =	sadd.s32 $0x5200, s17;
	[sflag:s13] =	ssyncadd.s32 $0xFFFFF060;
	(pc) =	sbr.rel @p0 .LBB2_2-.Ltmp0, $4  }
0x92: {  	[spmem:s2] =	stream.indirect.scatter.add.bf16 [tilespmem:s1], [sflag:$0xA], $0x20, s18, s23, $0xb8;
	[tilespmem:$0x14E20] =	vst v63  }
0x93: {  	_ =	swait.ge [sflag:s14], $0xFA0  }
0x94: {  	[sflag:s14] =	ssyncset.done $0x0  }
0x95: {  	s17 =	sadd.s32 $0x480, s17;
	[sflag:s14] =	ssyncadd.s32 $0xFFFFF060  }
0x96: {  	[tilespmem:s1], [sflag:$0x5] =	stream.indirect.gather [hbm4b:s4+s23], $0x20, s17, s23, $0xb8;
	[tilespmem:$0x14E20] =	vst v63  }
0x97: {  	_ =	swait.ge [sflag:s19], $0xFA0  }
0x98: {  	[sflag:s19] =	ssyncset.done $0x0  }
0x99: {  	s16 =	simm.s32 $0x9D80;
	[sflag:s19] =	ssyncadd.s32 $0xFFFFF060  }
0x9a: {  	[spmem:s2] =	stream.indirect.scatter.add.bf16 [tilespmem:s24], [sflag:$0x6], $0x20, s16, s23, $0xb8;
	[tilespmem:$0x14E20] =	vst v63  }
0x9b: {  	_ =	swait.ge [sflag:s28], $0xFA0  }
0x9c: {  	[sflag:s28] =	ssyncset.done $0x0  }
0x9d: {  	s17 =	simm.s32 $0x9E00;
	[sflag:s28] =	ssyncadd.s32 $0xFFFFF060  }
0x9e: {  	[spmem:s2] =	stream.indirect.scatter.add.bf16 [tilespmem:s26], [sflag:$0x7], $0x20, s17, s23, $0xb8;
	[tilespmem:$0x14E20] =	vst v63  }
0x9f: {  	_ =	swait.ge [sflag:s0], $0xFA0  }
0xa0: {  	[sflag:s0] =	ssyncset.done $0x0  }
0xa1: {  	s18 =	simm.s32 $0x9E80;
	[sflag:s0] =	ssyncadd.s32 $0xFFFFF060  }
0xa2: {  	[spmem:s2] =	stream.indirect.scatter.add.bf16 [tilespmem:s29], [sflag:$0x8], $0x20, s18, s23, $0xb8;
	[tilespmem:$0x14E20] =	vst v63  }
0xa3: {  	_ =	swait.ge [sflag:s7], $0xFA0  }
0xa4: {  	[sflag:s7] =	ssyncset.done $0x0  }
0xa5: {  	s17 =	simm.s32 $0x9F00;
	[sflag:s7] =	ssyncadd.s32 $0xFFFFF060  }
0xa6: {  	[spmem:s2] =	stream.indirect.scatter.add.bf16 [tilespmem:s31], [sflag:$0x9], $0x20, s17, s23, $0xb8;
	[tilespmem:$0x14E20] =	vst v63  }
0xa7: {  	_ =	swait.ge [sflag:s13], $0xFA0  }
0xa8: {  	[sflag:s13] =	ssyncset.done $0x0  }
0xa9: {  	s18 =	simm.s32 $0x9F80;
	[sflag:s13] =	ssyncadd.s32 $0xFFFFF060  }
0xaa: {  	[spmem:s2] =	stream.indirect.scatter.add.bf16 [tilespmem:s1], [sflag:$0xA], $0x20, s18, s23, $0xb8;
	[tilespmem:$0x14E20] =	vst v63  }
0xab: {  	_ =	swait.ge [sflag:s25], $0xFA0  }
0xac: {  	[sflag:s25] =	ssyncset.done $0x0  }
0xad: {  	[sflag:s25] =	ssyncadd.s32 $0xFFFFF060  }
0xae: {  	_ =	swait.ge [sflag:s30], $0xFA0  }
0xaf: {  	[sflag:s30] =	ssyncset.done $0x0  }
0xb0: {  	[sflag:s30] =	ssyncadd.s32 $0xFFFFF060  }
0xb1: {  	_ =	swait.ge [sflag:s5], $0xFA0  }
0xb2: {  	[sflag:s5] =	ssyncset.done $0x0  }
0xb3: {  	[sflag:s5] =	ssyncadd.s32 $0xFFFFF060  }
0xb4: {  	_ =	swait.ge [sflag:s8], $0xFA0  }
0xb5: {  	[sflag:s8] =	ssyncset.done $0x0  }
0xb6: {  	[sflag:s8] =	ssyncadd.s32 $0xFFFFF060  }
0xb7: {  	_ =	swait.ge [sflag:s14], $0xFA0  }
0xb8: {  	[sflag:s14] =	ssyncset.done $0x0  }
0xb9: {  	[sflag:s14] =	ssyncadd.s32 $0xFFFFF060  }
0xba: {  	[bflag:$0x0] =	sbarrier.arrive $0xFFFF  }
0xbb: {  	[tilespmem:s20], [sflag:$0xC] =	stream.linear.gather [spmem:s6], $0x1000, $0x38;
	[tilespmem:$0x14E20] =	vst v63  }
0xbc: {  	_ =	swait.ge [sflag:s21], $0x1000  }
0xbd: {  	[sflag:s21] =	ssyncset.done $0x0  }
0xbe: {  	s17 =	rddreg [dreg:$0x6];
	[sflag:s21] =	ssyncadd.s32 $0xFFFFF000  }
0xbf: {  	[hbm4b:s17+s3] =	stream.linear.scatter [tilespmem:s20], [sflag:$0xC], $0x1000, $0x38;
	[tilespmem:$0x14E20] =	vst v63  }
0xc0: {  	_ =	swait.ge [sflag:s21], $0x1000  }
0xc1: {  	[sflag:s21] =	ssyncset.done $0x0  }
0xc2: {  	[sflag:s21] =	ssyncadd.s32 $0xFFFFF000  }
0xc3: {  	[tilespmem:s20], [sflag:$0xC] =	stream.linear.gather [spmem:s9], $0x1000, $0x38;
	[tilespmem:$0x14E20] =	vst v63  }
0xc4: {  	_ =	swait.ge [sflag:s21], $0x1000  }
0xc5: {  	[sflag:s21] =	ssyncset.done $0x0  }
0xc6: {  	s18 =	rddreg [dreg:$0x7];
	[sflag:s21] =	ssyncadd.s32 $0xFFFFF000  }
0xc7: {  	[hbm4b:s18+s3] =	stream.linear.scatter [tilespmem:s20], [sflag:$0xC], $0x1000, $0x38;
	[tilespmem:$0x14E20] =	vst v63  }
0xc8: {  	_ =	swait.ge [sflag:s21], $0x1000  }
0xc9: {  	[sflag:s21] =	ssyncset.done $0x0  }
0xca: {  	[sflag:s21] =	ssyncadd.s32 $0xFFFFF000  }
0xcb: {  	[tilespmem:s20], [sflag:$0xC] =	stream.linear.gather [spmem:s10], $0x1000, $0x38;
	[tilespmem:$0x14E20] =	vst v63  }
0xcc: {  	_ =	swait.ge [sflag:s21], $0x1000  }
0xcd: {  	[sflag:s21] =	ssyncset.done $0x0  }
0xce: {  	s17 =	rddreg [dreg:$0x8];
	[sflag:s21] =	ssyncadd.s32 $0xFFFFF000  }
0xcf: {  	[hbm4b:s17+s3] =	stream.linear.scatter [tilespmem:s20], [sflag:$0xC], $0x1000, $0x38;
	[tilespmem:$0x14E20] =	vst v63  }
0xd0: {  	_ =	swait.ge [sflag:s21], $0x1000  }
0xd1: {  	[sflag:s21] =	ssyncset.done $0x0  }
0xd2: {  	[sflag:s21] =	ssyncadd.s32 $0xFFFFF000  }
0xd3: {  	[tilespmem:s20], [sflag:$0xC] =	stream.linear.gather [spmem:s11], $0x1000, $0x38;
	[tilespmem:$0x14E20] =	vst v63  }
0xd4: {  	_ =	swait.ge [sflag:s21], $0x1000  }
0xd5: {  	[sflag:s21] =	ssyncset.done $0x0  }
0xd6: {  	s18 =	rddreg [dreg:$0x9];
	[sflag:s21] =	ssyncadd.s32 $0xFFFFF000  }
0xd7: {  	[hbm4b:s18+s3] =	stream.linear.scatter [tilespmem:s20], [sflag:$0xC], $0x1000, $0x38;
	[tilespmem:$0x14E20] =	vst v63  }
0xd8: {  	_ =	swait.ge [sflag:s21], $0x1000  }
0xd9: {  	[sflag:s21] =	ssyncset.done $0x0  }
0xda: {  	[sflag:s21] =	ssyncadd.s32 $0xFFFFF000  }
0xdb: {  	[tilespmem:s20], [sflag:$0xC] =	stream.linear.gather [spmem:s12], $0x1000, $0x38;
	[tilespmem:$0x14E20] =	vst v63  }
0xdc: {  	_ =	swait.ge [sflag:s21], $0x1000  }
0xdd: {  	[sflag:s21] =	ssyncset.done $0x0  }
0xde: {  	s17 =	rddreg [dreg:$0xa];
	[sflag:s21] =	ssyncadd.s32 $0xFFFFF000  }
0xdf: {  	[hbm4b:s17+s3] =	stream.linear.scatter [tilespmem:s20], [sflag:$0xC], $0x1000, $0x38;
	[tilespmem:$0x14E20] =	vst v63  }
0xe0: {  	_ =	swait.ge [sflag:s21], $0x1000  }
0xe1: {  	s15 =	sadd.s32 $0x1, s15;
	s18 =	rddreg [dreg:$0xb]  }
0xe2: {  	p0 =	sne.s32 s15, s18  }
.Ltmp1:
0xe3: {  	_ = 	snop;
	(pc) =	sbr.rel @p0 .LBB2_1-.Ltmp1, $3  }
0xe4: {  	_ =	sdelay $0x1  }
0xe5: {  	[sflag:s21] =	ssyncset.done $0x0  }
0xe6: {  	[sflag:s21] =	ssyncadd.s32 $0xFFFFF000  }
0xe7: {  	_ =	sfence.sel $0x180000  }
0xe8: {  	[bflag:$0x0] =	sbarrier.arrive $0xFFFF  }
0xe9: {  	_ =	strace $0x9000004A  }
0xea: {  	s0 =	stileid.u32;
	[bflag:$0x2] =	sbarrier.arrive $0xFFFF  }
0xeb: {  	p0 =	sne.s32 s0, $0x0;
	s0 =	rddreg [dreg:$0x2]  }
0xec: {  	s0 =	sadd.s32 @!p0 $0x100000, s0  }
0xed: {  	[sflag:s0] =	ssyncadd.tile.s32 @!p0 $0x1;
	_ =	shalt  }
.Lfunc_end2:
_tile_overlayer_lowered:
.L_overlay_start_2:
0xee: {  	(tag) =	ssettag $0x2  }
0xef: {  	s0 =	rddreg [dreg:$0x0];
	s2 =	stileid.u32  }
0xf0: {  	s1 =	rddreg [dreg:$0x1];
	p0 =	sne.s32 s2, $0x0  }
0xf1: {  	s3 =	rddreg [dreg:$0x2];
	[bflag:$0x3] =	sbarrier.arrive $0xFFFF;
	s2 =	simm.s32 @!p0 $0x1C0C  }
0xf2: {  	[timem:s3], [sflag:s2] =	dma.local @!p0 [hbm:s0], s1  }
0xf3: {  	s0 =	simm.s32 @!p0 $0xC  }
0xf4: {  	_ =	swait.ge @!p0 [sflag:s0], s1  }
0xf5: {  	s1 =	ssub.s32 @!p0 $0x0, s1;
	[sflag:s0] =	ssyncset.done @!p0 $0x0  }
0xf6: {  	[sflag:s0] =	ssyncadd.s32 @!p0 s1  }
0xf7: {  	[bflag:$0x3] =	sbarrier.arrive $0xFFFF  }
0xf8: {  	_ =	shalt  }

// kernel: sc_segment_mean_cnt.3.cloned.1.call-start
scs
__scs_entry_jumppad:
0x0: {  	(pc) =	sbr.rel $0x88, $3  }
0x1: {  	(tag) =	ssettag $0x0;
	lr =	simm.s32 $0x1  }
0x2: {  	[smem:$0x3F95] =	sst lr;
	_ =	strace $0xD0000000  }
0x3: {  	_ = 	snop  }
0x4: {  	_ = 	snop  }
0x5: {  	_ = 	snop  }
0x6: {  	_ = 	snop  }
0x7: {  	_ = 	snop  }
__scs_overlays_trampoline_lowered:
0x8: {  	[smem:$0x3FA4] =	sst s0  }
0x9: {  	[smem:$0x3FA5] =	sst s1  }
0xa: {  	[smem:$0x3FA6] =	sst s2  }
0xb: {  	[smem:$0x3FA7] =	sst s3  }
0xc: {  	[smem:$0x3FA8] =	sst s4  }
0xd: {  	[smem:$0x3FA9] =	sst s5  }
0xe: {  	[smem:$0x3FAA] =	sst s6  }
0xf: {  	[smem:$0x3FAB] =	sst s7  }
0x10: {  	[smem:$0x3FAC] =	sst s8  }
0x11: {  	[smem:$0x3FAD] =	sst s9;
	s0 =	simm.s32 @!p0 $0x0  }
0x12: {  	s1 =	sld [smem:$0x3F93];
	s0 =	simm.s32 @p0 $0x1  }
0x13: {  	[smem:$0x3FAE] =	sst s0;
	s0 =	simm.s32 @!p1 $0x0  }
0x14: {  	s2 =	sld [smem:$0x3F92];
	s0 =	simm.s32 @p1 $0x1  }
0x15: {  	[smem:$0x3FAF] =	sst s0;
	s0 =	simm.s32 @!p2 $0x0  }
0x16: {  	s3 =	sld [smem:$0x3FDB];
	s0 =	simm.s32 @p2 $0x1  }
0x17: {  	s4 =	simm.s32 $0x1BF5;
	[smem:$0x3FB1] =	sst s0  }
0x18: {  	s0 =	sld [smem:$0x3F94];
	_ =	swait.ge [sflag:s4], $0x0  }
0x19: {  	s7 =	sld [smem:$0x3F95]  }
0x1a: {  	s8 =	sadd.s32 $0xFFFFE003, lr  }
0x1b: {  	s9 =	sadd.s32 $0xFFFFFEF7, lr;
	s5 =	simm.s32 $0xFFFFFFFF;
	p2 =	slt.u32 s8, $0xFFFFF086  }
0x1c: {  	p1 =	slt.u32 s9, $0xF7A;
	s5 =	simm.s32 @!p2 $0x0  }
0x1d: {  	s5 =	simm.s32 @p1 $0x1;
	p0 =	seq.s32 s7, s2  }
0x1e: {  	s7 =	smul.u32 @!p0 $0xF7A, s2;
	p2 =	seq.s32 @!p0 s5, $0x0  }
0x1f: {  	s9 =	smul.u32 $0xF7A, s1;
	s8 =	simm.s32 @!p0 $0x1BF5;
	p2 =	por !p2, p0  }
0x20: {  	[sflag:s8] =	ssyncset.s32 @!p0 $0xFFFFF086;
	s6 =	sadd.s32 @!p0 s3, s7;
	s7 =	simm.s32 @!p0 $0x108  }
0x21: {  	s3 =	sadd.s32 s3, s9;
	s6 =	sadd.s32 @!p0 $0x88, s6;
	s7 =	simm.s32 @p2 $0x1082  }
0x22: {  	[simem:s7], [sflag:s8] =	dma.local @!p0 [hbm:s6], $0xF7A  }
0x23: {  	s9 =	sor.u32 $0xD0000000, s2;
	s6 =	simm.s32 $0x108;
	_ =	swait.ge @!p0 [sflag:s8], $0x0  }
0x24: {  	s3 =	sadd.s32 $0x88, s3;
	s6 =	simm.s32 @!p1 $0x1082;
	[sflag:s4] =	ssyncset.s32 $0xFFFFF086  }
0x25: {  	[simem:s6], [sflag:s4] =	dma.local [hbm:s3], $0xF7A  }
0x26: {  	[smem:$0x3F95] =	sst s1;
	(tag) =	ssettag s2;
	_ =	strace s9  }
0x27: {  	s1 =	sld [smem:$0x3FA5]  }
0x28: {  	s2 =	sld [smem:$0x3FA6]  }
0x29: {  	s4 =	sld [smem:$0x3FA8]  }
0x2a: {  	p0 =	seq.s32 s5, $0x0;
	s5 =	sld [smem:$0x3FA9]  }
0x2b: {  	s6 =	sld [smem:$0x3FAA]  }
0x2c: {  	s7 =	sld [smem:$0x3FAB]  }
0x2d: {  	s3 =	simm.s32 $0x108;
	s8 =	sld [smem:$0x3FAC]  }
0x2e: {  	s3 =	simm.s32 @!p0 $0x1082;
	s9 =	sld [smem:$0x3FAD]  }
0x2f: {  	lr =	sadd.s32 s0, s3;
	s0 =	sld [smem:$0x3FA4]  }
0x30: {  	s3 =	sld [smem:$0x3FA7]  }
0x31: {  	[smem:$0x3FB0] =	sst s10  }
0x32: {  	s10 =	sld [smem:$0x3FAE];
	_ =	sdelay $0x3  }
0x33: {  	p0 =	seq.s32 s10, $0x1;
	s10 =	sld [smem:$0x3FB0];
	_ =	sdelay $0x3  }
0x34: {  	[smem:$0x3FB0] =	sst s10  }
0x35: {  	s10 =	sld [smem:$0x3FAF];
	_ =	sdelay $0x3  }
0x36: {  	p1 =	seq.s32 s10, $0x1;
	s10 =	sld [smem:$0x3FB0];
	_ =	sdelay $0x3  }
0x37: {  	[smem:$0x3FB0] =	sst s10  }
0x38: {  	s10 =	sld [smem:$0x3FB1]  }
0x39: {  	_ = 	snop;
	(pc) =	sbr.ind lr, $3  }
0x3a: {  	_ = 	snop  }
0x3b: {  	_ = 	snop  }
0x3c: {  	p2 =	seq.s32 s10, $0x1;
	s10 =	sld [smem:$0x3FB0]  }
0x3d: {  	_ =	shalt  }
0x3e: {  	_ =	shalt  }
0x3f: {  	_ =	shalt  }
0x40: {  	_ =	shalt  }
0x41: {  	_ =	shalt  }
0x42: {  	_ =	shalt  }
0x43: {  	_ =	shalt  }
0x44: {  	_ =	shalt  }
0x45: {  	_ =	shalt  }
0x46: {  	_ =	shalt  }
0x47: {  	_ =	shalt  }
0x48: {  	_ =	shalt  }
0x49: {  	_ =	shalt  }
0x4a: {  	_ =	shalt  }
0x4b: {  	_ =	shalt  }
0x4c: {  	_ =	shalt  }
0x4d: {  	_ =	shalt  }
0x4e: {  	_ =	shalt  }
0x4f: {  	_ =	shalt  }
0x50: {  	_ =	shalt  }
0x51: {  	_ =	shalt  }
0x52: {  	_ =	shalt  }
0x53: {  	_ =	shalt  }
0x54: {  	_ =	shalt  }
0x55: {  	_ =	shalt  }
0x56: {  	_ =	shalt  }
0x57: {  	_ =	shalt  }
0x58: {  	_ =	shalt  }
0x59: {  	_ =	shalt  }
0x5a: {  	_ =	shalt  }
0x5b: {  	_ =	shalt  }
0x5c: {  	_ =	shalt  }
0x5d: {  	_ =	shalt  }
0x5e: {  	_ =	shalt  }
0x5f: {  	_ =	shalt  }
0x60: {  	_ =	shalt  }
0x61: {  	_ =	shalt  }
0x62: {  	_ =	shalt  }
0x63: {  	_ =	shalt  }
0x64: {  	_ =	shalt  }
0x65: {  	_ =	shalt  }
0x66: {  	_ =	shalt  }
0x67: {  	_ =	shalt  }
0x68: {  	_ =	shalt  }
0x69: {  	_ =	shalt  }
0x6a: {  	_ =	shalt  }
0x6b: {  	_ =	shalt  }
0x6c: {  	_ =	shalt  }
0x6d: {  	_ =	shalt  }
0x6e: {  	_ =	shalt  }
0x6f: {  	_ =	shalt  }
0x70: {  	_ =	shalt  }
0x71: {  	_ =	shalt  }
0x72: {  	_ =	shalt  }
0x73: {  	_ =	shalt  }
0x74: {  	_ =	shalt  }
0x75: {  	_ =	shalt  }
0x76: {  	_ =	shalt  }
0x77: {  	_ =	shalt  }
0x78: {  	_ =	shalt  }
0x79: {  	_ =	shalt  }
0x7a: {  	_ =	shalt  }
0x7b: {  	_ =	shalt  }
0x7c: {  	_ =	shalt  }
0x7d: {  	_ =	shalt  }
0x7e: {  	_ =	shalt  }
0x7f: {  	_ =	shalt  }
0x80: {  	_ =	shalt  }
0x81: {  	_ =	shalt  }
0x82: {  	_ =	shalt  }
0x83: {  	_ =	shalt  }
0x84: {  	_ =	shalt  }
0x85: {  	_ =	shalt  }
0x86: {  	_ =	shalt  }
0x87: {  	_ =	shalt  }
.Lfunc_end0:
.L_simem_size_0:
called_computation_lowered:
.L_overlay_start_0:
0x88: {  	s2 =	sld [smem:$0x3FD9]  }
0x89: {  	s3 =	sld [smem:$0x3FFE];
	_ =	sdelay $0x1  }
0x8a: {  	s1 =	srdreg.scid  }
0x8b: {  	s0 =	sand.u32 $0x1, s1  }
0x8c: {  	s17 =	sshll.u32 s0, $0xA;
	s2 =	sadd.s32 s3, s2  }
0x8d: {  	s2 =	sadd.s32 s2, s17  }
0x8e: {  	[smem:$0x3FBC] =	sst s2  }
0x8f: {  	_ = 	snop  }
0x90: {  	s2 =	sld [smem:$0x3FD0];
	(tm) =	ssettm $0x1  }
0x91: {  	s18 =	sld [smem:$0x3FFB];
	_ =	sdelay $0x3  }
0x92: {  	_ =	strace s18  }
0x93: {  	s3 =	sld [smem:$0x3FFC];
	_ =	sdelay $0x3  }
0x94: {  	_ =	strace s3  }
0x95: {  	s3 =	sld [smem:$0x3FFD];
	_ =	sdelay $0x3  }
0x96: {  	_ =	strace s3  }
0x97: {  	_ =	strace $0x8FFFFFFF  }
0x98: {  	s19 =	sld [smem:$0x3FDB];
	_ =	sdelay $0x1  }
0x99: {  	s4 =	simm.s32 $_scs_section_size  }
0x9a: {  	s5 =	simm.s32 $_size__tile_overlayer_lowered;
	s6 =	simm.s32 $_tile_overlayer_lowered  }
0x9b: {  	s22 =	simm.s32 $0x1BFF;
	s21 =	sshll.u32 s6, $0x1;
	s3 =	sadd.s32 s4, s19  }
0x9c: {  	s7 =	simm.s32 $0x0;
	s20 =	sshll.u32 s5, $0x1;
	s5 =	sadd.s32 s21, s3  }
0x9d: {  	[timem:s7], [sflag:s22] =	dma.local [hbm:s5], s20  }
0x9e: {  	_ =	swait.ge [sflag:s22], s20  }
0x9f: {  	s4 =	ssub.s32 $0x0, s20;
	[sflag:s22] =	ssyncset.done $0x0  }
0xa0: {  	[sflag:s22] =	ssyncadd.s32 s4;
	_ =	sdelay $0x1  }
0xa1: {  	s23 =	simm.s32 $0x1B8B  }
0xa2: {  	_ =	swait.ge [sflag:s23], $0x1  }
0xa3: {  	[sflag:s23] =	ssyncset.done $0x0  }
0xa4: {  	s25 =	simm.s32 $0x1B8E;
	s24 =	sld [smem:$0x3FFE];
	[sflag:s23] =	ssyncadd.s32 $0xFFFFFFFF  }
0xa5: {  	s26 =	simm.s32 $execute0_lowered;
	[smem:$0x3FD2] =	sst s25  }
0xa6: {  	s5 =	sshll.u32 s26, $0x1;
	_ =	strace $0x80000046;
	[dreg:$0x1] =	wrdreg $0xFFFFFFFF  }
0xa7: {  	s28 =	simm.s32 $_size_execute0_lowered;
	s3 =	sadd.s32 s3, s5;
	[dreg:$0x0] =	wrdreg $0x0  }
0xa8: {  	s5 =	sshll.u32 s28, $0x1;
	[dreg:$0x2] =	wrdreg s3  }
0xa9: {  	[dreg:$0x3] =	wrdreg s5  }
0xaa: {  	[dreg:$0x4] =	wrdreg $0xC0  }
0xab: {  	_ =	task [dreg:s7], $0x5FFFF  }
0xac: {  	[dreg:$0x1] =	wrdreg $0xFFFFFFFF  }
0xad: {  	[dreg:$0x0] =	wrdreg $0x60  }
0xae: {  	[dreg:$0x2] =	wrdreg s24  }
0xaf: {  	[dreg:$0x3] =	wrdreg s2  }
0xb0: {  	[dreg:$0x4] =	wrdreg $0x116080  }
0xb1: {  	[dreg:$0x5] =	wrdreg $0x166080  }
0xb2: {  	[dreg:$0x6] =	wrdreg $0x9  }
0xb3: {  	_ =	task.clear_ibuf [dreg:s7], $0x7FFFF;
	_ =	strace $0x90000046  }
0xb4: {  	s29 =	simm.s32 $0x9;
	_ =	strace $0x80000048  }
0xb5: {  	_ =	swait.ge [sflag:s29], $0x1  }
0xb6: {  	[sflag:s29] =	ssyncadd.s32 $0xFFFFFFFF  }
0xb7: {  	_ =	strace $0x90000048  }
0xb8: {  	_ =	sfence  }
0xb9: {  	s30 =	sld [smem:$0x0];
	_ =	sdelay $0x2  }
0xba: {  	s31 =	sshll.u32 s1, $0xD;
	s1 =	sshrl.u32 s1, $0x2  }
0xbb: {  	s3 =	sand.u32 $0x4000, s31;
	s1 =	sadd.s32 s1, s30  }
0xbc: {  	s0 =	sor.u32 s3, s0;
	s1 =	sshll.u32 s1, $0x11  }
0xbd: {  	s0 =	sor.u32 s1, s0  }
0xbe: {  	s0 =	sadd.s32 $0x8F2B, s0  }
0xbf: {  	[sflag:s0] =	ssyncadd.remote.s32 $0x1  }
0xc0: {  	_ =	sfence.sel $0xFFFF  }
0xc1: {  	[dreg:$0x0] =	wrdreg $0xFFFFFFFF;
	(pc) =	sbr.abs _section_cstart, $3  }
0xc2: {  	[dreg:$0x1] =	wrdreg $0xFFFFFFFF  }
0xc3: {  	_ =	task.clear_ibuf [dreg:s7], $0x2FFFF;
	_ =	strace $0x9FFFFFFF  }
0xc4: {  	(tm) =	ssettm $0x7FFFFFFF  }
0xc5: {  	_ =	shalt  }
tec
execute0_lowered:
.L_overlay_start_1:
0x0: {  	(tag) =	ssettag $0x1  }
0x1: {  	s0 =	rddreg [dreg:$0x0]  }
0x2: {  	s1 =	srdreg.scid;
	s3 =	rddreg [dreg:$0x2]  }
0x3: {  	s12 =	stileid.u32;
	s4 =	rddreg [dreg:$0x3];
	s5 =	simm.s32 $0x0  }
0x4: {  	s30 =	simm.s32 $0x10;
	s31 =	simm.s32 $0x7D;
	s2 =	smul.u32 $0x5000, s12  }
0x5: {  	s29 =	simm.s32 $0xBF40;
	s1 =	sand.u32 $0x1, s1;
	s7 =	smul.u32 $0x280, s12  }
0x6: {  	[smem:$0x7FF] =	sst s5;
	s11 =	sadd.s32 $0x2200, s0;
	s12 =	smul.u32 $0x14000, s12  }
0x7: {  	s13 =	sadd.s32 $0x33E00, s0;
	s6 =	smul.u32 $0x50000, s1;
	_ =	strace $0x80000047  }
0x8: {  	s9 =	smul.u32 $0x2800, s1;
	[dreg:$0x5] =	wrdreg s11;
	s17 =	ssub.s32 $0x2, s1  }
0x9: {  	[dreg:$0x6] =	wrdreg s13;
	p0 =	sne.s32 s1, $0x0;
	p1 =	seq.s32 s1, $0x0  }
0xa: {  	s1 =	simm.s32 $0xAFA0;
	s10 =	sshrl.u32 s2, $0x3;
	s18 =	sshrl.u32 s17, $0x1  }
0xb: {  	s20 =	sshrl.u32 s12, $0x2;
	s6 =	sadd.s32 s2, s6;
	s10 =	sadd.s32 s10, s0  }
0xc: {  	s7 =	sadd.s32 s7, s9;
	s19 =	ssub.s32 s17, s18;
	s15 =	sadd.s32 s20, s3  }
0xd: {  	s2 =	sshrl.u32 s2, $0x2;
	s17 =	simm.s32 $0x5;
	s21 =	sadd.s32 $0x15E00, s10  }
0xe: {  	s20 =	simm.s32 $0x0;
	s28 =	smax.u32 s19, $0x1;
	[dreg:$0x8] =	wrdreg s21  }
0xf: {  	s8 =	sshrl.u32 s6, $0x3;
	s14 =	sadd.s32 $0x2000, s15;
	[dreg:$0x13] =	wrdreg s28  }
0x10: {  	s6 =	sadd.s32 $0x2400, s0;
	s16 =	sadd.s32 $0x3000, s15;
	[dreg:$0x9] =	wrdreg s14  }
0x11: {  	s9 =	sshll.u32 s7, $0x2;
	s18 =	sadd.s32 $0x4000, s15;
	[dreg:$0xa] =	wrdreg s16  }
0x12: {  	s8 =	sadd.s32 s8, s0;
	s21 =	sadd.s32 s2, s4;
	[dreg:$0xb] =	wrdreg s18  }
0x13: {  	s9 =	sadd.s32 s9, s0;
	s8 =	sadd.s32 $0x1FE00, s8;
	[dreg:$0xc] =	wrdreg s21  }
0x14: {  	s13 =	sadd.s32 $0x1000, s15;
	s22 =	sadd.s32 $0x34000, s9;
	[dreg:$0x7] =	wrdreg s8  }
0x15: {  	s10 =	simm.s32 $0x4;
	s23 =	sadd.s32 $0x34200, s9;
	[dreg:$0xd] =	wrdreg s22  }
0x16: {  	s19 =	simm.s32 $0xA;
	s24 =	sadd.s32 $0x34400, s9;
	[dreg:$0xe] =	wrdreg s23  }
0x17: {  	s0 =	sadd.s32 s7, s0;
	s25 =	sadd.s32 $0x34600, s9;
	[dreg:$0xf] =	wrdreg s24  }
.Ltmp0:
0x18: {  	s26 =	sadd.s32 $0x34800, s9;
	[dreg:$0x10] =	wrdreg s25;
	(pc) =	sbr.rel .LBB2_1-.Ltmp0, $4  }
0x19: {  	s2 =	simm.s32 $0xA000;
	s0 =	sadd.s32 $0x48000, s0;
	[dreg:$0x11] =	wrdreg s26  }
0x1a: {  	s7 =	simm.s32 $0x1;
	s9 =	simm.s32 $0x3;
	[dreg:$0x12] =	wrdreg s0  }
0x1b: {  	s25 =	simm.s32 $0xF208;
	s26 =	simm.s32 $0x11;
	s22 =	simm.s32 $0x10208  }
0x1c: {  	s24 =	simm.s32 $0xCEE0;
	s0 =	simm.s32 $0xDE80;
	s8 =	simm.s32 $0x2  }
.LBB2_4:
0x1d: {  	s12 =	simm.s32 $0x6  }
0x1e: {  	_ =	swait.ge [sflag:s12], $0xFA0  }
0x1f: {  	[sflag:s12] =	ssyncset.done $0x0  }
0x20: {  	[sflag:s12] =	ssyncadd.s32 $0xFFFFF060;
	s12 =	simm.s32 @p1 $0xB  }
0x21: {  	_ =	swait.ge @p1 [sflag:s12], $0x3E8  }
0x22: {  	[sflag:s12] =	ssyncset.done @p1 $0x0  }
0x23: {  	[sflag:s12] =	ssyncadd.s32 @p1 $0xFFFFFC18;
	s12 =	simm.s32 @p1 $0x7  }
0x24: {  	_ =	swait.ge @p1 [sflag:s12], $0xFA0  }
0x25: {  	[sflag:s12] =	ssyncset.done @p1 $0x0  }
0x26: {  	[sflag:s12] =	ssyncadd.s32 @p1 $0xFFFFF060;
	s12 =	simm.s32 @p1 $0xC  }
0x27: {  	_ =	swait.ge @p1 [sflag:s12], $0x3E8  }
0x28: {  	[sflag:s12] =	ssyncset.done @p1 $0x0  }
0x29: {  	[sflag:s12] =	ssyncadd.s32 @p1 $0xFFFFFC18;
	s12 =	simm.s32 @p1 $0x8  }
0x2a: {  	_ =	swait.ge @p1 [sflag:s12], $0xFA0  }
0x2b: {  	[sflag:s12] =	ssyncset.done @p1 $0x0  }
0x2c: {  	[sflag:s12] =	ssyncadd.s32 @p1 $0xFFFFF060;
	s12 =	simm.s32 @p1 $0xD  }
0x2d: {  	_ =	swait.ge @p1 [sflag:s12], $0x3E8  }
0x2e: {  	[sflag:s12] =	ssyncset.done @p1 $0x0  }
0x2f: {  	[sflag:s12] =	ssyncadd.s32 @p1 $0xFFFFFC18;
	s12 =	simm.s32 @p1 $0x9  }
0x30: {  	_ =	swait.ge @p1 [sflag:s12], $0xFA0  }
0x31: {  	[sflag:s12] =	ssyncset.done @p1 $0x0  }
0x32: {  	[sflag:s12] =	ssyncadd.s32 @p1 $0xFFFFF060;
	s12 =	simm.s32 @p1 $0xA  }
0x33: {  	_ =	swait.ge @p1 [sflag:s12], $0xFA0  }
0x34: {  	[sflag:s12] =	ssyncset.done @p1 $0x0  }
0x35: {  	[sflag:s12] =	ssyncadd.s32 @p1 $0xFFFFF060;
	s12 =	simm.s32 @!p1 $0x7  }
0x36: {  	_ =	swait.ge @!p1 [sflag:s12], $0xFA0  }
0x37: {  	[sflag:s12] =	ssyncset.done @!p1 $0x0  }
0x38: {  	[sflag:s12] =	ssyncadd.s32 @!p1 $0xFFFFF060;
	s12 =	simm.s32 @!p1 $0x8  }
0x39: {  	_ =	swait.ge @!p1 [sflag:s12], $0xFA0  }
0x3a: {  	[sflag:s12] =	ssyncset.done @!p1 $0x0  }
0x3b: {  	[sflag:s12] =	ssyncadd.s32 @!p1 $0xFFFFF060;
	s12 =	simm.s32 @!p1 $0x9  }
0x3c: {  	_ =	swait.ge @!p1 [sflag:s12], $0xFA0  }
0x3d: {  	[sflag:s12] =	ssyncset.done @!p1 $0x0  }
0x3e: {  	[sflag:s12] =	ssyncadd.s32 @!p1 $0xFFFFF060;
	s12 =	simm.s32 @!p1 $0xE  }
0x3f: {  	_ =	swait.ge @!p1 [sflag:s12], $0x3E8  }
0x40: {  	[sflag:s12] =	ssyncset.done @!p1 $0x0  }
0x41: {  	[sflag:s12] =	ssyncadd.s32 @!p1 $0xFFFFFC18;
	s12 =	simm.s32 @!p1 $0xA  }
0x42: {  	_ =	swait.ge @!p1 [sflag:s12], $0xFA0  }
0x43: {  	[sflag:s12] =	ssyncset.done @!p1 $0x0  }
0x44: {  	[sflag:s12] =	ssyncadd.s32 @!p1 $0xFFFFF060;
	s12 =	simm.s32 @!p1 $0xF  }
0x45: {  	_ =	swait.ge @!p1 [sflag:s12], $0x3E8  }
0x46: {  	[sflag:s12] =	ssyncset.done @!p1 $0x0  }
0x47: {  	[sflag:s12] =	ssyncadd.s32 @!p1 $0xFFFFFC18  }
0x48: {  	[bflag:$0x0] =	sbarrier.arrive $0xFFFF  }
0x49: {  	[tilespmem:s25], [sflag:$0x11] =	stream.linear.gather [spmem:s11], $0x1000, $0x38;
	[tilespmem:$0x17A08] =	vst v63  }
0x4a: {  	_ =	swait.ge [sflag:s26], $0x1000  }
0x4b: {  	[sflag:s26] =	ssyncset.done $0x0  }
0x4c: {  	s14 =	rddreg [dreg:$0xd];
	[sflag:s26] =	ssyncadd.s32 $0xFFFFF000  }
0x4d: {  	[hbm4b:s14+s5] =	stream.linear.scatter [tilespmem:s25], [sflag:$0x11], $0x1000, $0x38;
	[tilespmem:$0x17A08] =	vst v63  }
0x4e: {  	_ =	swait.ge [sflag:s26], $0x1000  }
0x4f: {  	[sflag:s26] =	ssyncset.done $0x0  }
0x50: {  	[sflag:s26] =	ssyncadd.s32 $0xFFFFF000  }
0x51: {  	[tilespmem:s25], [sflag:$0x11] =	stream.linear.gather [spmem:s28], $0x1000, $0x38;
	[tilespmem:$0x17A08] =	vst v63  }
0x52: {  	_ =	swait.ge [sflag:s26], $0x1000  }
0x53: {  	[sflag:s26] =	ssyncset.done $0x0  }
0x54: {  	s16 =	rddreg [dreg:$0xe];
	[sflag:s26] =	ssyncadd.s32 $0xFFFFF000  }
0x55: {  	[hbm4b:s16+s5] =	stream.linear.scatter [tilespmem:s25], [sflag:$0x11], $0x1000, $0x38;
	[tilespmem:$0x17A08] =	vst v63  }
0x56: {  	_ =	swait.ge [sflag:s26], $0x1000  }
0x57: {  	[sflag:s26] =	ssyncset.done $0x0  }
0x58: {  	s14 =	rddreg [dreg:$0x9];
	[sflag:s26] =	ssyncadd.s32 $0xFFFFF000  }
0x59: {  	[tilespmem:s25], [sflag:$0x11] =	stream.linear.gather [spmem:s14], $0x1000, $0x38;
	[tilespmem:$0x17A08] =	vst v63  }
0x5a: {  	_ =	swait.ge [sflag:s26], $0x1000  }
0x5b: {  	[sflag:s26] =	ssyncset.done $0x0  }
0x5c: {  	s18 =	rddreg [dreg:$0xf];
	[sflag:s26] =	ssyncadd.s32 $0xFFFFF000  }
0x5d: {  	[hbm4b:s18+s5] =	stream.linear.scatter [tilespmem:s25], [sflag:$0x11], $0x1000, $0x38;
	[tilespmem:$0x17A08] =	vst v63  }
0x5e: {  	_ =	swait.ge [sflag:s26], $0x1000  }
0x5f: {  	[sflag:s26] =	ssyncset.done $0x0  }
0x60: {  	s16 =	rddreg [dreg:$0xa];
	[sflag:s26] =	ssyncadd.s32 $0xFFFFF000  }
0x61: {  	[tilespmem:s25], [sflag:$0x11] =	stream.linear.gather [spmem:s16], $0x1000, $0x38;
	[tilespmem:$0x17A08] =	vst v63  }
0x62: {  	_ =	swait.ge [sflag:s26], $0x1000  }
0x63: {  	[sflag:s26] =	ssyncset.done $0x0  }
0x64: {  	s21 =	rddreg [dreg:$0x10];
	[sflag:s26] =	ssyncadd.s32 $0xFFFFF000  }
0x65: {  	[hbm4b:s21+s5] =	stream.linear.scatter [tilespmem:s25], [sflag:$0x11], $0x1000, $0x38;
	[tilespmem:$0x17A08] =	vst v63  }
0x66: {  	_ =	swait.ge [sflag:s26], $0x1000  }
0x67: {  	[sflag:s26] =	ssyncset.done $0x0  }
0x68: {  	s18 =	rddreg [dreg:$0xb];
	[sflag:s26] =	ssyncadd.s32 $0xFFFFF000  }
0x69: {  	[tilespmem:s25], [sflag:$0x11] =	stream.linear.gather [spmem:s18], $0x1000, $0x38;
	[tilespmem:$0x17A08] =	vst v63  }
0x6a: {  	_ =	swait.ge [sflag:s26], $0x1000  }
0x6b: {  	[sflag:s26] =	ssyncset.done $0x0  }
0x6c: {  	s22 =	rddreg [dreg:$0x11];
	[sflag:s26] =	ssyncadd.s32 $0xFFFFF000  }
0x6d: {  	[hbm4b:s22+s5] =	stream.linear.scatter [tilespmem:s25], [sflag:$0x11], $0x1000, $0x38;
	[tilespmem:$0x17A08] =	vst v63  }
0x6e: {  	_ =	swait.ge [sflag:s26], $0x1000  }
0x6f: {  	[sflag:s26] =	ssyncset.done $0x0  }
0x70: {  	s22 =	simm.s32 $0x10208;
	s21 =	rddreg [dreg:$0xc];
	[sflag:s26] =	ssyncadd.s32 $0xFFFFF000  }
0x71: {  	[tilespmem:s22], [sflag:$0x11] =	stream.linear.gather [spmem:s21], $0x1400, $0x38;
	[tilespmem:$0x17A08] =	vst v63  }
0x72: {  	_ =	swait.ge [sflag:s26], $0x1400  }
0x73: {  	[sflag:s26] =	ssyncset.done $0x0  }
0x74: {  	s23 =	rddreg [dreg:$0x12];
	[sflag:s26] =	ssyncadd.s32 $0xFFFFEC00  }
0x75: {  	[hbm4b:s23+s5] =	stream.linear.scatter [tilespmem:s22], [sflag:$0x11], $0x1400, $0x38;
	[tilespmem:$0x17A08] =	vst v63  }
0x76: {  	_ =	swait.ge [sflag:s26], $0x1400  }
0x77: {  	s13 =	smov.u32 s28;
	s20 =	sadd.s32 $0x1, s20;
	s28 =	rddreg [dreg:$0x13]  }
0x78: {  	p2 =	sne.s32 s20, s28  }
.Ltmp1:
0x79: {  	_ = 	snop;
	(pc) =	sbr.rel @!p2 .LBB2_5-.Ltmp1, $3  }
0x7a: {  	_ =	sdelay $0x1  }
0x7b: {  	[sflag:s26] =	ssyncset.done $0x0  }
0x7c: {  	s15 =	smov.u32 s11;
	[sflag:s26] =	ssyncadd.s32 $0xFFFFEC00  }
.LBB2_1:
0x7d: {  	s12 =	rddreg [dreg:$0x7]  }
0x7e: {  	[tilespmem:s5], [sflag:$0x10] =	stream.linear.gather [hbm4b:s12+s5], $0x5000, $0x38;
	[tilespmem:$0x17A08] =	vst v63  }
0x7f: {  	s23 =	rddreg [dreg:$0x8];
	s11 =	simm.s32 $0x5000  }
0x80: {  	[tilespmem:s11], [sflag:$0x10] =	stream.linear.gather [hbm4b:s23+s5], $0x5000, $0x38;
	[tilespmem:$0x17A08] =	vst v63  }
0x81: {  	s11 =	rddreg [dreg:$0x5]  }
0x82: {  	[tilespmem:s25], [sflag:$0x11] =	stream.linear.gather [hbm4b:s11+s5], $0x1000, $0x38;
	[tilespmem:$0x17A08] =	vst v63  }
0x83: {  	_ =	swait.ge [sflag:s26], $0x1000  }
0x84: {  	[sflag:s26] =	ssyncset.done $0x0  }
0x85: {  	[sflag:s26] =	ssyncadd.s32 $0xFFFFF000  }
0x86: {  	[spmem:s15] =	stream.linear.scatter [tilespmem:s25], [sflag:$0x11], $0x1000, $0x38;
	[tilespmem:$0x17A08] =	vst v63  }
0x87: {  	_ =	swait.ge [sflag:s26], $0x1000  }
0x88: {  	[sflag:s26] =	ssyncset.done $0x0  }
0x89: {  	[sflag:s26] =	ssyncadd.s32 $0xFFFFF000  }
0x8a: {  	[spmem:s13] =	stream.linear.scatter [tilespmem:s25], [sflag:$0x11], $0x1000, $0x38;
	[tilespmem:$0x17A08] =	vst v63  }
0x8b: {  	_ =	swait.ge [sflag:s26], $0x1000  }
0x8c: {  	[sflag:s26] =	ssyncset.done $0x0  }
0x8d: {  	[sflag:s26] =	ssyncadd.s32 $0xFFFFF000  }
0x8e: {  	[spmem:s14] =	stream.linear.scatter [tilespmem:s25], [sflag:$0x11], $0x1000, $0x38;
	[tilespmem:$0x17A08] =	vst v63  }
0x8f: {  	_ =	swait.ge [sflag:s26], $0x1000  }
0x90: {  	[sflag:s26] =	ssyncset.done $0x0  }
0x91: {  	[sflag:s26] =	ssyncadd.s32 $0xFFFFF000  }
0x92: {  	[spmem:s16] =	stream.linear.scatter [tilespmem:s25], [sflag:$0x11], $0x1000, $0x38;
	[tilespmem:$0x17A08] =	vst v63  }
0x93: {  	_ =	swait.ge [sflag:s26], $0x1000  }
0x94: {  	[sflag:s26] =	ssyncset.done $0x0  }
0x95: {  	[sflag:s26] =	ssyncadd.s32 $0xFFFFF000  }
0x96: {  	[spmem:s18] =	stream.linear.scatter [tilespmem:s25], [sflag:$0x11], $0x1000, $0x38;
	[tilespmem:$0x17A08] =	vst v63  }
0x97: {  	_ =	swait.ge [sflag:s26], $0x1000  }
0x98: {  	[sflag:s26] =	ssyncset.done $0x0  }
0x99: {  	[sflag:s26] =	ssyncadd.s32 $0xFFFFF000  }
0x9a: {  	s14 =	rddreg [dreg:$0x1]  }
0x9b: {  	[tilespmem:s22], [sflag:$0x11] =	stream.linear.gather [hbm4b:s14+s5], $0x1400, $0x38;
	[tilespmem:$0x17A08] =	vst v63  }
0x9c: {  	_ =	swait.ge [sflag:s26], $0x1400  }
0x9d: {  	[sflag:s26] =	ssyncset.done $0x0  }
0x9e: {  	[sflag:s26] =	ssyncadd.s32 $0xFFFFEC00  }
0x9f: {  	[spmem:s21] =	stream.linear.scatter [tilespmem:s22], [sflag:$0x11], $0x1400, $0x38;
	[tilespmem:$0x17A08] =	vst v63  }
0xa0: {  	_ =	swait.ge [sflag:s26], $0x1400  }
0xa1: {  	s11 =	smov.u32 s15;
	[sflag:s26] =	ssyncset.done $0x0  }
0xa2: {  	s16 =	simm.s32 $0xEE20;
	s15 =	rddreg [dreg:$0x6];
	[sflag:s26] =	ssyncadd.s32 $0xFFFFEC00  }
0xa3: {  	[tilespmem:s16], [sflag:$0x11] =	stream.linear.gather [hbm4b:s15+s5], $0x3E8, $0x38;
	[tilespmem:$0x17A08] =	vst v63  }
0xa4: {  	_ =	swait.ge [sflag:s26], $0x3E8  }
0xa5: {  	[sflag:s26] =	ssyncset.done $0x0  }
0xa6: {  	[sflag:s26] =	ssyncadd.s32 $0xFFFFFC18  }
0xa7: {  	_ =	swait.ge [sflag:s30], $0x5000  }
0xa8: {  	[sflag:s30] =	ssyncset.done $0x0  }
0xa9: {  	[sflag:s30] =	ssyncadd.s32 $0xFFFFB000  }
0xaa: {  	_ =	swait.ge [sflag:s30], $0x5000  }
0xab: {  	[sflag:s30] =	ssyncset.done $0x0  }
0xac: {  	[sflag:s30] =	ssyncadd.s32 $0xFFFFB000  }
0xad: {  	[tilespmem:s2], [sflag:$0x1] =	stream.indirect.gather [hbm4b:s6+s31], $0x20, s5, s31, $0xb8;
	[tilespmem:$0x17A08] =	vst v63  }
0xae: {  	s18 =	simm.s32 $0x80  }
0xaf: {  	[tilespmem:s1], [sflag:$0x2] =	stream.indirect.gather [hbm4b:s6+s31], $0x20, s18, s31, $0xb8;
	[tilespmem:$0x17A08] =	vst v63  }
0xb0: {  	s21 =	simm.s32 $0x100  }
0xb1: {  	[tilespmem:s29], [sflag:$0x3] =	stream.indirect.gather [hbm4b:s6+s31], $0x20, s21, s31, $0xb8;
	[tilespmem:$0x17A08] =	vst v63  }
0xb2: {  	s22 =	simm.s32 $0x180  }
0xb3: {  	[tilespmem:s24], [sflag:$0x4] =	stream.indirect.gather [hbm4b:s6+s31], $0x20, s22, s31, $0xb8;
	[tilespmem:$0x17A08] =	vst v63  }
0xb4: {  	s23 =	simm.s32 $0x200  }
0xb5: {  	[tilespmem:s0], [sflag:$0x5] =	stream.indirect.gather [hbm4b:s6+s31], $0x20, s23, s31, $0xb8;
	[tilespmem:$0x17A08] =	vst v63  }
0xb6: {  	s28 =	smov.u32 s13;
	s21 =	simm.s32 $0x0;
	[bflag:$0x0] =	sbarrier.arrive $0xFFFF  }
.LBB2_2:
0xb7: {  	_ =	swait.ge [sflag:s7], $0xFA0;
	p2 =	seq.s32 @!p0 s21, $0x0  }
0xb8: {  	[sflag:s7] =	ssyncset.done $0x0;
	p3 =	por p2, p0  }
0xb9: {  	[sflag:s7] =	ssyncadd.s32 $0xFFFFF060;
	s22 =	simm.s32 @!p3 $0xB  }
0xba: {  	_ =	swait.ge @!p3 [sflag:s22], $0x3E8  }
0xbb: {  	s23 =	sshra.s32 @!p0 s21, $0x2;
	s18 =	simm.s32 @!p0 $0x7D;
	[sflag:s22] =	ssyncset.done @!p3 $0x0  }
0xbc: {  	s12 =	simm.s32 @!p0 $0xEE20;
	[sflag:s22] =	ssyncadd.s32 @!p3 $0xFFFFFC18;
	s22 =	sadd.s32 @!p0 $0x5000, s23  }
0xbd: {  	[spmem:s4] =	stream.indirect.scatter.add.f32 @!p0 [tilespmem:s12], [sflag:$0xB], $0x8, s22, s18, $0xb8;
	[tilespmem:$0x17A08] =	vst v63  }
0xbe: {  	s22 =	sshra.s32 s21, $0x2  }
0xbf: {  	p2 =	seq.s32 s21, $0x13600;
	s13 =	sadd.s32 $0x5000, s22  }
0xc0: {  	[spmem:s3] =	stream.indirect.scatter.add.bf16 [tilespmem:s2], [sflag:$0x6], $0x20, s13, s31, $0xb8;
	[tilespmem:$0x17A08] =	vst v63  }
0xc1: {  	s13 =	simm.s32 @!p2 $0x6  }
0xc2: {  	_ =	swait.ge @!p2 [sflag:s13], $0xFA0  }
0xc3: {  	[sflag:s13] =	ssyncset.done @!p2 $0x0  }
0xc4: {  	[sflag:s13] =	ssyncadd.s32 @!p2 $0xFFFFF060;
	s13 =	sshra.s32 @!p2 s21, $0x2  }
0xc5: {  	s15 =	simm.s32 @!p2 $0x7D;
	s16 =	simm.s32 @!p2 $0xA000;
	s14 =	sadd.s32 @!p2 $0x280, s13  }
0xc6: {  	[tilespmem:s16], [sflag:$0x1] =	stream.indirect.gather @!p2 [hbm4b:s6+s15], $0x20, s14, s15, $0xb8;
	[tilespmem:$0x17A08] =	vst v63  }
0xc7: {  	_ =	swait.ge [sflag:s8], $0xFA0  }
0xc8: {  	[sflag:s8] =	ssyncset.done $0x0  }
0xc9: {  	s14 =	simm.s32 @!p3 $0xC;
	[sflag:s8] =	ssyncadd.s32 $0xFFFFF060  }
0xca: {  	_ =	swait.ge @!p3 [sflag:s14], $0x3E8  }
0xcb: {  	[sflag:s14] =	ssyncset.done @!p3 $0x0  }
0xcc: {  	[sflag:s14] =	ssyncadd.s32 @!p3 $0xFFFFFC18;
	s14 =	sadd.s32 @!p0 $0x5080, s23  }
0xcd: {  	[spmem:s4] =	stream.indirect.scatter.add.f32 @!p0 [tilespmem:s12], [sflag:$0xC], $0x8, s14, s18, $0xb8;
	[tilespmem:$0x17A08] =	vst v63  }
0xce: {  	s16 =	sadd.s32 $0x5080, s22;
	s14 =	simm.s32 @!p2 $0x7  }
0xcf: {  	[spmem:s3] =	stream.indirect.scatter.add.bf16 [tilespmem:s1], [sflag:$0x7], $0x20, s16, s31, $0xb8;
	[tilespmem:$0x17A08] =	vst v63  }
0xd0: {  	_ =	swait.ge @!p2 [sflag:s14], $0xFA0  }
0xd1: {  	[sflag:s14] =	ssyncset.done @!p2 $0x0  }
0xd2: {  	s16 =	simm.s32 @!p2 $0xAFA0;
	[sflag:s14] =	ssyncadd.s32 @!p2 $0xFFFFF060;
	s14 =	sadd.s32 @!p2 $0x300, s13  }
0xd3: {  	[tilespmem:s16], [sflag:$0x2] =	stream.indirect.gather @!p2 [hbm4b:s6+s15], $0x20, s14, s15, $0xb8;
	[tilespmem:$0x17A08] =	vst v63  }
0xd4: {  	_ =	swait.ge [sflag:s9], $0xFA0  }
0xd5: {  	[sflag:s9] =	ssyncset.done $0x0  }
0xd6: {  	s14 =	simm.s32 @!p3 $0xD;
	[sflag:s9] =	ssyncadd.s32 $0xFFFFF060  }
0xd7: {  	_ =	swait.ge @!p3 [sflag:s14], $0x3E8  }
0xd8: {  	[sflag:s14] =	ssyncset.done @!p3 $0x0  }
0xd9: {  	[sflag:s14] =	ssyncadd.s32 @!p3 $0xFFFFFC18;
	s14 =	sadd.s32 @!p0 $0x5100, s23  }
0xda: {  	[spmem:s4] =	stream.indirect.scatter.add.f32 @!p0 [tilespmem:s12], [sflag:$0xD], $0x8, s14, s18, $0xb8;
	[tilespmem:$0x17A08] =	vst v63  }
0xdb: {  	s18 =	sadd.s32 $0x5100, s22;
	s12 =	simm.s32 @!p2 $0x8  }
0xdc: {  	[spmem:s3] =	stream.indirect.scatter.add.bf16 [tilespmem:s29], [sflag:$0x8], $0x20, s18, s31, $0xb8;
	[tilespmem:$0x17A08] =	vst v63  }
0xdd: {  	_ =	swait.ge @!p2 [sflag:s12], $0xFA0  }
0xde: {  	[sflag:s12] =	ssyncset.done @!p2 $0x0  }
0xdf: {  	s14 =	simm.s32 @!p2 $0xBF40;
	[sflag:s12] =	ssyncadd.s32 @!p2 $0xFFFFF060;
	s12 =	sadd.s32 @!p2 $0x380, s13  }
0xe0: {  	[tilespmem:s14], [sflag:$0x3] =	stream.indirect.gather @!p2 [hbm4b:s6+s15], $0x20, s12, s15, $0xb8;
	[tilespmem:$0x17A08] =	vst v63  }
0xe1: {  	p3 =	seq.s32 @!p1 s21, $0x0;
	_ =	swait.ge [sflag:s10], $0xFA0  }
0xe2: {  	p3 =	por p3, p1;
	[sflag:s10] =	ssyncset.done $0x0  }
0xe3: {  	s12 =	simm.s32 @!p3 $0xE;
	[sflag:s10] =	ssyncadd.s32 $0xFFFFF060  }
0xe4: {  	_ =	swait.ge @!p3 [sflag:s12], $0x3E8  }
0xe5: {  	[sflag:s12] =	ssyncset.done @!p3 $0x0  }
0xe6: {  	[sflag:s12] =	ssyncadd.s32 @!p3 $0xFFFFFC18;
	s12 =	sshra.s32 @!p1 s21, $0x2  }
0xe7: {  	s16 =	simm.s32 @!p1 $0x7D;
	s18 =	simm.s32 @!p1 $0xEE20;
	s14 =	sadd.s32 @!p1 $0x5180, s12  }
0xe8: {  	[spmem:s4] =	stream.indirect.scatter.add.f32 @!p1 [tilespmem:s18], [sflag:$0xE], $0x8, s14, s16, $0xb8;
	[tilespmem:$0x17A08] =	vst v63  }
0xe9: {  	s23 =	sadd.s32 $0x5180, s22;
	s14 =	simm.s32 @!p2 $0x9  }
0xea: {  	[spmem:s3] =	stream.indirect.scatter.add.bf16 [tilespmem:s24], [sflag:$0x9], $0x20, s23, s31, $0xb8;
	[tilespmem:$0x17A08] =	vst v63  }
0xeb: {  	_ =	swait.ge @!p2 [sflag:s14], $0xFA0  }
0xec: {  	[sflag:s14] =	ssyncset.done @!p2 $0x0  }
0xed: {  	s13 =	sadd.s32 @!p2 $0x400, s13;
	[sflag:s14] =	ssyncadd.s32 @!p2 $0xFFFFF060;
	s14 =	simm.s32 @!p2 $0xCEE0  }
0xee: {  	[tilespmem:s14], [sflag:$0x4] =	stream.indirect.gather @!p2 [hbm4b:s6+s15], $0x20, s13, s15, $0xb8;
	[tilespmem:$0x17A08] =	vst v63  }
0xef: {  	_ =	swait.ge [sflag:s17], $0xFA0  }
0xf0: {  	[sflag:s17] =	ssyncset.done $0x0  }
0xf1: {  	s13 =	simm.s32 @!p3 $0xF;
	[sflag:s17] =	ssyncadd.s32 $0xFFFFF060  }
0xf2: {  	_ =	swait.ge @!p3 [sflag:s13], $0x3E8  }
.Ltmp2:
0xf3: {  	[sflag:s13] =	ssyncset.done @!p3 $0x0;
	(pc) =	sbr.rel @p2 .LBB2_4-.Ltmp2, $4  }
0xf4: {  	s12 =	sadd.s32 @!p1 $0x5200, s12;
	[sflag:s13] =	ssyncadd.s32 @!p3 $0xFFFFFC18  }
0xf5: {  	[spmem:s4] =	stream.indirect.scatter.add.f32 @!p1 [tilespmem:s18], [sflag:$0xF], $0x8, s12, s16, $0xb8;
	[tilespmem:$0x17A08] =	vst v63  }
0xf6: {  	s23 =	sadd.s32 $0x5200, s22  }
0xf7: {  	[spmem:s3] =	stream.indirect.scatter.add.bf16 [tilespmem:s0], [sflag:$0xA], $0x20, s23, s31, $0xb8;
	[tilespmem:$0x17A08] =	vst v63  }
.Ltmp3:
0xf8: {  	(pc) =	sbr.rel .LBB2_2-.Ltmp3, $4  }
0xf9: {  	_ =	swait.ge [sflag:s19], $0xFA0  }
0xfa: {  	[sflag:s19] =	ssyncset.done $0x0  }
0xfb: {  	s12 =	sadd.s32 $0x480, s22;
	s21 =	sadd.s32 $0xA00, s21;
	[sflag:s19] =	ssyncadd.s32 $0xFFFFF060  }
0xfc: {  	[tilespmem:s0], [sflag:$0x5] =	stream.indirect.gather [hbm4b:s6+s31], $0x20, s12, s31, $0xb8;
	[tilespmem:$0x17A08] =	vst v63  }
.LBB2_5:
0xfd: {  	_ =	sfence.sel $0x180000  }
0xfe: {  	[bflag:$0x0] =	sbarrier.arrive $0xFFFF  }
0xff: {  	_ =	strace $0x90000047  }
0x100: {  	s0 =	stileid.u32;
	[bflag:$0x2] =	sbarrier.arrive $0xFFFF  }
0x101: {  	p0 =	sne.s32 s0, $0x0;
	s0 =	rddreg [dreg:$0x4]  }
0x102: {  	s0 =	sadd.s32 @!p0 $0x100000, s0  }
0x103: {  	[sflag:s0] =	ssyncadd.tile.s32 @!p0 $0x1;
	_ =	shalt  }
.Lfunc_end2:
_tile_overlayer_lowered:
.L_overlay_start_2:
0x104: {  	(tag) =	ssettag $0x2  }
0x105: {  	s0 =	rddreg [dreg:$0x0];
	s2 =	stileid.u32  }
0x106: {  	s1 =	rddreg [dreg:$0x1];
	p0 =	sne.s32 s2, $0x0  }
0x107: {  	s3 =	rddreg [dreg:$0x2];
	[bflag:$0x3] =	sbarrier.arrive $0xFFFF;
	s2 =	simm.s32 @!p0 $0x1C11  }
0x108: {  	[timem:s3], [sflag:s2] =	dma.local @!p0 [hbm:s0], s1  }
0x109: {  	s0 =	simm.s32 @!p0 $0x11  }
0x10a: {  	_ =	swait.ge @!p0 [sflag:s0], s1  }
0x10b: {  	s1 =	ssub.s32 @!p0 $0x0, s1;
	[sflag:s0] =	ssyncset.done @!p0 $0x0  }
0x10c: {  	[sflag:s0] =	ssyncadd.s32 @!p0 s1  }
0x10d: {  	[bflag:$0x3] =	sbarrier.arrive $0xFFFF  }
0x10e: {  	_ =	shalt  }

</sc_bundles>
